<compile_context>
chip_gen: v7x
topology: tpu7x:2x2x1
jax: 0.10.2.dev20260603
libtpu: 0.0.44.dev20260713+nightly
codegen_flags: <defaults>
</compile_context>

<pallas_src>
import jax
import jax.numpy as jnp
from jax import lax
from jax.experimental import pallas as pl
from jax.experimental.pallas import tpu as pltpu
from jax.experimental.pallas import tpu_sc as plsc

SC_ROWS = 4096
TC_BLOCK_ROWS = 512

NUM_CORES = 2
NUM_SUBCORES = 16
NUM_WORKERS = NUM_CORES * NUM_SUBCORES
LANES = 16
CHUNK_ROWS = 4
UNROLL = 4

LN2 = 0.6931471805599453
_Q_HI2LO = (
    -0.07915036575312574,
    0.3122142661721608,
    -0.6695152104236199,
    0.4360980844701042,
    -126.99979584108635,
)


def _kl16(t, x):
    bits = plsc.bitcast(t, jnp.int32)
    s = bits.astype(jnp.float32) * jnp.float32(2.0**-23)
    f = s - (bits >> 23).astype(jnp.float32)
    q = jnp.float32(_Q_HI2LO[0])
    for c in _Q_HI2LO[1:]:
        q = q * f + jnp.float32(c)
    ln_t = (s + q) * jnp.float32(LN2)
    return t * (ln_t - x)


def _make_sc_call(cols):
    rows_per_worker = SC_ROWS // NUM_WORKERS
    n_chunks = rows_per_worker // CHUNK_ROWS
    vecs_per_row = cols // (LANES * UNROLL)

    def body(x_hbm, t_hbm, out_hbm, xb, tb, acc_ref, sx0, sx1, st0, st1):
        wid = lax.axis_index("s") * NUM_CORES + lax.axis_index("c")
        base_row = wid * rows_per_worker

        def start(c, slot, sx, st):
            r = base_row + c * CHUNK_ROWS
            pltpu.async_copy(
                x_hbm.at[pl.ds(r, CHUNK_ROWS)],
                xb.at[pl.ds(slot * CHUNK_ROWS, CHUNK_ROWS)],
                sx,
            )
            pltpu.async_copy(
                t_hbm.at[pl.ds(r, CHUNK_ROWS)],
                tb.at[pl.ds(slot * CHUNK_ROWS, CHUNK_ROWS)],
                st,
            )

        def wait(c, slot, sx, st):
            r = base_row + c * CHUNK_ROWS
            pltpu.make_async_copy(
                x_hbm.at[pl.ds(r, CHUNK_ROWS)],
                xb.at[pl.ds(slot * CHUNK_ROWS, CHUNK_ROWS)],
                sx,
            ).wait()
            pltpu.make_async_copy(
                t_hbm.at[pl.ds(r, CHUNK_ROWS)],
                tb.at[pl.ds(slot * CHUNK_ROWS, CHUNK_ROWS)],
                st,
            ).wait()

        def compute(slot, acc):
            for rr in range(CHUNK_ROWS):
                row = slot * CHUNK_ROWS + rr

                def vbody(v, a, row=row):
                    o = v * (LANES * UNROLL)
                    for u in range(UNROLL):
                        tt = tb[row, pl.ds(o + u * LANES, LANES)]
                        xx = xb[row, pl.ds(o + u * LANES, LANES)]
                        a = a + _kl16(tt, xx)
                    return a

                acc = lax.fori_loop(0, vecs_per_row, vbody, acc)
            return acc

        start(0, 0, sx0, st0)
        start(1, 1, sx1, st1)

        def pair_body(p, acc):
            c0 = p * 2
            wait(c0, 0, sx0, st0)
            acc = compute(0, acc)

            @pl.when(c0 + 2 < n_chunks)
            def _():
                start(c0 + 2, 0, sx0, st0)

            wait(c0 + 1, 1, sx1, st1)
            acc = compute(1, acc)

            @pl.when(c0 + 3 < n_chunks)
            def _():
                start(c0 + 3, 1, sx1, st1)

            return acc

        acc = lax.fori_loop(
            0, n_chunks // 2, pair_body, jnp.zeros((LANES,), jnp.float32)
        )
        acc_ref[...] = acc
        pltpu.sync_copy(acc_ref, out_hbm.at[wid])

    return pl.kernel(
        body,
        out_type=jax.ShapeDtypeStruct((NUM_WORKERS, LANES), jnp.float32),
        mesh=plsc.VectorSubcoreMesh(core_axis_name="c", subcore_axis_name="s"),
        compiler_params=pltpu.CompilerParams(needs_layout_passes=False),
        scratch_types=[
            pltpu.VMEM((2 * CHUNK_ROWS, cols), jnp.float32),
            pltpu.VMEM((2 * CHUNK_ROWS, cols), jnp.float32),
            pltpu.VMEM((LANES,), jnp.float32),
            pltpu.SemaphoreType.DMA,
            pltpu.SemaphoreType.DMA,
            pltpu.SemaphoreType.DMA,
            pltpu.SemaphoreType.DMA,
        ],
    )


def _tc_kl_sum_kernel(x_ref, t_ref, o_ref):
    i = pl.program_id(0)
    t = t_ref[...]
    x = x_ref[...]
    safe_t = jnp.where(t > 0, t, 1.0)
    kl = t * jnp.log(safe_t) - t * x
    s = jnp.sum(kl)

    @pl.when(i == 0)
    def _init():
        o_ref[0, 0] = 0.0

    o_ref[0, 0] += s


def kernel(inputs, targets):
    rows, cols = inputs.shape
    tc_rows = rows - SC_ROWS
    grid = tc_rows // TC_BLOCK_ROWS
    row_off = SC_ROWS // TC_BLOCK_ROWS

    tc_sum = pl.pallas_call(
        _tc_kl_sum_kernel,
        grid=(grid,),
        in_specs=[
            pl.BlockSpec((TC_BLOCK_ROWS, cols), lambda i: (i + row_off, 0)),
            pl.BlockSpec((TC_BLOCK_ROWS, cols), lambda i: (i + row_off, 0)),
        ],
        out_specs=pl.BlockSpec((1, 1), lambda i: (0, 0), memory_space=pltpu.SMEM),
        out_shape=jax.ShapeDtypeStruct((1, 1), jnp.float32),
        compiler_params=pltpu.CompilerParams(
            dimension_semantics=("arbitrary",),
        ),
    )(inputs, targets)

    sc_partials = _make_sc_call(cols)(inputs, targets)

    total = tc_sum[0, 0] + jnp.sum(sc_partials)
    return (total / (rows * cols)).astype(jnp.float32)

# --- scband reference (transcript-rebuilt; emitter-appended) ---
"""Pipeline reference for scband-pwclustering-loss-17540646437122 (READ-ONLY COPY).

The authoritative reference and input builder live on the scoring server;
editing this copy changes nothing except your own understanding.
"""

import jax, jax.numpy as jnp
import numpy as np


def setup_inputs(seed: int = 0) -> dict:
    key = jax.random.key(seed)
    k1, k2 = jax.random.split(key)
    # inputs are treated as log-probabilities by nn.KLDivLoss
    inputs = jax.random.normal(k1, (16384, 4096), dtype=jnp.float32)
    # targets are probabilities (non-negative)
    targets = jax.random.uniform(k2, (16384, 4096), dtype=jnp.float32)
    return {"inputs": inputs, "targets": targets}


def reference(inputs, targets):
    # PWClusteringLoss.forward with edges=None, labels=None:
    #   loss = KLDivLoss(reduction='none')(inputs, targets).mean()
    # torch KLDivLoss pointwise: target * (log(target) - input),
    # with target*log(target) := 0 when target == 0 (xlogy semantics).
    kl = jax.scipy.special.xlogy(targets, targets) - targets * inputs
    return jnp.mean(kl)

if __name__ == "__main__":
    import jax
    _d = setup_inputs()
    print(jax.jit(kernel)(*tuple(_d.values())))

</pallas_src>

<mosaic_0001>
#map = affine_map<(d0, d1) -> (0, 0)>
module attributes {stable_mosaic.version = 14 : i64} {
  func.func @body(%arg0: i32, %arg1: i32, %arg2: memref<16384x4096xf32, #tpu.memory_space<hbm>>, %arg3: memref<16384x4096xf32, #tpu.memory_space<hbm>>, %arg4: memref<32x16xf32, #tpu.memory_space<hbm>>, %arg5: memref<8x4096xf32, #tpu.memory_space<vmem>>, %arg6: memref<8x4096xf32, #tpu.memory_space<vmem>>, %arg7: memref<16xf32, #tpu.memory_space<vmem>>, %arg8: memref<!tpu.dma_semaphore, #tpu.memory_space<semaphore_mem>>, %arg9: memref<!tpu.dma_semaphore, #tpu.memory_space<semaphore_mem>>, %arg10: memref<!tpu.dma_semaphore, #tpu.memory_space<semaphore_mem>>, %arg11: memref<!tpu.dma_semaphore, #tpu.memory_space<semaphore_mem>>) attributes {dimension_semantics = [#tpu.dimension_semantics<core_parallel>, #tpu.dimension_semantics<subcore_parallel>], iteration_bounds = array<i64: 2, 16>, scalar_prefetch = 0 : i64, scratch_operands = 7 : i64, tpu.core_type = #tpu.core_type<sc_vector_subcore>, window_params = [{transform_indices = #map}, {transform_indices = #map}, {transform_indices = #map}]} {
    %mul3A = arith.constant 2 : i32
    %mul3A_0 = arith.muli %arg1, %mul3A : i32
    %add3A = arith.addi %mul3A_0, %arg0 : i32
    %mul3A_1 = arith.constant 128 : i32
    %mul3A_2 = arith.muli %add3A, %mul3A_1 : i32
    %add3A_3 = arith.constant 0 : i32
    %add3A_4 = arith.addi %mul3A_2, %add3A_3 : i32
    %dma_start3A = arith.constant 0 : i32
    %dma_start3A_5 = arith.constant 0 : i32
    %dma_start3A_6 = tpu.memref_slice %arg5[%dma_start3A, %dma_start3A_5] : memref<8x4096xf32, #tpu.memory_space<vmem>> -> memref<4x4096xf32, #tpu.memory_space<vmem>>
    %dma_start3A_7 = arith.constant 0 : i32
    %dma_start3A_8 = tpu.memref_slice %arg2[%add3A_4, %dma_start3A_7] : memref<16384x4096xf32, #tpu.memory_space<hbm>> -> memref<4x4096xf32, #tpu.memory_space<hbm>>
    %dma_start3A_9 = arith.constant 0 : i32
    %dma_start3A_10 = arith.constant 0 : i32
    %dma_start3A_11 = tpu.memref_slice %arg5[%dma_start3A_9, %dma_start3A_10] : memref<8x4096xf32, #tpu.memory_space<vmem>> -> memref<4x4096xf32, #tpu.memory_space<vmem>>
    %dma_start3A_12 = arith.constant 0 : i32
    %dma_start3A_13 = tpu.memref_slice %arg2[%add3A_4, %dma_start3A_12] : memref<16384x4096xf32, #tpu.memory_space<hbm>> -> memref<4x4096xf32, #tpu.memory_space<hbm>>
    tpu.enqueue_dma source(%dma_start3A_13 : memref<4x4096xf32, #tpu.memory_space<hbm>>) target(%dma_start3A_11 : memref<4x4096xf32, #tpu.memory_space<vmem>>) target_semaphore(%arg8 : memref<!tpu.dma_semaphore, #tpu.memory_space<semaphore_mem>>)
    %dma_start3A_14 = arith.constant 0 : i32
    %dma_start3A_15 = arith.constant 0 : i32
    %dma_start3A_16 = tpu.memref_slice %arg6[%dma_start3A_14, %dma_start3A_15] : memref<8x4096xf32, #tpu.memory_space<vmem>> -> memref<4x4096xf32, #tpu.memory_space<vmem>>
    %dma_start3A_17 = arith.constant 0 : i32
    %dma_start3A_18 = tpu.memref_slice %arg3[%add3A_4, %dma_start3A_17] : memref<16384x4096xf32, #tpu.memory_space<hbm>> -> memref<4x4096xf32, #tpu.memory_space<hbm>>
    %dma_start3A_19 = arith.constant 0 : i32
    %dma_start3A_20 = arith.constant 0 : i32
    %dma_start3A_21 = tpu.memref_slice %arg6[%dma_start3A_19, %dma_start3A_20] : memref<8x4096xf32, #tpu.memory_space<vmem>> -> memref<4x4096xf32, #tpu.memory_space<vmem>>
    %dma_start3A_22 = arith.constant 0 : i32
    %dma_start3A_23 = tpu.memref_slice %arg3[%add3A_4, %dma_start3A_22] : memref<16384x4096xf32, #tpu.memory_space<hbm>> -> memref<4x4096xf32, #tpu.memory_space<hbm>>
    tpu.enqueue_dma source(%dma_start3A_23 : memref<4x4096xf32, #tpu.memory_space<hbm>>) target(%dma_start3A_21 : memref<4x4096xf32, #tpu.memory_space<vmem>>) target_semaphore(%arg10 : memref<!tpu.dma_semaphore, #tpu.memory_space<semaphore_mem>>)
    %add3A_24 = arith.constant 4 : i32
    %add3A_25 = arith.addi %mul3A_2, %add3A_24 : i32
    %dma_start3A_26 = arith.constant 4 : i32
    %dma_start3A_27 = arith.constant 0 : i32
    %dma_start3A_28 = tpu.memref_slice %arg5[%dma_start3A_26, %dma_start3A_27] : memref<8x4096xf32, #tpu.memory_space<vmem>> -> memref<4x4096xf32, #tpu.memory_space<vmem>>
    %dma_start3A_29 = arith.constant 0 : i32
    %dma_start3A_30 = tpu.memref_slice %arg2[%add3A_25, %dma_start3A_29] : memref<16384x4096xf32, #tpu.memory_space<hbm>> -> memref<4x4096xf32, #tpu.memory_space<hbm>>
    %dma_start3A_31 = arith.constant 4 : i32
    %dma_start3A_32 = arith.constant 0 : i32
    %dma_start3A_33 = tpu.memref_slice %arg5[%dma_start3A_31, %dma_start3A_32] : memref<8x4096xf32, #tpu.memory_space<vmem>> -> memref<4x4096xf32, #tpu.memory_space<vmem>>
    %dma_start3A_34 = arith.constant 0 : i32
    %dma_start3A_35 = tpu.memref_slice %arg2[%add3A_25, %dma_start3A_34] : memref<16384x4096xf32, #tpu.memory_space<hbm>> -> memref<4x4096xf32, #tpu.memory_space<hbm>>
    tpu.enqueue_dma source(%dma_start3A_35 : memref<4x4096xf32, #tpu.memory_space<hbm>>) target(%dma_start3A_33 : memref<4x4096xf32, #tpu.memory_space<vmem>>) target_semaphore(%arg9 : memref<!tpu.dma_semaphore, #tpu.memory_space<semaphore_mem>>)
    %dma_start3A_36 = arith.constant 4 : i32
    %dma_start3A_37 = arith.constant 0 : i32
    %dma_start3A_38 = tpu.memref_slice %arg6[%dma_start3A_36, %dma_start3A_37] : memref<8x4096xf32, #tpu.memory_space<vmem>> -> memref<4x4096xf32, #tpu.memory_space<vmem>>
    %dma_start3A_39 = arith.constant 0 : i32
    %dma_start3A_40 = tpu.memref_slice %arg3[%add3A_25, %dma_start3A_39] : memref<16384x4096xf32, #tpu.memory_space<hbm>> -> memref<4x4096xf32, #tpu.memory_space<hbm>>
    %dma_start3A_41 = arith.constant 4 : i32
    %dma_start3A_42 = arith.constant 0 : i32
    %dma_start3A_43 = tpu.memref_slice %arg6[%dma_start3A_41, %dma_start3A_42] : memref<8x4096xf32, #tpu.memory_space<vmem>> -> memref<4x4096xf32, #tpu.memory_space<vmem>>
    %dma_start3A_44 = arith.constant 0 : i32
    %dma_start3A_45 = tpu.memref_slice %arg3[%add3A_25, %dma_start3A_44] : memref<16384x4096xf32, #tpu.memory_space<hbm>> -> memref<4x4096xf32, #tpu.memory_space<hbm>>
    tpu.enqueue_dma source(%dma_start3A_45 : memref<4x4096xf32, #tpu.memory_space<hbm>>) target(%dma_start3A_43 : memref<4x4096xf32, #tpu.memory_space<vmem>>) target_semaphore(%arg11 : memref<!tpu.dma_semaphore, #tpu.memory_space<semaphore_mem>>)
    %broadcast_in_dim3A = arith.constant 0.000000e+00 : f32
    %broadcast_in_dim3A_46 = vector.broadcast %broadcast_in_dim3A : f32 to vector<16xf32>
    %scan3A = arith.constant 0 : i32
    %scan3A_47 = arith.constant 16 : i32
    %scan3A_48 = arith.addi %scan3A, %scan3A_47 : i32
    %scan3A_49 = arith.constant 1 : i32
    %scan3A_50 = scf.for %scan3A_53 = %scan3A to %scan3A_48 step %scan3A_49 iter_args(%scan3A_54 = %broadcast_in_dim3A_46) -> (vector<16xf32>)  : i32 {
      %mul3A_55 = arith.constant 2 : i32
      %mul3A_56 = arith.muli %scan3A_53, %mul3A_55 : i32
      %mul3A_57 = arith.constant 4 : i32
      %mul3A_58 = arith.muli %mul3A_56, %mul3A_57 : i32
      %add3A_59 = arith.addi %mul3A_2, %mul3A_58 : i32
      %dma_wait3A = arith.constant 0 : i32
      %dma_wait3A_60 = arith.constant 0 : i32
      %dma_wait3A_61 = tpu.memref_slice %arg5[%dma_wait3A, %dma_wait3A_60] : memref<8x4096xf32, #tpu.memory_space<vmem>> -> memref<4x4096xf32, #tpu.memory_space<vmem>>
      %dma_wait3A_62 = arith.constant 0 : i32
      %dma_wait3A_63 = tpu.memref_slice %arg2[%add3A_59, %dma_wait3A_62] : memref<16384x4096xf32, #tpu.memory_space<hbm>> -> memref<4x4096xf32, #tpu.memory_space<hbm>>
      %dma_wait3A_64 = arith.constant 0 : i32
      %dma_wait3A_65 = arith.constant 0 : i32
      %dma_wait3A_66 = tpu.memref_slice %arg5[%dma_wait3A_64, %dma_wait3A_65] : memref<8x4096xf32, #tpu.memory_space<vmem>> -> memref<4x4096xf32, #tpu.memory_space<vmem>>
      %dma_wait3A_67 = arith.constant 0 : i32
      %dma_wait3A_68 = tpu.memref_slice %arg2[%add3A_59, %dma_wait3A_67] : memref<16384x4096xf32, #tpu.memory_space<hbm>> -> memref<4x4096xf32, #tpu.memory_space<hbm>>
      tpu.wait_dma2 semaphore(%arg8 : memref<!tpu.dma_semaphore, #tpu.memory_space<semaphore_mem>>) src(%dma_wait3A_68 : memref<4x4096xf32, #tpu.memory_space<hbm>>) dst(%dma_wait3A_66 : memref<4x4096xf32, #tpu.memory_space<vmem>>)
      %dma_wait3A_69 = arith.constant 0 : i32
      %dma_wait3A_70 = arith.constant 0 : i32
      %dma_wait3A_71 = tpu.memref_slice %arg6[%dma_wait3A_69, %dma_wait3A_70] : memref<8x4096xf32, #tpu.memory_space<vmem>> -> memref<4x4096xf32, #tpu.memory_space<vmem>>
      %dma_wait3A_72 = arith.constant 0 : i32
      %dma_wait3A_73 = tpu.memref_slice %arg3[%add3A_59, %dma_wait3A_72] : memref<16384x4096xf32, #tpu.memory_space<hbm>> -> memref<4x4096xf32, #tpu.memory_space<hbm>>
      %dma_wait3A_74 = arith.constant 0 : i32
      %dma_wait3A_75 = arith.constant 0 : i32
      %dma_wait3A_76 = tpu.memref_slice %arg6[%dma_wait3A_74, %dma_wait3A_75] : memref<8x4096xf32, #tpu.memory_space<vmem>> -> memref<4x4096xf32, #tpu.memory_space<vmem>>
      %dma_wait3A_77 = arith.constant 0 : i32
      %dma_wait3A_78 = tpu.memref_slice %arg3[%add3A_59, %dma_wait3A_77] : memref<16384x4096xf32, #tpu.memory_space<hbm>> -> memref<4x4096xf32, #tpu.memory_space<hbm>>
      tpu.wait_dma2 semaphore(%arg10 : memref<!tpu.dma_semaphore, #tpu.memory_space<semaphore_mem>>) src(%dma_wait3A_78 : memref<4x4096xf32, #tpu.memory_space<hbm>>) dst(%dma_wait3A_76 : memref<4x4096xf32, #tpu.memory_space<vmem>>)
      %scan3A_79 = arith.constant 0 : i32
      %scan3A_80 = arith.constant 64 : i32
      %scan3A_81 = arith.addi %scan3A_79, %scan3A_80 : i32
      %scan3A_82 = arith.constant 1 : i32
      %scan3A_83 = scf.for %scan3A_163 = %scan3A_79 to %scan3A_81 step %scan3A_82 iter_args(%scan3A_164 = %scan3A_54) -> (vector<16xf32>)  : i32 {
        %mul3A_165 = arith.constant 64 : i32
        %mul3A_166 = arith.muli %scan3A_163, %mul3A_165 : i32
        %add3A_167 = arith.constant 0 : i32
        %add3A_168 = arith.addi %mul3A_166, %add3A_167 : i32
        %get3A = arith.constant 0 : i32
        %get3A_169 = arith.index_cast %get3A : i32 to index
        %get3A_170 = arith.index_cast %add3A_168 : i32 to index
        %get3A_171 = tpu.vector_load %arg6[%get3A_169, %get3A_170] {strides = array<i32>} : memref<8x4096xf32, #tpu.memory_space<vmem>>, vector<16xf32>,
        %add3A_172 = arith.constant 0 : i32
        %add3A_173 = arith.addi %mul3A_166, %add3A_172 : i32
        %get3A_174 = arith.constant 0 : i32
        %get3A_175 = arith.index_cast %get3A_174 : i32 to index
        %get3A_176 = arith.index_cast %add3A_173 : i32 to index
        %get3A_177 = tpu.vector_load %arg5[%get3A_175, %get3A_176] {strides = array<i32>} : memref<8x4096xf32, #tpu.memory_space<vmem>>, vector<16xf32>,
        %bitcast3A = vector.bitcast %get3A_171 : vector<16xf32> to vector<16xi32>
        %convert_element_type3A_178 = arith.sitofp %bitcast3A : vector<16xi32> to vector<16xf32>
        %mul3A_179 = arith.constant 1.1920929E-7 : f32
        %mul3A_180 = vector.broadcast %mul3A_179 : f32 to vector<16xf32>
        %mul3A_181 = arith.mulf %convert_element_type3A_178, %mul3A_180 : vector<16xf32>
        %shift_right_arithmetic3A = arith.constant 23 : i32
        %shift_right_arithmetic3A_182 = vector.broadcast %shift_right_arithmetic3A : i32 to vector<16xi32>
        %shift_right_arithmetic3A_183 = arith.shrsi %bitcast3A, %shift_right_arithmetic3A_182 : vector<16xi32>
        %convert_element_type3A_184 = arith.sitofp %shift_right_arithmetic3A_183 : vector<16xi32> to vector<16xf32>
        %sub3A = arith.subf %mul3A_181, %convert_element_type3A_184 : vector<16xf32>
        %mul3A_185 = arith.constant -0.0791503638 : f32
        %mul3A_186 = vector.broadcast %mul3A_185 : f32 to vector<16xf32>
        %mul3A_187 = arith.mulf %mul3A_186, %sub3A : vector<16xf32>
        %add3A_188 = arith.constant 0.312214255 : f32
        %add3A_189 = vector.broadcast %add3A_188 : f32 to vector<16xf32>
        %add3A_190 = arith.addf %mul3A_187, %add3A_189 : vector<16xf32>
        %mul3A_191 = arith.mulf %add3A_190, %sub3A : vector<16xf32>
        %add3A_192 = arith.constant -0.669515192 : f32
        %add3A_193 = vector.broadcast %add3A_192 : f32 to vector<16xf32>
        %add3A_194 = arith.addf %mul3A_191, %add3A_193 : vector<16xf32>
        %mul3A_195 = arith.mulf %add3A_194, %sub3A : vector<16xf32>
        %add3A_196 = arith.constant 0.436098099 : f32
        %add3A_197 = vector.broadcast %add3A_196 : f32 to vector<16xf32>
        %add3A_198 = arith.addf %mul3A_195, %add3A_197 : vector<16xf32>
        %mul3A_199 = arith.mulf %add3A_198, %sub3A : vector<16xf32>
        %add3A_200 = arith.constant -126.999794 : f32
        %add3A_201 = vector.broadcast %add3A_200 : f32 to vector<16xf32>
        %add3A_202 = arith.addf %mul3A_199, %add3A_201 : vector<16xf32>
        %add3A_203 = arith.addf %mul3A_181, %add3A_202 : vector<16xf32>
        %mul3A_204 = arith.constant 0.693147182 : f32
        %mul3A_205 = vector.broadcast %mul3A_204 : f32 to vector<16xf32>
        %mul3A_206 = arith.mulf %add3A_203, %mul3A_205 : vector<16xf32>
        %sub3A_207 = arith.subf %mul3A_206, %get3A_177 : vector<16xf32>
        %mul3A_208 = arith.mulf %get3A_171, %sub3A_207 : vector<16xf32>
        %add3A_209 = arith.addf %scan3A_164, %mul3A_208 : vector<16xf32>
        %add3A_210 = arith.constant 16 : i32
        %add3A_211 = arith.addi %mul3A_166, %add3A_210 : i32
        %get3A_212 = arith.constant 0 : i32
        %get3A_213 = arith.index_cast %get3A_212 : i32 to index
        %get3A_214 = arith.index_cast %add3A_211 : i32 to index
        %get3A_215 = tpu.vector_load %arg6[%get3A_213, %get3A_214] {strides = array<i32>} : memref<8x4096xf32, #tpu.memory_space<vmem>>, vector<16xf32>,
        %add3A_216 = arith.constant 16 : i32
        %add3A_217 = arith.addi %mul3A_166, %add3A_216 : i32
        %get3A_218 = arith.constant 0 : i32
        %get3A_219 = arith.index_cast %get3A_218 : i32 to index
        %get3A_220 = arith.index_cast %add3A_217 : i32 to index
        %get3A_221 = tpu.vector_load %arg5[%get3A_219, %get3A_220] {strides = array<i32>} : memref<8x4096xf32, #tpu.memory_space<vmem>>, vector<16xf32>,
        %bitcast3A_222 = vector.bitcast %get3A_215 : vector<16xf32> to vector<16xi32>
        %convert_element_type3A_223 = arith.sitofp %bitcast3A_222 : vector<16xi32> to vector<16xf32>
        %mul3A_224 = arith.constant 1.1920929E-7 : f32
        %mul3A_225 = vector.broadcast %mul3A_224 : f32 to vector<16xf32>
        %mul3A_226 = arith.mulf %convert_element_type3A_223, %mul3A_225 : vector<16xf32>
        %shift_right_arithmetic3A_227 = arith.constant 23 : i32
        %shift_right_arithmetic3A_228 = vector.broadcast %shift_right_arithmetic3A_227 : i32 to vector<16xi32>
        %shift_right_arithmetic3A_229 = arith.shrsi %bitcast3A_222, %shift_right_arithmetic3A_228 : vector<16xi32>
        %convert_element_type3A_230 = arith.sitofp %shift_right_arithmetic3A_229 : vector<16xi32> to vector<16xf32>
        %sub3A_231 = arith.subf %mul3A_226, %convert_element_type3A_230 : vector<16xf32>
        %mul3A_232 = arith.constant -0.0791503638 : f32
        %mul3A_233 = vector.broadcast %mul3A_232 : f32 to vector<16xf32>
        %mul3A_234 = arith.mulf %mul3A_233, %sub3A_231 : vector<16xf32>
        %add3A_235 = arith.constant 0.312214255 : f32
        %add3A_236 = vector.broadcast %add3A_235 : f32 to vector<16xf32>
        %add3A_237 = arith.addf %mul3A_234, %add3A_236 : vector<16xf32>
        %mul3A_238 = arith.mulf %add3A_237, %sub3A_231 : vector<16xf32>
        %add3A_239 = arith.constant -0.669515192 : f32
        %add3A_240 = vector.broadcast %add3A_239 : f32 to vector<16xf32>
        %add3A_241 = arith.addf %mul3A_238, %add3A_240 : vector<16xf32>
        %mul3A_242 = arith.mulf %add3A_241, %sub3A_231 : vector<16xf32>
        %add3A_243 = arith.constant 0.436098099 : f32
        %add3A_244 = vector.broadcast %add3A_243 : f32 to vector<16xf32>
        %add3A_245 = arith.addf %mul3A_242, %add3A_244 : vector<16xf32>
        %mul3A_246 = arith.mulf %add3A_245, %sub3A_231 : vector<16xf32>
        %add3A_247 = arith.constant -126.999794 : f32
        %add3A_248 = vector.broadcast %add3A_247 : f32 to vector<16xf32>
        %add3A_249 = arith.addf %mul3A_246, %add3A_248 : vector<16xf32>
        %add3A_250 = arith.addf %mul3A_226, %add3A_249 : vector<16xf32>
        %mul3A_251 = arith.constant 0.693147182 : f32
        %mul3A_252 = vector.broadcast %mul3A_251 : f32 to vector<16xf32>
        %mul3A_253 = arith.mulf %add3A_250, %mul3A_252 : vector<16xf32>
        %sub3A_254 = arith.subf %mul3A_253, %get3A_221 : vector<16xf32>
        %mul3A_255 = arith.mulf %get3A_215, %sub3A_254 : vector<16xf32>
        %add3A_256 = arith.addf %add3A_209, %mul3A_255 : vector<16xf32>
        %add3A_257 = arith.constant 32 : i32
        %add3A_258 = arith.addi %mul3A_166, %add3A_257 : i32
        %get3A_259 = arith.constant 0 : i32
        %get3A_260 = arith.index_cast %get3A_259 : i32 to index
        %get3A_261 = arith.index_cast %add3A_258 : i32 to index
        %get3A_262 = tpu.vector_load %arg6[%get3A_260, %get3A_261] {strides = array<i32>} : memref<8x4096xf32, #tpu.memory_space<vmem>>, vector<16xf32>,
        %add3A_263 = arith.constant 32 : i32
        %add3A_264 = arith.addi %mul3A_166, %add3A_263 : i32
        %get3A_265 = arith.constant 0 : i32
        %get3A_266 = arith.index_cast %get3A_265 : i32 to index
        %get3A_267 = arith.index_cast %add3A_264 : i32 to index
        %get3A_268 = tpu.vector_load %arg5[%get3A_266, %get3A_267] {strides = array<i32>} : memref<8x4096xf32, #tpu.memory_space<vmem>>, vector<16xf32>,
        %bitcast3A_269 = vector.bitcast %get3A_262 : vector<16xf32> to vector<16xi32>
        %convert_element_type3A_270 = arith.sitofp %bitcast3A_269 : vector<16xi32> to vector<16xf32>
        %mul3A_271 = arith.constant 1.1920929E-7 : f32
        %mul3A_272 = vector.broadcast %mul3A_271 : f32 to vector<16xf32>
        %mul3A_273 = arith.mulf %convert_element_type3A_270, %mul3A_272 : vector<16xf32>
        %shift_right_arithmetic3A_274 = arith.constant 23 : i32
        %shift_right_arithmetic3A_275 = vector.broadcast %shift_right_arithmetic3A_274 : i32 to vector<16xi32>
        %shift_right_arithmetic3A_276 = arith.shrsi %bitcast3A_269, %shift_right_arithmetic3A_275 : vector<16xi32>
        %convert_element_type3A_277 = arith.sitofp %shift_right_arithmetic3A_276 : vector<16xi32> to vector<16xf32>
        %sub3A_278 = arith.subf %mul3A_273, %convert_element_type3A_277 : vector<16xf32>
        %mul3A_279 = arith.constant -0.0791503638 : f32
        %mul3A_280 = vector.broadcast %mul3A_279 : f32 to vector<16xf32>
        %mul3A_281 = arith.mulf %mul3A_280, %sub3A_278 : vector<16xf32>
        %add3A_282 = arith.constant 0.312214255 : f32
        %add3A_283 = vector.broadcast %add3A_282 : f32 to vector<16xf32>
        %add3A_284 = arith.addf %mul3A_281, %add3A_283 : vector<16xf32>
        %mul3A_285 = arith.mulf %add3A_284, %sub3A_278 : vector<16xf32>
        %add3A_286 = arith.constant -0.669515192 : f32
        %add3A_287 = vector.broadcast %add3A_286 : f32 to vector<16xf32>
        %add3A_288 = arith.addf %mul3A_285, %add3A_287 : vector<16xf32>
        %mul3A_289 = arith.mulf %add3A_288, %sub3A_278 : vector<16xf32>
        %add3A_290 = arith.constant 0.436098099 : f32
        %add3A_291 = vector.broadcast %add3A_290 : f32 to vector<16xf32>
        %add3A_292 = arith.addf %mul3A_289, %add3A_291 : vector<16xf32>
        %mul3A_293 = arith.mulf %add3A_292, %sub3A_278 : vector<16xf32>
        %add3A_294 = arith.constant -126.999794 : f32
        %add3A_295 = vector.broadcast %add3A_294 : f32 to vector<16xf32>
        %add3A_296 = arith.addf %mul3A_293, %add3A_295 : vector<16xf32>
        %add3A_297 = arith.addf %mul3A_273, %add3A_296 : vector<16xf32>
        %mul3A_298 = arith.constant 0.693147182 : f32
        %mul3A_299 = vector.broadcast %mul3A_298 : f32 to vector<16xf32>
        %mul3A_300 = arith.mulf %add3A_297, %mul3A_299 : vector<16xf32>
        %sub3A_301 = arith.subf %mul3A_300, %get3A_268 : vector<16xf32>
        %mul3A_302 = arith.mulf %get3A_262, %sub3A_301 : vector<16xf32>
        %add3A_303 = arith.addf %add3A_256, %mul3A_302 : vector<16xf32>
        %add3A_304 = arith.constant 48 : i32
        %add3A_305 = arith.addi %mul3A_166, %add3A_304 : i32
        %get3A_306 = arith.constant 0 : i32
        %get3A_307 = arith.index_cast %get3A_306 : i32 to index
        %get3A_308 = arith.index_cast %add3A_305 : i32 to index
        %get3A_309 = tpu.vector_load %arg6[%get3A_307, %get3A_308] {strides = array<i32>} : memref<8x4096xf32, #tpu.memory_space<vmem>>, vector<16xf32>,
        %add3A_310 = arith.constant 48 : i32
        %add3A_311 = arith.addi %mul3A_166, %add3A_310 : i32
        %get3A_312 = arith.constant 0 : i32
        %get3A_313 = arith.index_cast %get3A_312 : i32 to index
        %get3A_314 = arith.index_cast %add3A_311 : i32 to index
        %get3A_315 = tpu.vector_load %arg5[%get3A_313, %get3A_314] {strides = array<i32>} : memref<8x4096xf32, #tpu.memory_space<vmem>>, vector<16xf32>,
        %bitcast3A_316 = vector.bitcast %get3A_309 : vector<16xf32> to vector<16xi32>
        %convert_element_type3A_317 = arith.sitofp %bitcast3A_316 : vector<16xi32> to vector<16xf32>
        %mul3A_318 = arith.constant 1.1920929E-7 : f32
        %mul3A_319 = vector.broadcast %mul3A_318 : f32 to vector<16xf32>
        %mul3A_320 = arith.mulf %convert_element_type3A_317, %mul3A_319 : vector<16xf32>
        %shift_right_arithmetic3A_321 = arith.constant 23 : i32
        %shift_right_arithmetic3A_322 = vector.broadcast %shift_right_arithmetic3A_321 : i32 to vector<16xi32>
        %shift_right_arithmetic3A_323 = arith.shrsi %bitcast3A_316, %shift_right_arithmetic3A_322 : vector<16xi32>
        %convert_element_type3A_324 = arith.sitofp %shift_right_arithmetic3A_323 : vector<16xi32> to vector<16xf32>
        %sub3A_325 = arith.subf %mul3A_320, %convert_element_type3A_324 : vector<16xf32>
        %mul3A_326 = arith.constant -0.0791503638 : f32
        %mul3A_327 = vector.broadcast %mul3A_326 : f32 to vector<16xf32>
        %mul3A_328 = arith.mulf %mul3A_327, %sub3A_325 : vector<16xf32>
        %add3A_329 = arith.constant 0.312214255 : f32
        %add3A_330 = vector.broadcast %add3A_329 : f32 to vector<16xf32>
        %add3A_331 = arith.addf %mul3A_328, %add3A_330 : vector<16xf32>
        %mul3A_332 = arith.mulf %add3A_331, %sub3A_325 : vector<16xf32>
        %add3A_333 = arith.constant -0.669515192 : f32
        %add3A_334 = vector.broadcast %add3A_333 : f32 to vector<16xf32>
        %add3A_335 = arith.addf %mul3A_332, %add3A_334 : vector<16xf32>
        %mul3A_336 = arith.mulf %add3A_335, %sub3A_325 : vector<16xf32>
        %add3A_337 = arith.constant 0.436098099 : f32
        %add3A_338 = vector.broadcast %add3A_337 : f32 to vector<16xf32>
        %add3A_339 = arith.addf %mul3A_336, %add3A_338 : vector<16xf32>
        %mul3A_340 = arith.mulf %add3A_339, %sub3A_325 : vector<16xf32>
        %add3A_341 = arith.constant -126.999794 : f32
        %add3A_342 = vector.broadcast %add3A_341 : f32 to vector<16xf32>
        %add3A_343 = arith.addf %mul3A_340, %add3A_342 : vector<16xf32>
        %add3A_344 = arith.addf %mul3A_320, %add3A_343 : vector<16xf32>
        %mul3A_345 = arith.constant 0.693147182 : f32
        %mul3A_346 = vector.broadcast %mul3A_345 : f32 to vector<16xf32>
        %mul3A_347 = arith.mulf %add3A_344, %mul3A_346 : vector<16xf32>
        %sub3A_348 = arith.subf %mul3A_347, %get3A_315 : vector<16xf32>
        %mul3A_349 = arith.mulf %get3A_309, %sub3A_348 : vector<16xf32>
        %add3A_350 = arith.addf %add3A_303, %mul3A_349 : vector<16xf32>
        scf.yield %add3A_350 : vector<16xf32>
      }
      %scan3A_84 = arith.constant 64 : i32
      %scan3A_85 = arith.constant 0 : i32
      %scan3A_86 = arith.constant 64 : i32
      %scan3A_87 = arith.addi %scan3A_85, %scan3A_86 : i32
      %scan3A_88 = arith.constant 1 : i32
      %scan3A_89 = scf.for %scan3A_163 = %scan3A_85 to %scan3A_87 step %scan3A_88 iter_args(%scan3A_164 = %scan3A_83) -> (vector<16xf32>)  : i32 {
        %mul3A_165 = arith.constant 64 : i32
        %mul3A_166 = arith.muli %scan3A_163, %mul3A_165 : i32
        %add3A_167 = arith.constant 0 : i32
        %add3A_168 = arith.addi %mul3A_166, %add3A_167 : i32
        %get3A = arith.constant 1 : i32
        %get3A_169 = arith.index_cast %get3A : i32 to index
        %get3A_170 = arith.index_cast %add3A_168 : i32 to index
        %get3A_171 = tpu.vector_load %arg6[%get3A_169, %get3A_170] {strides = array<i32>} : memref<8x4096xf32, #tpu.memory_space<vmem>>, vector<16xf32>,
        %add3A_172 = arith.constant 0 : i32
        %add3A_173 = arith.addi %mul3A_166, %add3A_172 : i32
        %get3A_174 = arith.constant 1 : i32
        %get3A_175 = arith.index_cast %get3A_174 : i32 to index
        %get3A_176 = arith.index_cast %add3A_173 : i32 to index
        %get3A_177 = tpu.vector_load %arg5[%get3A_175, %get3A_176] {strides = array<i32>} : memref<8x4096xf32, #tpu.memory_space<vmem>>, vector<16xf32>,
        %bitcast3A = vector.bitcast %get3A_171 : vector<16xf32> to vector<16xi32>
        %convert_element_type3A_178 = arith.sitofp %bitcast3A : vector<16xi32> to vector<16xf32>
        %mul3A_179 = arith.constant 1.1920929E-7 : f32
        %mul3A_180 = vector.broadcast %mul3A_179 : f32 to vector<16xf32>
        %mul3A_181 = arith.mulf %convert_element_type3A_178, %mul3A_180 : vector<16xf32>
        %shift_right_arithmetic3A = arith.constant 23 : i32
        %shift_right_arithmetic3A_182 = vector.broadcast %shift_right_arithmetic3A : i32 to vector<16xi32>
        %shift_right_arithmetic3A_183 = arith.shrsi %bitcast3A, %shift_right_arithmetic3A_182 : vector<16xi32>
        %convert_element_type3A_184 = arith.sitofp %shift_right_arithmetic3A_183 : vector<16xi32> to vector<16xf32>
        %sub3A = arith.subf %mul3A_181, %convert_element_type3A_184 : vector<16xf32>
        %mul3A_185 = arith.constant -0.0791503638 : f32
        %mul3A_186 = vector.broadcast %mul3A_185 : f32 to vector<16xf32>
        %mul3A_187 = arith.mulf %mul3A_186, %sub3A : vector<16xf32>
        %add3A_188 = arith.constant 0.312214255 : f32
        %add3A_189 = vector.broadcast %add3A_188 : f32 to vector<16xf32>
        %add3A_190 = arith.addf %mul3A_187, %add3A_189 : vector<16xf32>
        %mul3A_191 = arith.mulf %add3A_190, %sub3A : vector<16xf32>
        %add3A_192 = arith.constant -0.669515192 : f32
        %add3A_193 = vector.broadcast %add3A_192 : f32 to vector<16xf32>
        %add3A_194 = arith.addf %mul3A_191, %add3A_193 : vector<16xf32>
        %mul3A_195 = arith.mulf %add3A_194, %sub3A : vector<16xf32>
        %add3A_196 = arith.constant 0.436098099 : f32
        %add3A_197 = vector.broadcast %add3A_196 : f32 to vector<16xf32>
        %add3A_198 = arith.addf %mul3A_195, %add3A_197 : vector<16xf32>
        %mul3A_199 = arith.mulf %add3A_198, %sub3A : vector<16xf32>
        %add3A_200 = arith.constant -126.999794 : f32
        %add3A_201 = vector.broadcast %add3A_200 : f32 to vector<16xf32>
        %add3A_202 = arith.addf %mul3A_199, %add3A_201 : vector<16xf32>
        %add3A_203 = arith.addf %mul3A_181, %add3A_202 : vector<16xf32>
        %mul3A_204 = arith.constant 0.693147182 : f32
        %mul3A_205 = vector.broadcast %mul3A_204 : f32 to vector<16xf32>
        %mul3A_206 = arith.mulf %add3A_203, %mul3A_205 : vector<16xf32>
        %sub3A_207 = arith.subf %mul3A_206, %get3A_177 : vector<16xf32>
        %mul3A_208 = arith.mulf %get3A_171, %sub3A_207 : vector<16xf32>
        %add3A_209 = arith.addf %scan3A_164, %mul3A_208 : vector<16xf32>
        %add3A_210 = arith.constant 16 : i32
        %add3A_211 = arith.addi %mul3A_166, %add3A_210 : i32
        %get3A_212 = arith.constant 1 : i32
        %get3A_213 = arith.index_cast %get3A_212 : i32 to index
        %get3A_214 = arith.index_cast %add3A_211 : i32 to index
        %get3A_215 = tpu.vector_load %arg6[%get3A_213, %get3A_214] {strides = array<i32>} : memref<8x4096xf32, #tpu.memory_space<vmem>>, vector<16xf32>,
        %add3A_216 = arith.constant 16 : i32
        %add3A_217 = arith.addi %mul3A_166, %add3A_216 : i32
        %get3A_218 = arith.constant 1 : i32
        %get3A_219 = arith.index_cast %get3A_218 : i32 to index
        %get3A_220 = arith.index_cast %add3A_217 : i32 to index
        %get3A_221 = tpu.vector_load %arg5[%get3A_219, %get3A_220] {strides = array<i32>} : memref<8x4096xf32, #tpu.memory_space<vmem>>, vector<16xf32>,
        %bitcast3A_222 = vector.bitcast %get3A_215 : vector<16xf32> to vector<16xi32>
        %convert_element_type3A_223 = arith.sitofp %bitcast3A_222 : vector<16xi32> to vector<16xf32>
        %mul3A_224 = arith.constant 1.1920929E-7 : f32
        %mul3A_225 = vector.broadcast %mul3A_224 : f32 to vector<16xf32>
        %mul3A_226 = arith.mulf %convert_element_type3A_223, %mul3A_225 : vector<16xf32>
        %shift_right_arithmetic3A_227 = arith.constant 23 : i32
        %shift_right_arithmetic3A_228 = vector.broadcast %shift_right_arithmetic3A_227 : i32 to vector<16xi32>
        %shift_right_arithmetic3A_229 = arith.shrsi %bitcast3A_222, %shift_right_arithmetic3A_228 : vector<16xi32>
        %convert_element_type3A_230 = arith.sitofp %shift_right_arithmetic3A_229 : vector<16xi32> to vector<16xf32>
        %sub3A_231 = arith.subf %mul3A_226, %convert_element_type3A_230 : vector<16xf32>
        %mul3A_232 = arith.constant -0.0791503638 : f32
        %mul3A_233 = vector.broadcast %mul3A_232 : f32 to vector<16xf32>
        %mul3A_234 = arith.mulf %mul3A_233, %sub3A_231 : vector<16xf32>
        %add3A_235 = arith.constant 0.312214255 : f32
        %add3A_236 = vector.broadcast %add3A_235 : f32 to vector<16xf32>
        %add3A_237 = arith.addf %mul3A_234, %add3A_236 : vector<16xf32>
        %mul3A_238 = arith.mulf %add3A_237, %sub3A_231 : vector<16xf32>
        %add3A_239 = arith.constant -0.669515192 : f32
        %add3A_240 = vector.broadcast %add3A_239 : f32 to vector<16xf32>
        %add3A_241 = arith.addf %mul3A_238, %add3A_240 : vector<16xf32>
        %mul3A_242 = arith.mulf %add3A_241, %sub3A_231 : vector<16xf32>
        %add3A_243 = arith.constant 0.436098099 : f32
        %add3A_244 = vector.broadcast %add3A_243 : f32 to vector<16xf32>
        %add3A_245 = arith.addf %mul3A_242, %add3A_244 : vector<16xf32>
        %mul3A_246 = arith.mulf %add3A_245, %sub3A_231 : vector<16xf32>
        %add3A_247 = arith.constant -126.999794 : f32
        %add3A_248 = vector.broadcast %add3A_247 : f32 to vector<16xf32>
        %add3A_249 = arith.addf %mul3A_246, %add3A_248 : vector<16xf32>
        %add3A_250 = arith.addf %mul3A_226, %add3A_249 : vector<16xf32>
        %mul3A_251 = arith.constant 0.693147182 : f32
        %mul3A_252 = vector.broadcast %mul3A_251 : f32 to vector<16xf32>
        %mul3A_253 = arith.mulf %add3A_250, %mul3A_252 : vector<16xf32>
        %sub3A_254 = arith.subf %mul3A_253, %get3A_221 : vector<16xf32>
        %mul3A_255 = arith.mulf %get3A_215, %sub3A_254 : vector<16xf32>
        %add3A_256 = arith.addf %add3A_209, %mul3A_255 : vector<16xf32>
        %add3A_257 = arith.constant 32 : i32
        %add3A_258 = arith.addi %mul3A_166, %add3A_257 : i32
        %get3A_259 = arith.constant 1 : i32
        %get3A_260 = arith.index_cast %get3A_259 : i32 to index
        %get3A_261 = arith.index_cast %add3A_258 : i32 to index
        %get3A_262 = tpu.vector_load %arg6[%get3A_260, %get3A_261] {strides = array<i32>} : memref<8x4096xf32, #tpu.memory_space<vmem>>, vector<16xf32>,
        %add3A_263 = arith.constant 32 : i32
        %add3A_264 = arith.addi %mul3A_166, %add3A_263 : i32
        %get3A_265 = arith.constant 1 : i32
        %get3A_266 = arith.index_cast %get3A_265 : i32 to index
        %get3A_267 = arith.index_cast %add3A_264 : i32 to index
        %get3A_268 = tpu.vector_load %arg5[%get3A_266, %get3A_267] {strides = array<i32>} : memref<8x4096xf32, #tpu.memory_space<vmem>>, vector<16xf32>,
        %bitcast3A_269 = vector.bitcast %get3A_262 : vector<16xf32> to vector<16xi32>
        %convert_element_type3A_270 = arith.sitofp %bitcast3A_269 : vector<16xi32> to vector<16xf32>
        %mul3A_271 = arith.constant 1.1920929E-7 : f32
        %mul3A_272 = vector.broadcast %mul3A_271 : f32 to vector<16xf32>
        %mul3A_273 = arith.mulf %convert_element_type3A_270, %mul3A_272 : vector<16xf32>
        %shift_right_arithmetic3A_274 = arith.constant 23 : i32
        %shift_right_arithmetic3A_275 = vector.broadcast %shift_right_arithmetic3A_274 : i32 to vector<16xi32>
        %shift_right_arithmetic3A_276 = arith.shrsi %bitcast3A_269, %shift_right_arithmetic3A_275 : vector<16xi32>
        %convert_element_type3A_277 = arith.sitofp %shift_right_arithmetic3A_276 : vector<16xi32> to vector<16xf32>
        %sub3A_278 = arith.subf %mul3A_273, %convert_element_type3A_277 : vector<16xf32>
        %mul3A_279 = arith.constant -0.0791503638 : f32
        %mul3A_280 = vector.broadcast %mul3A_279 : f32 to vector<16xf32>
        %mul3A_281 = arith.mulf %mul3A_280, %sub3A_278 : vector<16xf32>
        %add3A_282 = arith.constant 0.312214255 : f32
        %add3A_283 = vector.broadcast %add3A_282 : f32 to vector<16xf32>
        %add3A_284 = arith.addf %mul3A_281, %add3A_283 : vector<16xf32>
        %mul3A_285 = arith.mulf %add3A_284, %sub3A_278 : vector<16xf32>
        %add3A_286 = arith.constant -0.669515192 : f32
        %add3A_287 = vector.broadcast %add3A_286 : f32 to vector<16xf32>
        %add3A_288 = arith.addf %mul3A_285, %add3A_287 : vector<16xf32>
        %mul3A_289 = arith.mulf %add3A_288, %sub3A_278 : vector<16xf32>
        %add3A_290 = arith.constant 0.436098099 : f32
        %add3A_291 = vector.broadcast %add3A_290 : f32 to vector<16xf32>
        %add3A_292 = arith.addf %mul3A_289, %add3A_291 : vector<16xf32>
        %mul3A_293 = arith.mulf %add3A_292, %sub3A_278 : vector<16xf32>
        %add3A_294 = arith.constant -126.999794 : f32
        %add3A_295 = vector.broadcast %add3A_294 : f32 to vector<16xf32>
        %add3A_296 = arith.addf %mul3A_293, %add3A_295 : vector<16xf32>
        %add3A_297 = arith.addf %mul3A_273, %add3A_296 : vector<16xf32>
        %mul3A_298 = arith.constant 0.693147182 : f32
        %mul3A_299 = vector.broadcast %mul3A_298 : f32 to vector<16xf32>
        %mul3A_300 = arith.mulf %add3A_297, %mul3A_299 : vector<16xf32>
        %sub3A_301 = arith.subf %mul3A_300, %get3A_268 : vector<16xf32>
        %mul3A_302 = arith.mulf %get3A_262, %sub3A_301 : vector<16xf32>
        %add3A_303 = arith.addf %add3A_256, %mul3A_302 : vector<16xf32>
        %add3A_304 = arith.constant 48 : i32
        %add3A_305 = arith.addi %mul3A_166, %add3A_304 : i32
        %get3A_306 = arith.constant 1 : i32
        %get3A_307 = arith.index_cast %get3A_306 : i32 to index
        %get3A_308 = arith.index_cast %add3A_305 : i32 to index
        %get3A_309 = tpu.vector_load %arg6[%get3A_307, %get3A_308] {strides = array<i32>} : memref<8x4096xf32, #tpu.memory_space<vmem>>, vector<16xf32>,
        %add3A_310 = arith.constant 48 : i32
        %add3A_311 = arith.addi %mul3A_166, %add3A_310 : i32
        %get3A_312 = arith.constant 1 : i32
        %get3A_313 = arith.index_cast %get3A_312 : i32 to index
        %get3A_314 = arith.index_cast %add3A_311 : i32 to index
        %get3A_315 = tpu.vector_load %arg5[%get3A_313, %get3A_314] {strides = array<i32>} : memref<8x4096xf32, #tpu.memory_space<vmem>>, vector<16xf32>,
        %bitcast3A_316 = vector.bitcast %get3A_309 : vector<16xf32> to vector<16xi32>
        %convert_element_type3A_317 = arith.sitofp %bitcast3A_316 : vector<16xi32> to vector<16xf32>
        %mul3A_318 = arith.constant 1.1920929E-7 : f32
        %mul3A_319 = vector.broadcast %mul3A_318 : f32 to vector<16xf32>
        %mul3A_320 = arith.mulf %convert_element_type3A_317, %mul3A_319 : vector<16xf32>
        %shift_right_arithmetic3A_321 = arith.constant 23 : i32
        %shift_right_arithmetic3A_322 = vector.broadcast %shift_right_arithmetic3A_321 : i32 to vector<16xi32>
        %shift_right_arithmetic3A_323 = arith.shrsi %bitcast3A_316, %shift_right_arithmetic3A_322 : vector<16xi32>
        %convert_element_type3A_324 = arith.sitofp %shift_right_arithmetic3A_323 : vector<16xi32> to vector<16xf32>
        %sub3A_325 = arith.subf %mul3A_320, %convert_element_type3A_324 : vector<16xf32>
        %mul3A_326 = arith.constant -0.0791503638 : f32
        %mul3A_327 = vector.broadcast %mul3A_326 : f32 to vector<16xf32>
        %mul3A_328 = arith.mulf %mul3A_327, %sub3A_325 : vector<16xf32>
        %add3A_329 = arith.constant 0.312214255 : f32
        %add3A_330 = vector.broadcast %add3A_329 : f32 to vector<16xf32>
        %add3A_331 = arith.addf %mul3A_328, %add3A_330 : vector<16xf32>
        %mul3A_332 = arith.mulf %add3A_331, %sub3A_325 : vector<16xf32>
        %add3A_333 = arith.constant -0.669515192 : f32
        %add3A_334 = vector.broadcast %add3A_333 : f32 to vector<16xf32>
        %add3A_335 = arith.addf %mul3A_332, %add3A_334 : vector<16xf32>
        %mul3A_336 = arith.mulf %add3A_335, %sub3A_325 : vector<16xf32>
        %add3A_337 = arith.constant 0.436098099 : f32
        %add3A_338 = vector.broadcast %add3A_337 : f32 to vector<16xf32>
        %add3A_339 = arith.addf %mul3A_336, %add3A_338 : vector<16xf32>
        %mul3A_340 = arith.mulf %add3A_339, %sub3A_325 : vector<16xf32>
        %add3A_341 = arith.constant -126.999794 : f32
        %add3A_342 = vector.broadcast %add3A_341 : f32 to vector<16xf32>
        %add3A_343 = arith.addf %mul3A_340, %add3A_342 : vector<16xf32>
        %add3A_344 = arith.addf %mul3A_320, %add3A_343 : vector<16xf32>
        %mul3A_345 = arith.constant 0.693147182 : f32
        %mul3A_346 = vector.broadcast %mul3A_345 : f32 to vector<16xf32>
        %mul3A_347 = arith.mulf %add3A_344, %mul3A_346 : vector<16xf32>
        %sub3A_348 = arith.subf %mul3A_347, %get3A_315 : vector<16xf32>
        %mul3A_349 = arith.mulf %get3A_309, %sub3A_348 : vector<16xf32>
        %add3A_350 = arith.addf %add3A_303, %mul3A_349 : vector<16xf32>
        scf.yield %add3A_350 : vector<16xf32>
      }
      %scan3A_90 = arith.constant 64 : i32
      %scan3A_91 = arith.constant 0 : i32
      %scan3A_92 = arith.constant 64 : i32
      %scan3A_93 = arith.addi %scan3A_91, %scan3A_92 : i32
      %scan3A_94 = arith.constant 1 : i32
      %scan3A_95 = scf.for %scan3A_163 = %scan3A_91 to %scan3A_93 step %scan3A_94 iter_args(%scan3A_164 = %scan3A_89) -> (vector<16xf32>)  : i32 {
        %mul3A_165 = arith.constant 64 : i32
        %mul3A_166 = arith.muli %scan3A_163, %mul3A_165 : i32
        %add3A_167 = arith.constant 0 : i32
        %add3A_168 = arith.addi %mul3A_166, %add3A_167 : i32
        %get3A = arith.constant 2 : i32
        %get3A_169 = arith.index_cast %get3A : i32 to index
        %get3A_170 = arith.index_cast %add3A_168 : i32 to index
        %get3A_171 = tpu.vector_load %arg6[%get3A_169, %get3A_170] {strides = array<i32>} : memref<8x4096xf32, #tpu.memory_space<vmem>>, vector<16xf32>,
        %add3A_172 = arith.constant 0 : i32
        %add3A_173 = arith.addi %mul3A_166, %add3A_172 : i32
        %get3A_174 = arith.constant 2 : i32
        %get3A_175 = arith.index_cast %get3A_174 : i32 to index
        %get3A_176 = arith.index_cast %add3A_173 : i32 to index
        %get3A_177 = tpu.vector_load %arg5[%get3A_175, %get3A_176] {strides = array<i32>} : memref<8x4096xf32, #tpu.memory_space<vmem>>, vector<16xf32>,
        %bitcast3A = vector.bitcast %get3A_171 : vector<16xf32> to vector<16xi32>
        %convert_element_type3A_178 = arith.sitofp %bitcast3A : vector<16xi32> to vector<16xf32>
        %mul3A_179 = arith.constant 1.1920929E-7 : f32
        %mul3A_180 = vector.broadcast %mul3A_179 : f32 to vector<16xf32>
        %mul3A_181 = arith.mulf %convert_element_type3A_178, %mul3A_180 : vector<16xf32>
        %shift_right_arithmetic3A = arith.constant 23 : i32
        %shift_right_arithmetic3A_182 = vector.broadcast %shift_right_arithmetic3A : i32 to vector<16xi32>
        %shift_right_arithmetic3A_183 = arith.shrsi %bitcast3A, %shift_right_arithmetic3A_182 : vector<16xi32>
        %convert_element_type3A_184 = arith.sitofp %shift_right_arithmetic3A_183 : vector<16xi32> to vector<16xf32>
        %sub3A = arith.subf %mul3A_181, %convert_element_type3A_184 : vector<16xf32>
        %mul3A_185 = arith.constant -0.0791503638 : f32
        %mul3A_186 = vector.broadcast %mul3A_185 : f32 to vector<16xf32>
        %mul3A_187 = arith.mulf %mul3A_186, %sub3A : vector<16xf32>
        %add3A_188 = arith.constant 0.312214255 : f32
        %add3A_189 = vector.broadcast %add3A_188 : f32 to vector<16xf32>
        %add3A_190 = arith.addf %mul3A_187, %add3A_189 : vector<16xf32>
        %mul3A_191 = arith.mulf %add3A_190, %sub3A : vector<16xf32>
        %add3A_192 = arith.constant -0.669515192 : f32
        %add3A_193 = vector.broadcast %add3A_192 : f32 to vector<16xf32>
        %add3A_194 = arith.addf %mul3A_191, %add3A_193 : vector<16xf32>
        %mul3A_195 = arith.mulf %add3A_194, %sub3A : vector<16xf32>
        %add3A_196 = arith.constant 0.436098099 : f32
        %add3A_197 = vector.broadcast %add3A_196 : f32 to vector<16xf32>
        %add3A_198 = arith.addf %mul3A_195, %add3A_197 : vector<16xf32>
        %mul3A_199 = arith.mulf %add3A_198, %sub3A : vector<16xf32>
        %add3A_200 = arith.constant -126.999794 : f32
        %add3A_201 = vector.broadcast %add3A_200 : f32 to vector<16xf32>
        %add3A_202 = arith.addf %mul3A_199, %add3A_201 : vector<16xf32>
        %add3A_203 = arith.addf %mul3A_181, %add3A_202 : vector<16xf32>
        %mul3A_204 = arith.constant 0.693147182 : f32
        %mul3A_205 = vector.broadcast %mul3A_204 : f32 to vector<16xf32>
        %mul3A_206 = arith.mulf %add3A_203, %mul3A_205 : vector<16xf32>
        %sub3A_207 = arith.subf %mul3A_206, %get3A_177 : vector<16xf32>
        %mul3A_208 = arith.mulf %get3A_171, %sub3A_207 : vector<16xf32>
        %add3A_209 = arith.addf %scan3A_164, %mul3A_208 : vector<16xf32>
        %add3A_210 = arith.constant 16 : i32
        %add3A_211 = arith.addi %mul3A_166, %add3A_210 : i32
        %get3A_212 = arith.constant 2 : i32
        %get3A_213 = arith.index_cast %get3A_212 : i32 to index
        %get3A_214 = arith.index_cast %add3A_211 : i32 to index
        %get3A_215 = tpu.vector_load %arg6[%get3A_213, %get3A_214] {strides = array<i32>} : memref<8x4096xf32, #tpu.memory_space<vmem>>, vector<16xf32>,
        %add3A_216 = arith.constant 16 : i32
        %add3A_217 = arith.addi %mul3A_166, %add3A_216 : i32
        %get3A_218 = arith.constant 2 : i32
        %get3A_219 = arith.index_cast %get3A_218 : i32 to index
        %get3A_220 = arith.index_cast %add3A_217 : i32 to index
        %get3A_221 = tpu.vector_load %arg5[%get3A_219, %get3A_220] {strides = array<i32>} : memref<8x4096xf32, #tpu.memory_space<vmem>>, vector<16xf32>,
        %bitcast3A_222 = vector.bitcast %get3A_215 : vector<16xf32> to vector<16xi32>
        %convert_element_type3A_223 = arith.sitofp %bitcast3A_222 : vector<16xi32> to vector<16xf32>
        %mul3A_224 = arith.constant 1.1920929E-7 : f32
        %mul3A_225 = vector.broadcast %mul3A_224 : f32 to vector<16xf32>
        %mul3A_226 = arith.mulf %convert_element_type3A_223, %mul3A_225 : vector<16xf32>
        %shift_right_arithmetic3A_227 = arith.constant 23 : i32
        %shift_right_arithmetic3A_228 = vector.broadcast %shift_right_arithmetic3A_227 : i32 to vector<16xi32>
        %shift_right_arithmetic3A_229 = arith.shrsi %bitcast3A_222, %shift_right_arithmetic3A_228 : vector<16xi32>
        %convert_element_type3A_230 = arith.sitofp %shift_right_arithmetic3A_229 : vector<16xi32> to vector<16xf32>
        %sub3A_231 = arith.subf %mul3A_226, %convert_element_type3A_230 : vector<16xf32>
        %mul3A_232 = arith.constant -0.0791503638 : f32
        %mul3A_233 = vector.broadcast %mul3A_232 : f32 to vector<16xf32>
        %mul3A_234 = arith.mulf %mul3A_233, %sub3A_231 : vector<16xf32>
        %add3A_235 = arith.constant 0.312214255 : f32
        %add3A_236 = vector.broadcast %add3A_235 : f32 to vector<16xf32>
        %add3A_237 = arith.addf %mul3A_234, %add3A_236 : vector<16xf32>
        %mul3A_238 = arith.mulf %add3A_237, %sub3A_231 : vector<16xf32>
        %add3A_239 = arith.constant -0.669515192 : f32
        %add3A_240 = vector.broadcast %add3A_239 : f32 to vector<16xf32>
        %add3A_241 = arith.addf %mul3A_238, %add3A_240 : vector<16xf32>
        %mul3A_242 = arith.mulf %add3A_241, %sub3A_231 : vector<16xf32>
        %add3A_243 = arith.constant 0.436098099 : f32
        %add3A_244 = vector.broadcast %add3A_243 : f32 to vector<16xf32>
        %add3A_245 = arith.addf %mul3A_242, %add3A_244 : vector<16xf32>
        %mul3A_246 = arith.mulf %add3A_245, %sub3A_231 : vector<16xf32>
        %add3A_247 = arith.constant -126.999794 : f32
        %add3A_248 = vector.broadcast %add3A_247 : f32 to vector<16xf32>
        %add3A_249 = arith.addf %mul3A_246, %add3A_248 : vector<16xf32>
        %add3A_250 = arith.addf %mul3A_226, %add3A_249 : vector<16xf32>
        %mul3A_251 = arith.constant 0.693147182 : f32
        %mul3A_252 = vector.broadcast %mul3A_251 : f32 to vector<16xf32>
        %mul3A_253 = arith.mulf %add3A_250, %mul3A_252 : vector<16xf32>
        %sub3A_254 = arith.subf %mul3A_253, %get3A_221 : vector<16xf32>
        %mul3A_255 = arith.mulf %get3A_215, %sub3A_254 : vector<16xf32>
        %add3A_256 = arith.addf %add3A_209, %mul3A_255 : vector<16xf32>
        %add3A_257 = arith.constant 32 : i32
        %add3A_258 = arith.addi %mul3A_166, %add3A_257 : i32
        %get3A_259 = arith.constant 2 : i32
        %get3A_260 = arith.index_cast %get3A_259 : i32 to index
        %get3A_261 = arith.index_cast %add3A_258 : i32 to index
        %get3A_262 = tpu.vector_load %arg6[%get3A_260, %get3A_261] {strides = array<i32>} : memref<8x4096xf32, #tpu.memory_space<vmem>>, vector<16xf32>,
        %add3A_263 = arith.constant 32 : i32
        %add3A_264 = arith.addi %mul3A_166, %add3A_263 : i32
        %get3A_265 = arith.constant 2 : i32
        %get3A_266 = arith.index_cast %get3A_265 : i32 to index
        %get3A_267 = arith.index_cast %add3A_264 : i32 to index
        %get3A_268 = tpu.vector_load %arg5[%get3A_266, %get3A_267] {strides = array<i32>} : memref<8x4096xf32, #tpu.memory_space<vmem>>, vector<16xf32>,
        %bitcast3A_269 = vector.bitcast %get3A_262 : vector<16xf32> to vector<16xi32>
        %convert_element_type3A_270 = arith.sitofp %bitcast3A_269 : vector<16xi32> to vector<16xf32>
        %mul3A_271 = arith.constant 1.1920929E-7 : f32
        %mul3A_272 = vector.broadcast %mul3A_271 : f32 to vector<16xf32>
        %mul3A_273 = arith.mulf %convert_element_type3A_270, %mul3A_272 : vector<16xf32>
        %shift_right_arithmetic3A_274 = arith.constant 23 : i32
        %shift_right_arithmetic3A_275 = vector.broadcast %shift_right_arithmetic3A_274 : i32 to vector<16xi32>
        %shift_right_arithmetic3A_276 = arith.shrsi %bitcast3A_269, %shift_right_arithmetic3A_275 : vector<16xi32>
        %convert_element_type3A_277 = arith.sitofp %shift_right_arithmetic3A_276 : vector<16xi32> to vector<16xf32>
        %sub3A_278 = arith.subf %mul3A_273, %convert_element_type3A_277 : vector<16xf32>
        %mul3A_279 = arith.constant -0.0791503638 : f32
        %mul3A_280 = vector.broadcast %mul3A_279 : f32 to vector<16xf32>
        %mul3A_281 = arith.mulf %mul3A_280, %sub3A_278 : vector<16xf32>
        %add3A_282 = arith.constant 0.312214255 : f32
        %add3A_283 = vector.broadcast %add3A_282 : f32 to vector<16xf32>
        %add3A_284 = arith.addf %mul3A_281, %add3A_283 : vector<16xf32>
        %mul3A_285 = arith.mulf %add3A_284, %sub3A_278 : vector<16xf32>
        %add3A_286 = arith.constant -0.669515192 : f32
        %add3A_287 = vector.broadcast %add3A_286 : f32 to vector<16xf32>
        %add3A_288 = arith.addf %mul3A_285, %add3A_287 : vector<16xf32>
        %mul3A_289 = arith.mulf %add3A_288, %sub3A_278 : vector<16xf32>
        %add3A_290 = arith.constant 0.436098099 : f32
        %add3A_291 = vector.broadcast %add3A_290 : f32 to vector<16xf32>
        %add3A_292 = arith.addf %mul3A_289, %add3A_291 : vector<16xf32>
        %mul3A_293 = arith.mulf %add3A_292, %sub3A_278 : vector<16xf32>
        %add3A_294 = arith.constant -126.999794 : f32
        %add3A_295 = vector.broadcast %add3A_294 : f32 to vector<16xf32>
        %add3A_296 = arith.addf %mul3A_293, %add3A_295 : vector<16xf32>
        %add3A_297 = arith.addf %mul3A_273, %add3A_296 : vector<16xf32>
        %mul3A_298 = arith.constant 0.693147182 : f32
        %mul3A_299 = vector.broadcast %mul3A_298 : f32 to vector<16xf32>
        %mul3A_300 = arith.mulf %add3A_297, %mul3A_299 : vector<16xf32>
        %sub3A_301 = arith.subf %mul3A_300, %get3A_268 : vector<16xf32>
        %mul3A_302 = arith.mulf %get3A_262, %sub3A_301 : vector<16xf32>
        %add3A_303 = arith.addf %add3A_256, %mul3A_302 : vector<16xf32>
        %add3A_304 = arith.constant 48 : i32
        %add3A_305 = arith.addi %mul3A_166, %add3A_304 : i32
        %get3A_306 = arith.constant 2 : i32
        %get3A_307 = arith.index_cast %get3A_306 : i32 to index
        %get3A_308 = arith.index_cast %add3A_305 : i32 to index
        %get3A_309 = tpu.vector_load %arg6[%get3A_307, %get3A_308] {strides = array<i32>} : memref<8x4096xf32, #tpu.memory_space<vmem>>, vector<16xf32>,
        %add3A_310 = arith.constant 48 : i32
        %add3A_311 = arith.addi %mul3A_166, %add3A_310 : i32
        %get3A_312 = arith.constant 2 : i32
        %get3A_313 = arith.index_cast %get3A_312 : i32 to index
        %get3A_314 = arith.index_cast %add3A_311 : i32 to index
        %get3A_315 = tpu.vector_load %arg5[%get3A_313, %get3A_314] {strides = array<i32>} : memref<8x4096xf32, #tpu.memory_space<vmem>>, vector<16xf32>,
        %bitcast3A_316 = vector.bitcast %get3A_309 : vector<16xf32> to vector<16xi32>
        %convert_element_type3A_317 = arith.sitofp %bitcast3A_316 : vector<16xi32> to vector<16xf32>
        %mul3A_318 = arith.constant 1.1920929E-7 : f32
        %mul3A_319 = vector.broadcast %mul3A_318 : f32 to vector<16xf32>
        %mul3A_320 = arith.mulf %convert_element_type3A_317, %mul3A_319 : vector<16xf32>
        %shift_right_arithmetic3A_321 = arith.constant 23 : i32
        %shift_right_arithmetic3A_322 = vector.broadcast %shift_right_arithmetic3A_321 : i32 to vector<16xi32>
        %shift_right_arithmetic3A_323 = arith.shrsi %bitcast3A_316, %shift_right_arithmetic3A_322 : vector<16xi32>
        %convert_element_type3A_324 = arith.sitofp %shift_right_arithmetic3A_323 : vector<16xi32> to vector<16xf32>
        %sub3A_325 = arith.subf %mul3A_320, %convert_element_type3A_324 : vector<16xf32>
        %mul3A_326 = arith.constant -0.0791503638 : f32
        %mul3A_327 = vector.broadcast %mul3A_326 : f32 to vector<16xf32>
        %mul3A_328 = arith.mulf %mul3A_327, %sub3A_325 : vector<16xf32>
        %add3A_329 = arith.constant 0.312214255 : f32
        %add3A_330 = vector.broadcast %add3A_329 : f32 to vector<16xf32>
        %add3A_331 = arith.addf %mul3A_328, %add3A_330 : vector<16xf32>
        %mul3A_332 = arith.mulf %add3A_331, %sub3A_325 : vector<16xf32>
        %add3A_333 = arith.constant -0.669515192 : f32
        %add3A_334 = vector.broadcast %add3A_333 : f32 to vector<16xf32>
        %add3A_335 = arith.addf %mul3A_332, %add3A_334 : vector<16xf32>
        %mul3A_336 = arith.mulf %add3A_335, %sub3A_325 : vector<16xf32>
        %add3A_337 = arith.constant 0.436098099 : f32
        %add3A_338 = vector.broadcast %add3A_337 : f32 to vector<16xf32>
        %add3A_339 = arith.addf %mul3A_336, %add3A_338 : vector<16xf32>
        %mul3A_340 = arith.mulf %add3A_339, %sub3A_325 : vector<16xf32>
        %add3A_341 = arith.constant -126.999794 : f32
        %add3A_342 = vector.broadcast %add3A_341 : f32 to vector<16xf32>
        %add3A_343 = arith.addf %mul3A_340, %add3A_342 : vector<16xf32>
        %add3A_344 = arith.addf %mul3A_320, %add3A_343 : vector<16xf32>
        %mul3A_345 = arith.constant 0.693147182 : f32
        %mul3A_346 = vector.broadcast %mul3A_345 : f32 to vector<16xf32>
        %mul3A_347 = arith.mulf %add3A_344, %mul3A_346 : vector<16xf32>
        %sub3A_348 = arith.subf %mul3A_347, %get3A_315 : vector<16xf32>
        %mul3A_349 = arith.mulf %get3A_309, %sub3A_348 : vector<16xf32>
        %add3A_350 = arith.addf %add3A_303, %mul3A_349 : vector<16xf32>
        scf.yield %add3A_350 : vector<16xf32>
      }
      %scan3A_96 = arith.constant 64 : i32
      %scan3A_97 = arith.constant 0 : i32
      %scan3A_98 = arith.constant 64 : i32
      %scan3A_99 = arith.addi %scan3A_97, %scan3A_98 : i32
      %scan3A_100 = arith.constant 1 : i32
      %scan3A_101 = scf.for %scan3A_163 = %scan3A_97 to %scan3A_99 step %scan3A_100 iter_args(%scan3A_164 = %scan3A_95) -> (vector<16xf32>)  : i32 {
        %mul3A_165 = arith.constant 64 : i32
        %mul3A_166 = arith.muli %scan3A_163, %mul3A_165 : i32
        %add3A_167 = arith.constant 0 : i32
        %add3A_168 = arith.addi %mul3A_166, %add3A_167 : i32
        %get3A = arith.constant 3 : i32
        %get3A_169 = arith.index_cast %get3A : i32 to index
        %get3A_170 = arith.index_cast %add3A_168 : i32 to index
        %get3A_171 = tpu.vector_load %arg6[%get3A_169, %get3A_170] {strides = array<i32>} : memref<8x4096xf32, #tpu.memory_space<vmem>>, vector<16xf32>,
        %add3A_172 = arith.constant 0 : i32
        %add3A_173 = arith.addi %mul3A_166, %add3A_172 : i32
        %get3A_174 = arith.constant 3 : i32
        %get3A_175 = arith.index_cast %get3A_174 : i32 to index
        %get3A_176 = arith.index_cast %add3A_173 : i32 to index
        %get3A_177 = tpu.vector_load %arg5[%get3A_175, %get3A_176] {strides = array<i32>} : memref<8x4096xf32, #tpu.memory_space<vmem>>, vector<16xf32>,
        %bitcast3A = vector.bitcast %get3A_171 : vector<16xf32> to vector<16xi32>
        %convert_element_type3A_178 = arith.sitofp %bitcast3A : vector<16xi32> to vector<16xf32>
        %mul3A_179 = arith.constant 1.1920929E-7 : f32
        %mul3A_180 = vector.broadcast %mul3A_179 : f32 to vector<16xf32>
        %mul3A_181 = arith.mulf %convert_element_type3A_178, %mul3A_180 : vector<16xf32>
        %shift_right_arithmetic3A = arith.constant 23 : i32
        %shift_right_arithmetic3A_182 = vector.broadcast %shift_right_arithmetic3A : i32 to vector<16xi32>
        %shift_right_arithmetic3A_183 = arith.shrsi %bitcast3A, %shift_right_arithmetic3A_182 : vector<16xi32>
        %convert_element_type3A_184 = arith.sitofp %shift_right_arithmetic3A_183 : vector<16xi32> to vector<16xf32>
        %sub3A = arith.subf %mul3A_181, %convert_element_type3A_184 : vector<16xf32>
        %mul3A_185 = arith.constant -0.0791503638 : f32
        %mul3A_186 = vector.broadcast %mul3A_185 : f32 to vector<16xf32>
        %mul3A_187 = arith.mulf %mul3A_186, %sub3A : vector<16xf32>
        %add3A_188 = arith.constant 0.312214255 : f32
        %add3A_189 = vector.broadcast %add3A_188 : f32 to vector<16xf32>
        %add3A_190 = arith.addf %mul3A_187, %add3A_189 : vector<16xf32>
        %mul3A_191 = arith.mulf %add3A_190, %sub3A : vector<16xf32>
        %add3A_192 = arith.constant -0.669515192 : f32
        %add3A_193 = vector.broadcast %add3A_192 : f32 to vector<16xf32>
        %add3A_194 = arith.addf %mul3A_191, %add3A_193 : vector<16xf32>
        %mul3A_195 = arith.mulf %add3A_194, %sub3A : vector<16xf32>
        %add3A_196 = arith.constant 0.436098099 : f32
        %add3A_197 = vector.broadcast %add3A_196 : f32 to vector<16xf32>
        %add3A_198 = arith.addf %mul3A_195, %add3A_197 : vector<16xf32>
        %mul3A_199 = arith.mulf %add3A_198, %sub3A : vector<16xf32>
        %add3A_200 = arith.constant -126.999794 : f32
        %add3A_201 = vector.broadcast %add3A_200 : f32 to vector<16xf32>
        %add3A_202 = arith.addf %mul3A_199, %add3A_201 : vector<16xf32>
        %add3A_203 = arith.addf %mul3A_181, %add3A_202 : vector<16xf32>
        %mul3A_204 = arith.constant 0.693147182 : f32
        %mul3A_205 = vector.broadcast %mul3A_204 : f32 to vector<16xf32>
        %mul3A_206 = arith.mulf %add3A_203, %mul3A_205 : vector<16xf32>
        %sub3A_207 = arith.subf %mul3A_206, %get3A_177 : vector<16xf32>
        %mul3A_208 = arith.mulf %get3A_171, %sub3A_207 : vector<16xf32>
        %add3A_209 = arith.addf %scan3A_164, %mul3A_208 : vector<16xf32>
        %add3A_210 = arith.constant 16 : i32
        %add3A_211 = arith.addi %mul3A_166, %add3A_210 : i32
        %get3A_212 = arith.constant 3 : i32
        %get3A_213 = arith.index_cast %get3A_212 : i32 to index
        %get3A_214 = arith.index_cast %add3A_211 : i32 to index
        %get3A_215 = tpu.vector_load %arg6[%get3A_213, %get3A_214] {strides = array<i32>} : memref<8x4096xf32, #tpu.memory_space<vmem>>, vector<16xf32>,
        %add3A_216 = arith.constant 16 : i32
        %add3A_217 = arith.addi %mul3A_166, %add3A_216 : i32
        %get3A_218 = arith.constant 3 : i32
        %get3A_219 = arith.index_cast %get3A_218 : i32 to index
        %get3A_220 = arith.index_cast %add3A_217 : i32 to index
        %get3A_221 = tpu.vector_load %arg5[%get3A_219, %get3A_220] {strides = array<i32>} : memref<8x4096xf32, #tpu.memory_space<vmem>>, vector<16xf32>,
        %bitcast3A_222 = vector.bitcast %get3A_215 : vector<16xf32> to vector<16xi32>
        %convert_element_type3A_223 = arith.sitofp %bitcast3A_222 : vector<16xi32> to vector<16xf32>
        %mul3A_224 = arith.constant 1.1920929E-7 : f32
        %mul3A_225 = vector.broadcast %mul3A_224 : f32 to vector<16xf32>
        %mul3A_226 = arith.mulf %convert_element_type3A_223, %mul3A_225 : vector<16xf32>
        %shift_right_arithmetic3A_227 = arith.constant 23 : i32
        %shift_right_arithmetic3A_228 = vector.broadcast %shift_right_arithmetic3A_227 : i32 to vector<16xi32>
        %shift_right_arithmetic3A_229 = arith.shrsi %bitcast3A_222, %shift_right_arithmetic3A_228 : vector<16xi32>
        %convert_element_type3A_230 = arith.sitofp %shift_right_arithmetic3A_229 : vector<16xi32> to vector<16xf32>
        %sub3A_231 = arith.subf %mul3A_226, %convert_element_type3A_230 : vector<16xf32>
        %mul3A_232 = arith.constant -0.0791503638 : f32
        %mul3A_233 = vector.broadcast %mul3A_232 : f32 to vector<16xf32>
        %mul3A_234 = arith.mulf %mul3A_233, %sub3A_231 : vector<16xf32>
        %add3A_235 = arith.constant 0.312214255 : f32
        %add3A_236 = vector.broadcast %add3A_235 : f32 to vector<16xf32>
        %add3A_237 = arith.addf %mul3A_234, %add3A_236 : vector<16xf32>
        %mul3A_238 = arith.mulf %add3A_237, %sub3A_231 : vector<16xf32>
        %add3A_239 = arith.constant -0.669515192 : f32
        %add3A_240 = vector.broadcast %add3A_239 : f32 to vector<16xf32>
        %add3A_241 = arith.addf %mul3A_238, %add3A_240 : vector<16xf32>
        %mul3A_242 = arith.mulf %add3A_241, %sub3A_231 : vector<16xf32>
        %add3A_243 = arith.constant 0.436098099 : f32
        %add3A_244 = vector.broadcast %add3A_243 : f32 to vector<16xf32>
        %add3A_245 = arith.addf %mul3A_242, %add3A_244 : vector<16xf32>
        %mul3A_246 = arith.mulf %add3A_245, %sub3A_231 : vector<16xf32>
        %add3A_247 = arith.constant -126.999794 : f32
        %add3A_248 = vector.broadcast %add3A_247 : f32 to vector<16xf32>
        %add3A_249 = arith.addf %mul3A_246, %add3A_248 : vector<16xf32>
        %add3A_250 = arith.addf %mul3A_226, %add3A_249 : vector<16xf32>
        %mul3A_251 = arith.constant 0.693147182 : f32
        %mul3A_252 = vector.broadcast %mul3A_251 : f32 to vector<16xf32>
        %mul3A_253 = arith.mulf %add3A_250, %mul3A_252 : vector<16xf32>
        %sub3A_254 = arith.subf %mul3A_253, %get3A_221 : vector<16xf32>
        %mul3A_255 = arith.mulf %get3A_215, %sub3A_254 : vector<16xf32>
        %add3A_256 = arith.addf %add3A_209, %mul3A_255 : vector<16xf32>
        %add3A_257 = arith.constant 32 : i32
        %add3A_258 = arith.addi %mul3A_166, %add3A_257 : i32
        %get3A_259 = arith.constant 3 : i32
        %get3A_260 = arith.index_cast %get3A_259 : i32 to index
        %get3A_261 = arith.index_cast %add3A_258 : i32 to index
        %get3A_262 = tpu.vector_load %arg6[%get3A_260, %get3A_261] {strides = array<i32>} : memref<8x4096xf32, #tpu.memory_space<vmem>>, vector<16xf32>,
        %add3A_263 = arith.constant 32 : i32
        %add3A_264 = arith.addi %mul3A_166, %add3A_263 : i32
        %get3A_265 = arith.constant 3 : i32
        %get3A_266 = arith.index_cast %get3A_265 : i32 to index
        %get3A_267 = arith.index_cast %add3A_264 : i32 to index
        %get3A_268 = tpu.vector_load %arg5[%get3A_266, %get3A_267] {strides = array<i32>} : memref<8x4096xf32, #tpu.memory_space<vmem>>, vector<16xf32>,
        %bitcast3A_269 = vector.bitcast %get3A_262 : vector<16xf32> to vector<16xi32>
        %convert_element_type3A_270 = arith.sitofp %bitcast3A_269 : vector<16xi32> to vector<16xf32>
        %mul3A_271 = arith.constant 1.1920929E-7 : f32
        %mul3A_272 = vector.broadcast %mul3A_271 : f32 to vector<16xf32>
        %mul3A_273 = arith.mulf %convert_element_type3A_270, %mul3A_272 : vector<16xf32>
        %shift_right_arithmetic3A_274 = arith.constant 23 : i32
        %shift_right_arithmetic3A_275 = vector.broadcast %shift_right_arithmetic3A_274 : i32 to vector<16xi32>
        %shift_right_arithmetic3A_276 = arith.shrsi %bitcast3A_269, %shift_right_arithmetic3A_275 : vector<16xi32>
        %convert_element_type3A_277 = arith.sitofp %shift_right_arithmetic3A_276 : vector<16xi32> to vector<16xf32>
        %sub3A_278 = arith.subf %mul3A_273, %convert_element_type3A_277 : vector<16xf32>
        %mul3A_279 = arith.constant -0.0791503638 : f32
        %mul3A_280 = vector.broadcast %mul3A_279 : f32 to vector<16xf32>
        %mul3A_281 = arith.mulf %mul3A_280, %sub3A_278 : vector<16xf32>
        %add3A_282 = arith.constant 0.312214255 : f32
        %add3A_283 = vector.broadcast %add3A_282 : f32 to vector<16xf32>
        %add3A_284 = arith.addf %mul3A_281, %add3A_283 : vector<16xf32>
        %mul3A_285 = arith.mulf %add3A_284, %sub3A_278 : vector<16xf32>
        %add3A_286 = arith.constant -0.669515192 : f32
        %add3A_287 = vector.broadcast %add3A_286 : f32 to vector<16xf32>
        %add3A_288 = arith.addf %mul3A_285, %add3A_287 : vector<16xf32>
        %mul3A_289 = arith.mulf %add3A_288, %sub3A_278 : vector<16xf32>
        %add3A_290 = arith.constant 0.436098099 : f32
        %add3A_291 = vector.broadcast %add3A_290 : f32 to vector<16xf32>
        %add3A_292 = arith.addf %mul3A_289, %add3A_291 : vector<16xf32>
        %mul3A_293 = arith.mulf %add3A_292, %sub3A_278 : vector<16xf32>
        %add3A_294 = arith.constant -126.999794 : f32
        %add3A_295 = vector.broadcast %add3A_294 : f32 to vector<16xf32>
        %add3A_296 = arith.addf %mul3A_293, %add3A_295 : vector<16xf32>
        %add3A_297 = arith.addf %mul3A_273, %add3A_296 : vector<16xf32>
        %mul3A_298 = arith.constant 0.693147182 : f32
        %mul3A_299 = vector.broadcast %mul3A_298 : f32 to vector<16xf32>
        %mul3A_300 = arith.mulf %add3A_297, %mul3A_299 : vector<16xf32>
        %sub3A_301 = arith.subf %mul3A_300, %get3A_268 : vector<16xf32>
        %mul3A_302 = arith.mulf %get3A_262, %sub3A_301 : vector<16xf32>
        %add3A_303 = arith.addf %add3A_256, %mul3A_302 : vector<16xf32>
        %add3A_304 = arith.constant 48 : i32
        %add3A_305 = arith.addi %mul3A_166, %add3A_304 : i32
        %get3A_306 = arith.constant 3 : i32
        %get3A_307 = arith.index_cast %get3A_306 : i32 to index
        %get3A_308 = arith.index_cast %add3A_305 : i32 to index
        %get3A_309 = tpu.vector_load %arg6[%get3A_307, %get3A_308] {strides = array<i32>} : memref<8x4096xf32, #tpu.memory_space<vmem>>, vector<16xf32>,
        %add3A_310 = arith.constant 48 : i32
        %add3A_311 = arith.addi %mul3A_166, %add3A_310 : i32
        %get3A_312 = arith.constant 3 : i32
        %get3A_313 = arith.index_cast %get3A_312 : i32 to index
        %get3A_314 = arith.index_cast %add3A_311 : i32 to index
        %get3A_315 = tpu.vector_load %arg5[%get3A_313, %get3A_314] {strides = array<i32>} : memref<8x4096xf32, #tpu.memory_space<vmem>>, vector<16xf32>,
        %bitcast3A_316 = vector.bitcast %get3A_309 : vector<16xf32> to vector<16xi32>
        %convert_element_type3A_317 = arith.sitofp %bitcast3A_316 : vector<16xi32> to vector<16xf32>
        %mul3A_318 = arith.constant 1.1920929E-7 : f32
        %mul3A_319 = vector.broadcast %mul3A_318 : f32 to vector<16xf32>
        %mul3A_320 = arith.mulf %convert_element_type3A_317, %mul3A_319 : vector<16xf32>
        %shift_right_arithmetic3A_321 = arith.constant 23 : i32
        %shift_right_arithmetic3A_322 = vector.broadcast %shift_right_arithmetic3A_321 : i32 to vector<16xi32>
        %shift_right_arithmetic3A_323 = arith.shrsi %bitcast3A_316, %shift_right_arithmetic3A_322 : vector<16xi32>
        %convert_element_type3A_324 = arith.sitofp %shift_right_arithmetic3A_323 : vector<16xi32> to vector<16xf32>
        %sub3A_325 = arith.subf %mul3A_320, %convert_element_type3A_324 : vector<16xf32>
        %mul3A_326 = arith.constant -0.0791503638 : f32
        %mul3A_327 = vector.broadcast %mul3A_326 : f32 to vector<16xf32>
        %mul3A_328 = arith.mulf %mul3A_327, %sub3A_325 : vector<16xf32>
        %add3A_329 = arith.constant 0.312214255 : f32
        %add3A_330 = vector.broadcast %add3A_329 : f32 to vector<16xf32>
        %add3A_331 = arith.addf %mul3A_328, %add3A_330 : vector<16xf32>
        %mul3A_332 = arith.mulf %add3A_331, %sub3A_325 : vector<16xf32>
        %add3A_333 = arith.constant -0.669515192 : f32
        %add3A_334 = vector.broadcast %add3A_333 : f32 to vector<16xf32>
        %add3A_335 = arith.addf %mul3A_332, %add3A_334 : vector<16xf32>
        %mul3A_336 = arith.mulf %add3A_335, %sub3A_325 : vector<16xf32>
        %add3A_337 = arith.constant 0.436098099 : f32
        %add3A_338 = vector.broadcast %add3A_337 : f32 to vector<16xf32>
        %add3A_339 = arith.addf %mul3A_336, %add3A_338 : vector<16xf32>
        %mul3A_340 = arith.mulf %add3A_339, %sub3A_325 : vector<16xf32>
        %add3A_341 = arith.constant -126.999794 : f32
        %add3A_342 = vector.broadcast %add3A_341 : f32 to vector<16xf32>
        %add3A_343 = arith.addf %mul3A_340, %add3A_342 : vector<16xf32>
        %add3A_344 = arith.addf %mul3A_320, %add3A_343 : vector<16xf32>
        %mul3A_345 = arith.constant 0.693147182 : f32
        %mul3A_346 = vector.broadcast %mul3A_345 : f32 to vector<16xf32>
        %mul3A_347 = arith.mulf %add3A_344, %mul3A_346 : vector<16xf32>
        %sub3A_348 = arith.subf %mul3A_347, %get3A_315 : vector<16xf32>
        %mul3A_349 = arith.mulf %get3A_309, %sub3A_348 : vector<16xf32>
        %add3A_350 = arith.addf %add3A_303, %mul3A_349 : vector<16xf32>
        scf.yield %add3A_350 : vector<16xf32>
      }
      %scan3A_102 = arith.constant 64 : i32
      %add3A_103 = arith.constant 2 : i32
      %add3A_104 = arith.addi %mul3A_56, %add3A_103 : i32
      %lt3A = arith.constant 32 : i32
      %lt3A_105 = arith.cmpi slt, %add3A_104, %lt3A : i32
      %convert_element_type3A = arith.extui %lt3A_105 : i1 to i32
      %cond3A = arith.constant 0 : i32
      %cond3A_106 = arith.cmpi ne, %convert_element_type3A, %cond3A : i32
      scf.if %cond3A_106 {
        %add3A_163 = arith.constant 2 : i32
        %add3A_164 = arith.addi %mul3A_56, %add3A_163 : i32
        %mul3A_165 = arith.constant 4 : i32
        %mul3A_166 = arith.muli %add3A_164, %mul3A_165 : i32
        %add3A_167 = arith.addi %mul3A_2, %mul3A_166 : i32
        %dma_start3A_168 = arith.constant 0 : i32
        %dma_start3A_169 = arith.constant 0 : i32
        %dma_start3A_170 = tpu.memref_slice %arg5[%dma_start3A_168, %dma_start3A_169] : memref<8x4096xf32, #tpu.memory_space<vmem>> -> memref<4x4096xf32, #tpu.memory_space<vmem>>
        %dma_start3A_171 = arith.constant 0 : i32
        %dma_start3A_172 = tpu.memref_slice %arg2[%add3A_167, %dma_start3A_171] : memref<16384x4096xf32, #tpu.memory_space<hbm>> -> memref<4x4096xf32, #tpu.memory_space<hbm>>
        %dma_start3A_173 = arith.constant 0 : i32
        %dma_start3A_174 = arith.constant 0 : i32
        %dma_start3A_175 = tpu.memref_slice %arg5[%dma_start3A_173, %dma_start3A_174] : memref<8x4096xf32, #tpu.memory_space<vmem>> -> memref<4x4096xf32, #tpu.memory_space<vmem>>
        %dma_start3A_176 = arith.constant 0 : i32
        %dma_start3A_177 = tpu.memref_slice %arg2[%add3A_167, %dma_start3A_176] : memref<16384x4096xf32, #tpu.memory_space<hbm>> -> memref<4x4096xf32, #tpu.memory_space<hbm>>
        tpu.enqueue_dma source(%dma_start3A_177 : memref<4x4096xf32, #tpu.memory_space<hbm>>) target(%dma_start3A_175 : memref<4x4096xf32, #tpu.memory_space<vmem>>) target_semaphore(%arg8 : memref<!tpu.dma_semaphore, #tpu.memory_space<semaphore_mem>>)
        %dma_start3A_178 = arith.constant 0 : i32
        %dma_start3A_179 = arith.constant 0 : i32
        %dma_start3A_180 = tpu.memref_slice %arg6[%dma_start3A_178, %dma_start3A_179] : memref<8x4096xf32, #tpu.memory_space<vmem>> -> memref<4x4096xf32, #tpu.memory_space<vmem>>
        %dma_start3A_181 = arith.constant 0 : i32
        %dma_start3A_182 = tpu.memref_slice %arg3[%add3A_167, %dma_start3A_181] : memref<16384x4096xf32, #tpu.memory_space<hbm>> -> memref<4x4096xf32, #tpu.memory_space<hbm>>
        %dma_start3A_183 = arith.constant 0 : i32
        %dma_start3A_184 = arith.constant 0 : i32
        %dma_start3A_185 = tpu.memref_slice %arg6[%dma_start3A_183, %dma_start3A_184] : memref<8x4096xf32, #tpu.memory_space<vmem>> -> memref<4x4096xf32, #tpu.memory_space<vmem>>
        %dma_start3A_186 = arith.constant 0 : i32
        %dma_start3A_187 = tpu.memref_slice %arg3[%add3A_167, %dma_start3A_186] : memref<16384x4096xf32, #tpu.memory_space<hbm>> -> memref<4x4096xf32, #tpu.memory_space<hbm>>
        tpu.enqueue_dma source(%dma_start3A_187 : memref<4x4096xf32, #tpu.memory_space<hbm>>) target(%dma_start3A_185 : memref<4x4096xf32, #tpu.memory_space<vmem>>) target_semaphore(%arg10 : memref<!tpu.dma_semaphore, #tpu.memory_space<semaphore_mem>>)
      } else {
      }
      %add3A_107 = arith.constant 1 : i32
      %add3A_108 = arith.addi %mul3A_56, %add3A_107 : i32
      %mul3A_109 = arith.constant 4 : i32
      %mul3A_110 = arith.muli %add3A_108, %mul3A_109 : i32
      %add3A_111 = arith.addi %mul3A_2, %mul3A_110 : i32
      %dma_wait3A_112 = arith.constant 4 : i32
      %dma_wait3A_113 = arith.constant 0 : i32
      %dma_wait3A_114 = tpu.memref_slice %arg5[%dma_wait3A_112, %dma_wait3A_113] : memref<8x4096xf32, #tpu.memory_space<vmem>> -> memref<4x4096xf32, #tpu.memory_space<vmem>>
      %dma_wait3A_115 = arith.constant 0 : i32
      %dma_wait3A_116 = tpu.memref_slice %arg2[%add3A_111, %dma_wait3A_115] : memref<16384x4096xf32, #tpu.memory_space<hbm>> -> memref<4x4096xf32, #tpu.memory_space<hbm>>
      %dma_wait3A_117 = arith.constant 4 : i32
      %dma_wait3A_118 = arith.constant 0 : i32
      %dma_wait3A_119 = tpu.memref_slice %arg5[%dma_wait3A_117, %dma_wait3A_118] : memref<8x4096xf32, #tpu.memory_space<vmem>> -> memref<4x4096xf32, #tpu.memory_space<vmem>>
      %dma_wait3A_120 = arith.constant 0 : i32
      %dma_wait3A_121 = tpu.memref_slice %arg2[%add3A_111, %dma_wait3A_120] : memref<16384x4096xf32, #tpu.memory_space<hbm>> -> memref<4x4096xf32, #tpu.memory_space<hbm>>
      tpu.wait_dma2 semaphore(%arg9 : memref<!tpu.dma_semaphore, #tpu.memory_space<semaphore_mem>>) src(%dma_wait3A_121 : memref<4x4096xf32, #tpu.memory_space<hbm>>) dst(%dma_wait3A_119 : memref<4x4096xf32, #tpu.memory_space<vmem>>)
      %dma_wait3A_122 = arith.constant 4 : i32
      %dma_wait3A_123 = arith.constant 0 : i32
      %dma_wait3A_124 = tpu.memref_slice %arg6[%dma_wait3A_122, %dma_wait3A_123] : memref<8x4096xf32, #tpu.memory_space<vmem>> -> memref<4x4096xf32, #tpu.memory_space<vmem>>
      %dma_wait3A_125 = arith.constant 0 : i32
      %dma_wait3A_126 = tpu.memref_slice %arg3[%add3A_111, %dma_wait3A_125] : memref<16384x4096xf32, #tpu.memory_space<hbm>> -> memref<4x4096xf32, #tpu.memory_space<hbm>>
      %dma_wait3A_127 = arith.constant 4 : i32
      %dma_wait3A_128 = arith.constant 0 : i32
      %dma_wait3A_129 = tpu.memref_slice %arg6[%dma_wait3A_127, %dma_wait3A_128] : memref<8x4096xf32, #tpu.memory_space<vmem>> -> memref<4x4096xf32, #tpu.memory_space<vmem>>
      %dma_wait3A_130 = arith.constant 0 : i32
      %dma_wait3A_131 = tpu.memref_slice %arg3[%add3A_111, %dma_wait3A_130] : memref<16384x4096xf32, #tpu.memory_space<hbm>> -> memref<4x4096xf32, #tpu.memory_space<hbm>>
      tpu.wait_dma2 semaphore(%arg11 : memref<!tpu.dma_semaphore, #tpu.memory_space<semaphore_mem>>) src(%dma_wait3A_131 : memref<4x4096xf32, #tpu.memory_space<hbm>>) dst(%dma_wait3A_129 : memref<4x4096xf32, #tpu.memory_space<vmem>>)
      %scan3A_132 = arith.constant 0 : i32
      %scan3A_133 = arith.constant 64 : i32
      %scan3A_134 = arith.addi %scan3A_132, %scan3A_133 : i32
      %scan3A_135 = arith.constant 1 : i32
      %scan3A_136 = scf.for %scan3A_163 = %scan3A_132 to %scan3A_134 step %scan3A_135 iter_args(%scan3A_164 = %scan3A_101) -> (vector<16xf32>)  : i32 {
        %mul3A_165 = arith.constant 64 : i32
        %mul3A_166 = arith.muli %scan3A_163, %mul3A_165 : i32
        %add3A_167 = arith.constant 0 : i32
        %add3A_168 = arith.addi %mul3A_166, %add3A_167 : i32
        %get3A = arith.constant 4 : i32
        %get3A_169 = arith.index_cast %get3A : i32 to index
        %get3A_170 = arith.index_cast %add3A_168 : i32 to index
        %get3A_171 = tpu.vector_load %arg6[%get3A_169, %get3A_170] {strides = array<i32>} : memref<8x4096xf32, #tpu.memory_space<vmem>>, vector<16xf32>,
        %add3A_172 = arith.constant 0 : i32
        %add3A_173 = arith.addi %mul3A_166, %add3A_172 : i32
        %get3A_174 = arith.constant 4 : i32
        %get3A_175 = arith.index_cast %get3A_174 : i32 to index
        %get3A_176 = arith.index_cast %add3A_173 : i32 to index
        %get3A_177 = tpu.vector_load %arg5[%get3A_175, %get3A_176] {strides = array<i32>} : memref<8x4096xf32, #tpu.memory_space<vmem>>, vector<16xf32>,
        %bitcast3A = vector.bitcast %get3A_171 : vector<16xf32> to vector<16xi32>
        %convert_element_type3A_178 = arith.sitofp %bitcast3A : vector<16xi32> to vector<16xf32>
        %mul3A_179 = arith.constant 1.1920929E-7 : f32
        %mul3A_180 = vector.broadcast %mul3A_179 : f32 to vector<16xf32>
        %mul3A_181 = arith.mulf %convert_element_type3A_178, %mul3A_180 : vector<16xf32>
        %shift_right_arithmetic3A = arith.constant 23 : i32
        %shift_right_arithmetic3A_182 = vector.broadcast %shift_right_arithmetic3A : i32 to vector<16xi32>
        %shift_right_arithmetic3A_183 = arith.shrsi %bitcast3A, %shift_right_arithmetic3A_182 : vector<16xi32>
        %convert_element_type3A_184 = arith.sitofp %shift_right_arithmetic3A_183 : vector<16xi32> to vector<16xf32>
        %sub3A = arith.subf %mul3A_181, %convert_element_type3A_184 : vector<16xf32>
        %mul3A_185 = arith.constant -0.0791503638 : f32
        %mul3A_186 = vector.broadcast %mul3A_185 : f32 to vector<16xf32>
        %mul3A_187 = arith.mulf %mul3A_186, %sub3A : vector<16xf32>
        %add3A_188 = arith.constant 0.312214255 : f32
        %add3A_189 = vector.broadcast %add3A_188 : f32 to vector<16xf32>
        %add3A_190 = arith.addf %mul3A_187, %add3A_189 : vector<16xf32>
        %mul3A_191 = arith.mulf %add3A_190, %sub3A : vector<16xf32>
        %add3A_192 = arith.constant -0.669515192 : f32
        %add3A_193 = vector.broadcast %add3A_192 : f32 to vector<16xf32>
        %add3A_194 = arith.addf %mul3A_191, %add3A_193 : vector<16xf32>
        %mul3A_195 = arith.mulf %add3A_194, %sub3A : vector<16xf32>
        %add3A_196 = arith.constant 0.436098099 : f32
        %add3A_197 = vector.broadcast %add3A_196 : f32 to vector<16xf32>
        %add3A_198 = arith.addf %mul3A_195, %add3A_197 : vector<16xf32>
        %mul3A_199 = arith.mulf %add3A_198, %sub3A : vector<16xf32>
        %add3A_200 = arith.constant -126.999794 : f32
        %add3A_201 = vector.broadcast %add3A_200 : f32 to vector<16xf32>
        %add3A_202 = arith.addf %mul3A_199, %add3A_201 : vector<16xf32>
        %add3A_203 = arith.addf %mul3A_181, %add3A_202 : vector<16xf32>
        %mul3A_204 = arith.constant 0.693147182 : f32
        %mul3A_205 = vector.broadcast %mul3A_204 : f32 to vector<16xf32>
        %mul3A_206 = arith.mulf %add3A_203, %mul3A_205 : vector<16xf32>
        %sub3A_207 = arith.subf %mul3A_206, %get3A_177 : vector<16xf32>
        %mul3A_208 = arith.mulf %get3A_171, %sub3A_207 : vector<16xf32>
        %add3A_209 = arith.addf %scan3A_164, %mul3A_208 : vector<16xf32>
        %add3A_210 = arith.constant 16 : i32
        %add3A_211 = arith.addi %mul3A_166, %add3A_210 : i32
        %get3A_212 = arith.constant 4 : i32
        %get3A_213 = arith.index_cast %get3A_212 : i32 to index
        %get3A_214 = arith.index_cast %add3A_211 : i32 to index
        %get3A_215 = tpu.vector_load %arg6[%get3A_213, %get3A_214] {strides = array<i32>} : memref<8x4096xf32, #tpu.memory_space<vmem>>, vector<16xf32>,
        %add3A_216 = arith.constant 16 : i32
        %add3A_217 = arith.addi %mul3A_166, %add3A_216 : i32
        %get3A_218 = arith.constant 4 : i32
        %get3A_219 = arith.index_cast %get3A_218 : i32 to index
        %get3A_220 = arith.index_cast %add3A_217 : i32 to index
        %get3A_221 = tpu.vector_load %arg5[%get3A_219, %get3A_220] {strides = array<i32>} : memref<8x4096xf32, #tpu.memory_space<vmem>>, vector<16xf32>,
        %bitcast3A_222 = vector.bitcast %get3A_215 : vector<16xf32> to vector<16xi32>
        %convert_element_type3A_223 = arith.sitofp %bitcast3A_222 : vector<16xi32> to vector<16xf32>
        %mul3A_224 = arith.constant 1.1920929E-7 : f32
        %mul3A_225 = vector.broadcast %mul3A_224 : f32 to vector<16xf32>
        %mul3A_226 = arith.mulf %convert_element_type3A_223, %mul3A_225 : vector<16xf32>
        %shift_right_arithmetic3A_227 = arith.constant 23 : i32
        %shift_right_arithmetic3A_228 = vector.broadcast %shift_right_arithmetic3A_227 : i32 to vector<16xi32>
        %shift_right_arithmetic3A_229 = arith.shrsi %bitcast3A_222, %shift_right_arithmetic3A_228 : vector<16xi32>
        %convert_element_type3A_230 = arith.sitofp %shift_right_arithmetic3A_229 : vector<16xi32> to vector<16xf32>
        %sub3A_231 = arith.subf %mul3A_226, %convert_element_type3A_230 : vector<16xf32>
        %mul3A_232 = arith.constant -0.0791503638 : f32
        %mul3A_233 = vector.broadcast %mul3A_232 : f32 to vector<16xf32>
        %mul3A_234 = arith.mulf %mul3A_233, %sub3A_231 : vector<16xf32>
        %add3A_235 = arith.constant 0.312214255 : f32
        %add3A_236 = vector.broadcast %add3A_235 : f32 to vector<16xf32>
        %add3A_237 = arith.addf %mul3A_234, %add3A_236 : vector<16xf32>
        %mul3A_238 = arith.mulf %add3A_237, %sub3A_231 : vector<16xf32>
        %add3A_239 = arith.constant -0.669515192 : f32
        %add3A_240 = vector.broadcast %add3A_239 : f32 to vector<16xf32>
        %add3A_241 = arith.addf %mul3A_238, %add3A_240 : vector<16xf32>
        %mul3A_242 = arith.mulf %add3A_241, %sub3A_231 : vector<16xf32>
        %add3A_243 = arith.constant 0.436098099 : f32
        %add3A_244 = vector.broadcast %add3A_243 : f32 to vector<16xf32>
        %add3A_245 = arith.addf %mul3A_242, %add3A_244 : vector<16xf32>
        %mul3A_246 = arith.mulf %add3A_245, %sub3A_231 : vector<16xf32>
        %add3A_247 = arith.constant -126.999794 : f32
        %add3A_248 = vector.broadcast %add3A_247 : f32 to vector<16xf32>
        %add3A_249 = arith.addf %mul3A_246, %add3A_248 : vector<16xf32>
        %add3A_250 = arith.addf %mul3A_226, %add3A_249 : vector<16xf32>
        %mul3A_251 = arith.constant 0.693147182 : f32
        %mul3A_252 = vector.broadcast %mul3A_251 : f32 to vector<16xf32>
        %mul3A_253 = arith.mulf %add3A_250, %mul3A_252 : vector<16xf32>
        %sub3A_254 = arith.subf %mul3A_253, %get3A_221 : vector<16xf32>
        %mul3A_255 = arith.mulf %get3A_215, %sub3A_254 : vector<16xf32>
        %add3A_256 = arith.addf %add3A_209, %mul3A_255 : vector<16xf32>
        %add3A_257 = arith.constant 32 : i32
        %add3A_258 = arith.addi %mul3A_166, %add3A_257 : i32
        %get3A_259 = arith.constant 4 : i32
        %get3A_260 = arith.index_cast %get3A_259 : i32 to index
        %get3A_261 = arith.index_cast %add3A_258 : i32 to index
        %get3A_262 = tpu.vector_load %arg6[%get3A_260, %get3A_261] {strides = array<i32>} : memref<8x4096xf32, #tpu.memory_space<vmem>>, vector<16xf32>,
        %add3A_263 = arith.constant 32 : i32
        %add3A_264 = arith.addi %mul3A_166, %add3A_263 : i32
        %get3A_265 = arith.constant 4 : i32
        %get3A_266 = arith.index_cast %get3A_265 : i32 to index
        %get3A_267 = arith.index_cast %add3A_264 : i32 to index
        %get3A_268 = tpu.vector_load %arg5[%get3A_266, %get3A_267] {strides = array<i32>} : memref<8x4096xf32, #tpu.memory_space<vmem>>, vector<16xf32>,
        %bitcast3A_269 = vector.bitcast %get3A_262 : vector<16xf32> to vector<16xi32>
        %convert_element_type3A_270 = arith.sitofp %bitcast3A_269 : vector<16xi32> to vector<16xf32>
        %mul3A_271 = arith.constant 1.1920929E-7 : f32
        %mul3A_272 = vector.broadcast %mul3A_271 : f32 to vector<16xf32>
        %mul3A_273 = arith.mulf %convert_element_type3A_270, %mul3A_272 : vector<16xf32>
        %shift_right_arithmetic3A_274 = arith.constant 23 : i32
        %shift_right_arithmetic3A_275 = vector.broadcast %shift_right_arithmetic3A_274 : i32 to vector<16xi32>
        %shift_right_arithmetic3A_276 = arith.shrsi %bitcast3A_269, %shift_right_arithmetic3A_275 : vector<16xi32>
        %convert_element_type3A_277 = arith.sitofp %shift_right_arithmetic3A_276 : vector<16xi32> to vector<16xf32>
        %sub3A_278 = arith.subf %mul3A_273, %convert_element_type3A_277 : vector<16xf32>
        %mul3A_279 = arith.constant -0.0791503638 : f32
        %mul3A_280 = vector.broadcast %mul3A_279 : f32 to vector<16xf32>
        %mul3A_281 = arith.mulf %mul3A_280, %sub3A_278 : vector<16xf32>
        %add3A_282 = arith.constant 0.312214255 : f32
        %add3A_283 = vector.broadcast %add3A_282 : f32 to vector<16xf32>
        %add3A_284 = arith.addf %mul3A_281, %add3A_283 : vector<16xf32>
        %mul3A_285 = arith.mulf %add3A_284, %sub3A_278 : vector<16xf32>
        %add3A_286 = arith.constant -0.669515192 : f32
        %add3A_287 = vector.broadcast %add3A_286 : f32 to vector<16xf32>
        %add3A_288 = arith.addf %mul3A_285, %add3A_287 : vector<16xf32>
        %mul3A_289 = arith.mulf %add3A_288, %sub3A_278 : vector<16xf32>
        %add3A_290 = arith.constant 0.436098099 : f32
        %add3A_291 = vector.broadcast %add3A_290 : f32 to vector<16xf32>
        %add3A_292 = arith.addf %mul3A_289, %add3A_291 : vector<16xf32>
        %mul3A_293 = arith.mulf %add3A_292, %sub3A_278 : vector<16xf32>
        %add3A_294 = arith.constant -126.999794 : f32
        %add3A_295 = vector.broadcast %add3A_294 : f32 to vector<16xf32>
        %add3A_296 = arith.addf %mul3A_293, %add3A_295 : vector<16xf32>
        %add3A_297 = arith.addf %mul3A_273, %add3A_296 : vector<16xf32>
        %mul3A_298 = arith.constant 0.693147182 : f32
        %mul3A_299 = vector.broadcast %mul3A_298 : f32 to vector<16xf32>
        %mul3A_300 = arith.mulf %add3A_297, %mul3A_299 : vector<16xf32>
        %sub3A_301 = arith.subf %mul3A_300, %get3A_268 : vector<16xf32>
        %mul3A_302 = arith.mulf %get3A_262, %sub3A_301 : vector<16xf32>
        %add3A_303 = arith.addf %add3A_256, %mul3A_302 : vector<16xf32>
        %add3A_304 = arith.constant 48 : i32
        %add3A_305 = arith.addi %mul3A_166, %add3A_304 : i32
        %get3A_306 = arith.constant 4 : i32
        %get3A_307 = arith.index_cast %get3A_306 : i32 to index
        %get3A_308 = arith.index_cast %add3A_305 : i32 to index
        %get3A_309 = tpu.vector_load %arg6[%get3A_307, %get3A_308] {strides = array<i32>} : memref<8x4096xf32, #tpu.memory_space<vmem>>, vector<16xf32>,
        %add3A_310 = arith.constant 48 : i32
        %add3A_311 = arith.addi %mul3A_166, %add3A_310 : i32
        %get3A_312 = arith.constant 4 : i32
        %get3A_313 = arith.index_cast %get3A_312 : i32 to index
        %get3A_314 = arith.index_cast %add3A_311 : i32 to index
        %get3A_315 = tpu.vector_load %arg5[%get3A_313, %get3A_314] {strides = array<i32>} : memref<8x4096xf32, #tpu.memory_space<vmem>>, vector<16xf32>,
        %bitcast3A_316 = vector.bitcast %get3A_309 : vector<16xf32> to vector<16xi32>
        %convert_element_type3A_317 = arith.sitofp %bitcast3A_316 : vector<16xi32> to vector<16xf32>
        %mul3A_318 = arith.constant 1.1920929E-7 : f32
        %mul3A_319 = vector.broadcast %mul3A_318 : f32 to vector<16xf32>
        %mul3A_320 = arith.mulf %convert_element_type3A_317, %mul3A_319 : vector<16xf32>
        %shift_right_arithmetic3A_321 = arith.constant 23 : i32
        %shift_right_arithmetic3A_322 = vector.broadcast %shift_right_arithmetic3A_321 : i32 to vector<16xi32>
        %shift_right_arithmetic3A_323 = arith.shrsi %bitcast3A_316, %shift_right_arithmetic3A_322 : vector<16xi32>
        %convert_element_type3A_324 = arith.sitofp %shift_right_arithmetic3A_323 : vector<16xi32> to vector<16xf32>
        %sub3A_325 = arith.subf %mul3A_320, %convert_element_type3A_324 : vector<16xf32>
        %mul3A_326 = arith.constant -0.0791503638 : f32
        %mul3A_327 = vector.broadcast %mul3A_326 : f32 to vector<16xf32>
        %mul3A_328 = arith.mulf %mul3A_327, %sub3A_325 : vector<16xf32>
        %add3A_329 = arith.constant 0.312214255 : f32
        %add3A_330 = vector.broadcast %add3A_329 : f32 to vector<16xf32>
        %add3A_331 = arith.addf %mul3A_328, %add3A_330 : vector<16xf32>
        %mul3A_332 = arith.mulf %add3A_331, %sub3A_325 : vector<16xf32>
        %add3A_333 = arith.constant -0.669515192 : f32
        %add3A_334 = vector.broadcast %add3A_333 : f32 to vector<16xf32>
        %add3A_335 = arith.addf %mul3A_332, %add3A_334 : vector<16xf32>
        %mul3A_336 = arith.mulf %add3A_335, %sub3A_325 : vector<16xf32>
        %add3A_337 = arith.constant 0.436098099 : f32
        %add3A_338 = vector.broadcast %add3A_337 : f32 to vector<16xf32>
        %add3A_339 = arith.addf %mul3A_336, %add3A_338 : vector<16xf32>
        %mul3A_340 = arith.mulf %add3A_339, %sub3A_325 : vector<16xf32>
        %add3A_341 = arith.constant -126.999794 : f32
        %add3A_342 = vector.broadcast %add3A_341 : f32 to vector<16xf32>
        %add3A_343 = arith.addf %mul3A_340, %add3A_342 : vector<16xf32>
        %add3A_344 = arith.addf %mul3A_320, %add3A_343 : vector<16xf32>
        %mul3A_345 = arith.constant 0.693147182 : f32
        %mul3A_346 = vector.broadcast %mul3A_345 : f32 to vector<16xf32>
        %mul3A_347 = arith.mulf %add3A_344, %mul3A_346 : vector<16xf32>
        %sub3A_348 = arith.subf %mul3A_347, %get3A_315 : vector<16xf32>
        %mul3A_349 = arith.mulf %get3A_309, %sub3A_348 : vector<16xf32>
        %add3A_350 = arith.addf %add3A_303, %mul3A_349 : vector<16xf32>
        scf.yield %add3A_350 : vector<16xf32>
      }
      %scan3A_137 = arith.constant 64 : i32
      %scan3A_138 = arith.constant 0 : i32
      %scan3A_139 = arith.constant 64 : i32
      %scan3A_140 = arith.addi %scan3A_138, %scan3A_139 : i32
      %scan3A_141 = arith.constant 1 : i32
      %scan3A_142 = scf.for %scan3A_163 = %scan3A_138 to %scan3A_140 step %scan3A_141 iter_args(%scan3A_164 = %scan3A_136) -> (vector<16xf32>)  : i32 {
        %mul3A_165 = arith.constant 64 : i32
        %mul3A_166 = arith.muli %scan3A_163, %mul3A_165 : i32
        %add3A_167 = arith.constant 0 : i32
        %add3A_168 = arith.addi %mul3A_166, %add3A_167 : i32
        %get3A = arith.constant 5 : i32
        %get3A_169 = arith.index_cast %get3A : i32 to index
        %get3A_170 = arith.index_cast %add3A_168 : i32 to index
        %get3A_171 = tpu.vector_load %arg6[%get3A_169, %get3A_170] {strides = array<i32>} : memref<8x4096xf32, #tpu.memory_space<vmem>>, vector<16xf32>,
        %add3A_172 = arith.constant 0 : i32
        %add3A_173 = arith.addi %mul3A_166, %add3A_172 : i32
        %get3A_174 = arith.constant 5 : i32
        %get3A_175 = arith.index_cast %get3A_174 : i32 to index
        %get3A_176 = arith.index_cast %add3A_173 : i32 to index
        %get3A_177 = tpu.vector_load %arg5[%get3A_175, %get3A_176] {strides = array<i32>} : memref<8x4096xf32, #tpu.memory_space<vmem>>, vector<16xf32>,
        %bitcast3A = vector.bitcast %get3A_171 : vector<16xf32> to vector<16xi32>
        %convert_element_type3A_178 = arith.sitofp %bitcast3A : vector<16xi32> to vector<16xf32>
        %mul3A_179 = arith.constant 1.1920929E-7 : f32
        %mul3A_180 = vector.broadcast %mul3A_179 : f32 to vector<16xf32>
        %mul3A_181 = arith.mulf %convert_element_type3A_178, %mul3A_180 : vector<16xf32>
        %shift_right_arithmetic3A = arith.constant 23 : i32
        %shift_right_arithmetic3A_182 = vector.broadcast %shift_right_arithmetic3A : i32 to vector<16xi32>
        %shift_right_arithmetic3A_183 = arith.shrsi %bitcast3A, %shift_right_arithmetic3A_182 : vector<16xi32>
        %convert_element_type3A_184 = arith.sitofp %shift_right_arithmetic3A_183 : vector<16xi32> to vector<16xf32>
        %sub3A = arith.subf %mul3A_181, %convert_element_type3A_184 : vector<16xf32>
        %mul3A_185 = arith.constant -0.0791503638 : f32
        %mul3A_186 = vector.broadcast %mul3A_185 : f32 to vector<16xf32>
        %mul3A_187 = arith.mulf %mul3A_186, %sub3A : vector<16xf32>
        %add3A_188 = arith.constant 0.312214255 : f32
        %add3A_189 = vector.broadcast %add3A_188 : f32 to vector<16xf32>
        %add3A_190 = arith.addf %mul3A_187, %add3A_189 : vector<16xf32>
        %mul3A_191 = arith.mulf %add3A_190, %sub3A : vector<16xf32>
        %add3A_192 = arith.constant -0.669515192 : f32
        %add3A_193 = vector.broadcast %add3A_192 : f32 to vector<16xf32>
        %add3A_194 = arith.addf %mul3A_191, %add3A_193 : vector<16xf32>
        %mul3A_195 = arith.mulf %add3A_194, %sub3A : vector<16xf32>
        %add3A_196 = arith.constant 0.436098099 : f32
        %add3A_197 = vector.broadcast %add3A_196 : f32 to vector<16xf32>
        %add3A_198 = arith.addf %mul3A_195, %add3A_197 : vector<16xf32>
        %mul3A_199 = arith.mulf %add3A_198, %sub3A : vector<16xf32>
        %add3A_200 = arith.constant -126.999794 : f32
        %add3A_201 = vector.broadcast %add3A_200 : f32 to vector<16xf32>
        %add3A_202 = arith.addf %mul3A_199, %add3A_201 : vector<16xf32>
        %add3A_203 = arith.addf %mul3A_181, %add3A_202 : vector<16xf32>
        %mul3A_204 = arith.constant 0.693147182 : f32
        %mul3A_205 = vector.broadcast %mul3A_204 : f32 to vector<16xf32>
        %mul3A_206 = arith.mulf %add3A_203, %mul3A_205 : vector<16xf32>
        %sub3A_207 = arith.subf %mul3A_206, %get3A_177 : vector<16xf32>
        %mul3A_208 = arith.mulf %get3A_171, %sub3A_207 : vector<16xf32>
        %add3A_209 = arith.addf %scan3A_164, %mul3A_208 : vector<16xf32>
        %add3A_210 = arith.constant 16 : i32
        %add3A_211 = arith.addi %mul3A_166, %add3A_210 : i32
        %get3A_212 = arith.constant 5 : i32
        %get3A_213 = arith.index_cast %get3A_212 : i32 to index
        %get3A_214 = arith.index_cast %add3A_211 : i32 to index
        %get3A_215 = tpu.vector_load %arg6[%get3A_213, %get3A_214] {strides = array<i32>} : memref<8x4096xf32, #tpu.memory_space<vmem>>, vector<16xf32>,
        %add3A_216 = arith.constant 16 : i32
        %add3A_217 = arith.addi %mul3A_166, %add3A_216 : i32
        %get3A_218 = arith.constant 5 : i32
        %get3A_219 = arith.index_cast %get3A_218 : i32 to index
        %get3A_220 = arith.index_cast %add3A_217 : i32 to index
        %get3A_221 = tpu.vector_load %arg5[%get3A_219, %get3A_220] {strides = array<i32>} : memref<8x4096xf32, #tpu.memory_space<vmem>>, vector<16xf32>,
        %bitcast3A_222 = vector.bitcast %get3A_215 : vector<16xf32> to vector<16xi32>
        %convert_element_type3A_223 = arith.sitofp %bitcast3A_222 : vector<16xi32> to vector<16xf32>
        %mul3A_224 = arith.constant 1.1920929E-7 : f32
        %mul3A_225 = vector.broadcast %mul3A_224 : f32 to vector<16xf32>
        %mul3A_226 = arith.mulf %convert_element_type3A_223, %mul3A_225 : vector<16xf32>
        %shift_right_arithmetic3A_227 = arith.constant 23 : i32
        %shift_right_arithmetic3A_228 = vector.broadcast %shift_right_arithmetic3A_227 : i32 to vector<16xi32>
        %shift_right_arithmetic3A_229 = arith.shrsi %bitcast3A_222, %shift_right_arithmetic3A_228 : vector<16xi32>
        %convert_element_type3A_230 = arith.sitofp %shift_right_arithmetic3A_229 : vector<16xi32> to vector<16xf32>
        %sub3A_231 = arith.subf %mul3A_226, %convert_element_type3A_230 : vector<16xf32>
        %mul3A_232 = arith.constant -0.0791503638 : f32
        %mul3A_233 = vector.broadcast %mul3A_232 : f32 to vector<16xf32>
        %mul3A_234 = arith.mulf %mul3A_233, %sub3A_231 : vector<16xf32>
        %add3A_235 = arith.constant 0.312214255 : f32
        %add3A_236 = vector.broadcast %add3A_235 : f32 to vector<16xf32>
        %add3A_237 = arith.addf %mul3A_234, %add3A_236 : vector<16xf32>
        %mul3A_238 = arith.mulf %add3A_237, %sub3A_231 : vector<16xf32>
        %add3A_239 = arith.constant -0.669515192 : f32
        %add3A_240 = vector.broadcast %add3A_239 : f32 to vector<16xf32>
        %add3A_241 = arith.addf %mul3A_238, %add3A_240 : vector<16xf32>
        %mul3A_242 = arith.mulf %add3A_241, %sub3A_231 : vector<16xf32>
        %add3A_243 = arith.constant 0.436098099 : f32
        %add3A_244 = vector.broadcast %add3A_243 : f32 to vector<16xf32>
        %add3A_245 = arith.addf %mul3A_242, %add3A_244 : vector<16xf32>
        %mul3A_246 = arith.mulf %add3A_245, %sub3A_231 : vector<16xf32>
        %add3A_247 = arith.constant -126.999794 : f32
        %add3A_248 = vector.broadcast %add3A_247 : f32 to vector<16xf32>
        %add3A_249 = arith.addf %mul3A_246, %add3A_248 : vector<16xf32>
        %add3A_250 = arith.addf %mul3A_226, %add3A_249 : vector<16xf32>
        %mul3A_251 = arith.constant 0.693147182 : f32
        %mul3A_252 = vector.broadcast %mul3A_251 : f32 to vector<16xf32>
        %mul3A_253 = arith.mulf %add3A_250, %mul3A_252 : vector<16xf32>
        %sub3A_254 = arith.subf %mul3A_253, %get3A_221 : vector<16xf32>
        %mul3A_255 = arith.mulf %get3A_215, %sub3A_254 : vector<16xf32>
        %add3A_256 = arith.addf %add3A_209, %mul3A_255 : vector<16xf32>
        %add3A_257 = arith.constant 32 : i32
        %add3A_258 = arith.addi %mul3A_166, %add3A_257 : i32
        %get3A_259 = arith.constant 5 : i32
        %get3A_260 = arith.index_cast %get3A_259 : i32 to index
        %get3A_261 = arith.index_cast %add3A_258 : i32 to index
        %get3A_262 = tpu.vector_load %arg6[%get3A_260, %get3A_261] {strides = array<i32>} : memref<8x4096xf32, #tpu.memory_space<vmem>>, vector<16xf32>,
        %add3A_263 = arith.constant 32 : i32
        %add3A_264 = arith.addi %mul3A_166, %add3A_263 : i32
        %get3A_265 = arith.constant 5 : i32
        %get3A_266 = arith.index_cast %get3A_265 : i32 to index
        %get3A_267 = arith.index_cast %add3A_264 : i32 to index
        %get3A_268 = tpu.vector_load %arg5[%get3A_266, %get3A_267] {strides = array<i32>} : memref<8x4096xf32, #tpu.memory_space<vmem>>, vector<16xf32>,
        %bitcast3A_269 = vector.bitcast %get3A_262 : vector<16xf32> to vector<16xi32>
        %convert_element_type3A_270 = arith.sitofp %bitcast3A_269 : vector<16xi32> to vector<16xf32>
        %mul3A_271 = arith.constant 1.1920929E-7 : f32
        %mul3A_272 = vector.broadcast %mul3A_271 : f32 to vector<16xf32>
        %mul3A_273 = arith.mulf %convert_element_type3A_270, %mul3A_272 : vector<16xf32>
        %shift_right_arithmetic3A_274 = arith.constant 23 : i32
        %shift_right_arithmetic3A_275 = vector.broadcast %shift_right_arithmetic3A_274 : i32 to vector<16xi32>
        %shift_right_arithmetic3A_276 = arith.shrsi %bitcast3A_269, %shift_right_arithmetic3A_275 : vector<16xi32>
        %convert_element_type3A_277 = arith.sitofp %shift_right_arithmetic3A_276 : vector<16xi32> to vector<16xf32>
        %sub3A_278 = arith.subf %mul3A_273, %convert_element_type3A_277 : vector<16xf32>
        %mul3A_279 = arith.constant -0.0791503638 : f32
        %mul3A_280 = vector.broadcast %mul3A_279 : f32 to vector<16xf32>
        %mul3A_281 = arith.mulf %mul3A_280, %sub3A_278 : vector<16xf32>
        %add3A_282 = arith.constant 0.312214255 : f32
        %add3A_283 = vector.broadcast %add3A_282 : f32 to vector<16xf32>
        %add3A_284 = arith.addf %mul3A_281, %add3A_283 : vector<16xf32>
        %mul3A_285 = arith.mulf %add3A_284, %sub3A_278 : vector<16xf32>
        %add3A_286 = arith.constant -0.669515192 : f32
        %add3A_287 = vector.broadcast %add3A_286 : f32 to vector<16xf32>
        %add3A_288 = arith.addf %mul3A_285, %add3A_287 : vector<16xf32>
        %mul3A_289 = arith.mulf %add3A_288, %sub3A_278 : vector<16xf32>
        %add3A_290 = arith.constant 0.436098099 : f32
        %add3A_291 = vector.broadcast %add3A_290 : f32 to vector<16xf32>
        %add3A_292 = arith.addf %mul3A_289, %add3A_291 : vector<16xf32>
        %mul3A_293 = arith.mulf %add3A_292, %sub3A_278 : vector<16xf32>
        %add3A_294 = arith.constant -126.999794 : f32
        %add3A_295 = vector.broadcast %add3A_294 : f32 to vector<16xf32>
        %add3A_296 = arith.addf %mul3A_293, %add3A_295 : vector<16xf32>
        %add3A_297 = arith.addf %mul3A_273, %add3A_296 : vector<16xf32>
        %mul3A_298 = arith.constant 0.693147182 : f32
        %mul3A_299 = vector.broadcast %mul3A_298 : f32 to vector<16xf32>
        %mul3A_300 = arith.mulf %add3A_297, %mul3A_299 : vector<16xf32>
        %sub3A_301 = arith.subf %mul3A_300, %get3A_268 : vector<16xf32>
        %mul3A_302 = arith.mulf %get3A_262, %sub3A_301 : vector<16xf32>
        %add3A_303 = arith.addf %add3A_256, %mul3A_302 : vector<16xf32>
        %add3A_304 = arith.constant 48 : i32
        %add3A_305 = arith.addi %mul3A_166, %add3A_304 : i32
        %get3A_306 = arith.constant 5 : i32
        %get3A_307 = arith.index_cast %get3A_306 : i32 to index
        %get3A_308 = arith.index_cast %add3A_305 : i32 to index
        %get3A_309 = tpu.vector_load %arg6[%get3A_307, %get3A_308] {strides = array<i32>} : memref<8x4096xf32, #tpu.memory_space<vmem>>, vector<16xf32>,
        %add3A_310 = arith.constant 48 : i32
        %add3A_311 = arith.addi %mul3A_166, %add3A_310 : i32
        %get3A_312 = arith.constant 5 : i32
        %get3A_313 = arith.index_cast %get3A_312 : i32 to index
        %get3A_314 = arith.index_cast %add3A_311 : i32 to index
        %get3A_315 = tpu.vector_load %arg5[%get3A_313, %get3A_314] {strides = array<i32>} : memref<8x4096xf32, #tpu.memory_space<vmem>>, vector<16xf32>,
        %bitcast3A_316 = vector.bitcast %get3A_309 : vector<16xf32> to vector<16xi32>
        %convert_element_type3A_317 = arith.sitofp %bitcast3A_316 : vector<16xi32> to vector<16xf32>
        %mul3A_318 = arith.constant 1.1920929E-7 : f32
        %mul3A_319 = vector.broadcast %mul3A_318 : f32 to vector<16xf32>
        %mul3A_320 = arith.mulf %convert_element_type3A_317, %mul3A_319 : vector<16xf32>
        %shift_right_arithmetic3A_321 = arith.constant 23 : i32
        %shift_right_arithmetic3A_322 = vector.broadcast %shift_right_arithmetic3A_321 : i32 to vector<16xi32>
        %shift_right_arithmetic3A_323 = arith.shrsi %bitcast3A_316, %shift_right_arithmetic3A_322 : vector<16xi32>
        %convert_element_type3A_324 = arith.sitofp %shift_right_arithmetic3A_323 : vector<16xi32> to vector<16xf32>
        %sub3A_325 = arith.subf %mul3A_320, %convert_element_type3A_324 : vector<16xf32>
        %mul3A_326 = arith.constant -0.0791503638 : f32
        %mul3A_327 = vector.broadcast %mul3A_326 : f32 to vector<16xf32>
        %mul3A_328 = arith.mulf %mul3A_327, %sub3A_325 : vector<16xf32>
        %add3A_329 = arith.constant 0.312214255 : f32
        %add3A_330 = vector.broadcast %add3A_329 : f32 to vector<16xf32>
        %add3A_331 = arith.addf %mul3A_328, %add3A_330 : vector<16xf32>
        %mul3A_332 = arith.mulf %add3A_331, %sub3A_325 : vector<16xf32>
        %add3A_333 = arith.constant -0.669515192 : f32
        %add3A_334 = vector.broadcast %add3A_333 : f32 to vector<16xf32>
        %add3A_335 = arith.addf %mul3A_332, %add3A_334 : vector<16xf32>
        %mul3A_336 = arith.mulf %add3A_335, %sub3A_325 : vector<16xf32>
        %add3A_337 = arith.constant 0.436098099 : f32
        %add3A_338 = vector.broadcast %add3A_337 : f32 to vector<16xf32>
        %add3A_339 = arith.addf %mul3A_336, %add3A_338 : vector<16xf32>
        %mul3A_340 = arith.mulf %add3A_339, %sub3A_325 : vector<16xf32>
        %add3A_341 = arith.constant -126.999794 : f32
        %add3A_342 = vector.broadcast %add3A_341 : f32 to vector<16xf32>
        %add3A_343 = arith.addf %mul3A_340, %add3A_342 : vector<16xf32>
        %add3A_344 = arith.addf %mul3A_320, %add3A_343 : vector<16xf32>
        %mul3A_345 = arith.constant 0.693147182 : f32
        %mul3A_346 = vector.broadcast %mul3A_345 : f32 to vector<16xf32>
        %mul3A_347 = arith.mulf %add3A_344, %mul3A_346 : vector<16xf32>
        %sub3A_348 = arith.subf %mul3A_347, %get3A_315 : vector<16xf32>
        %mul3A_349 = arith.mulf %get3A_309, %sub3A_348 : vector<16xf32>
        %add3A_350 = arith.addf %add3A_303, %mul3A_349 : vector<16xf32>
        scf.yield %add3A_350 : vector<16xf32>
      }
      %scan3A_143 = arith.constant 64 : i32
      %scan3A_144 = arith.constant 0 : i32
      %scan3A_145 = arith.constant 64 : i32
      %scan3A_146 = arith.addi %scan3A_144, %scan3A_145 : i32
      %scan3A_147 = arith.constant 1 : i32
      %scan3A_148 = scf.for %scan3A_163 = %scan3A_144 to %scan3A_146 step %scan3A_147 iter_args(%scan3A_164 = %scan3A_142) -> (vector<16xf32>)  : i32 {
        %mul3A_165 = arith.constant 64 : i32
        %mul3A_166 = arith.muli %scan3A_163, %mul3A_165 : i32
        %add3A_167 = arith.constant 0 : i32
        %add3A_168 = arith.addi %mul3A_166, %add3A_167 : i32
        %get3A = arith.constant 6 : i32
        %get3A_169 = arith.index_cast %get3A : i32 to index
        %get3A_170 = arith.index_cast %add3A_168 : i32 to index
        %get3A_171 = tpu.vector_load %arg6[%get3A_169, %get3A_170] {strides = array<i32>} : memref<8x4096xf32, #tpu.memory_space<vmem>>, vector<16xf32>,
        %add3A_172 = arith.constant 0 : i32
        %add3A_173 = arith.addi %mul3A_166, %add3A_172 : i32
        %get3A_174 = arith.constant 6 : i32
        %get3A_175 = arith.index_cast %get3A_174 : i32 to index
        %get3A_176 = arith.index_cast %add3A_173 : i32 to index
        %get3A_177 = tpu.vector_load %arg5[%get3A_175, %get3A_176] {strides = array<i32>} : memref<8x4096xf32, #tpu.memory_space<vmem>>, vector<16xf32>,
        %bitcast3A = vector.bitcast %get3A_171 : vector<16xf32> to vector<16xi32>
        %convert_element_type3A_178 = arith.sitofp %bitcast3A : vector<16xi32> to vector<16xf32>
        %mul3A_179 = arith.constant 1.1920929E-7 : f32
        %mul3A_180 = vector.broadcast %mul3A_179 : f32 to vector<16xf32>
        %mul3A_181 = arith.mulf %convert_element_type3A_178, %mul3A_180 : vector<16xf32>
        %shift_right_arithmetic3A = arith.constant 23 : i32
        %shift_right_arithmetic3A_182 = vector.broadcast %shift_right_arithmetic3A : i32 to vector<16xi32>
        %shift_right_arithmetic3A_183 = arith.shrsi %bitcast3A, %shift_right_arithmetic3A_182 : vector<16xi32>
        %convert_element_type3A_184 = arith.sitofp %shift_right_arithmetic3A_183 : vector<16xi32> to vector<16xf32>
        %sub3A = arith.subf %mul3A_181, %convert_element_type3A_184 : vector<16xf32>
        %mul3A_185 = arith.constant -0.0791503638 : f32
        %mul3A_186 = vector.broadcast %mul3A_185 : f32 to vector<16xf32>
        %mul3A_187 = arith.mulf %mul3A_186, %sub3A : vector<16xf32>
        %add3A_188 = arith.constant 0.312214255 : f32
        %add3A_189 = vector.broadcast %add3A_188 : f32 to vector<16xf32>
        %add3A_190 = arith.addf %mul3A_187, %add3A_189 : vector<16xf32>
        %mul3A_191 = arith.mulf %add3A_190, %sub3A : vector<16xf32>
        %add3A_192 = arith.constant -0.669515192 : f32
        %add3A_193 = vector.broadcast %add3A_192 : f32 to vector<16xf32>
        %add3A_194 = arith.addf %mul3A_191, %add3A_193 : vector<16xf32>
        %mul3A_195 = arith.mulf %add3A_194, %sub3A : vector<16xf32>
        %add3A_196 = arith.constant 0.436098099 : f32
        %add3A_197 = vector.broadcast %add3A_196 : f32 to vector<16xf32>
        %add3A_198 = arith.addf %mul3A_195, %add3A_197 : vector<16xf32>
        %mul3A_199 = arith.mulf %add3A_198, %sub3A : vector<16xf32>
        %add3A_200 = arith.constant -126.999794 : f32
        %add3A_201 = vector.broadcast %add3A_200 : f32 to vector<16xf32>
        %add3A_202 = arith.addf %mul3A_199, %add3A_201 : vector<16xf32>
        %add3A_203 = arith.addf %mul3A_181, %add3A_202 : vector<16xf32>
        %mul3A_204 = arith.constant 0.693147182 : f32
        %mul3A_205 = vector.broadcast %mul3A_204 : f32 to vector<16xf32>
        %mul3A_206 = arith.mulf %add3A_203, %mul3A_205 : vector<16xf32>
        %sub3A_207 = arith.subf %mul3A_206, %get3A_177 : vector<16xf32>
        %mul3A_208 = arith.mulf %get3A_171, %sub3A_207 : vector<16xf32>
        %add3A_209 = arith.addf %scan3A_164, %mul3A_208 : vector<16xf32>
        %add3A_210 = arith.constant 16 : i32
        %add3A_211 = arith.addi %mul3A_166, %add3A_210 : i32
        %get3A_212 = arith.constant 6 : i32
        %get3A_213 = arith.index_cast %get3A_212 : i32 to index
        %get3A_214 = arith.index_cast %add3A_211 : i32 to index
        %get3A_215 = tpu.vector_load %arg6[%get3A_213, %get3A_214] {strides = array<i32>} : memref<8x4096xf32, #tpu.memory_space<vmem>>, vector<16xf32>,
        %add3A_216 = arith.constant 16 : i32
        %add3A_217 = arith.addi %mul3A_166, %add3A_216 : i32
        %get3A_218 = arith.constant 6 : i32
        %get3A_219 = arith.index_cast %get3A_218 : i32 to index
        %get3A_220 = arith.index_cast %add3A_217 : i32 to index
        %get3A_221 = tpu.vector_load %arg5[%get3A_219, %get3A_220] {strides = array<i32>} : memref<8x4096xf32, #tpu.memory_space<vmem>>, vector<16xf32>,
        %bitcast3A_222 = vector.bitcast %get3A_215 : vector<16xf32> to vector<16xi32>
        %convert_element_type3A_223 = arith.sitofp %bitcast3A_222 : vector<16xi32> to vector<16xf32>
        %mul3A_224 = arith.constant 1.1920929E-7 : f32
        %mul3A_225 = vector.broadcast %mul3A_224 : f32 to vector<16xf32>
        %mul3A_226 = arith.mulf %convert_element_type3A_223, %mul3A_225 : vector<16xf32>
        %shift_right_arithmetic3A_227 = arith.constant 23 : i32
        %shift_right_arithmetic3A_228 = vector.broadcast %shift_right_arithmetic3A_227 : i32 to vector<16xi32>
        %shift_right_arithmetic3A_229 = arith.shrsi %bitcast3A_222, %shift_right_arithmetic3A_228 : vector<16xi32>
        %convert_element_type3A_230 = arith.sitofp %shift_right_arithmetic3A_229 : vector<16xi32> to vector<16xf32>
        %sub3A_231 = arith.subf %mul3A_226, %convert_element_type3A_230 : vector<16xf32>
        %mul3A_232 = arith.constant -0.0791503638 : f32
        %mul3A_233 = vector.broadcast %mul3A_232 : f32 to vector<16xf32>
        %mul3A_234 = arith.mulf %mul3A_233, %sub3A_231 : vector<16xf32>
        %add3A_235 = arith.constant 0.312214255 : f32
        %add3A_236 = vector.broadcast %add3A_235 : f32 to vector<16xf32>
        %add3A_237 = arith.addf %mul3A_234, %add3A_236 : vector<16xf32>
        %mul3A_238 = arith.mulf %add3A_237, %sub3A_231 : vector<16xf32>
        %add3A_239 = arith.constant -0.669515192 : f32
        %add3A_240 = vector.broadcast %add3A_239 : f32 to vector<16xf32>
        %add3A_241 = arith.addf %mul3A_238, %add3A_240 : vector<16xf32>
        %mul3A_242 = arith.mulf %add3A_241, %sub3A_231 : vector<16xf32>
        %add3A_243 = arith.constant 0.436098099 : f32
        %add3A_244 = vector.broadcast %add3A_243 : f32 to vector<16xf32>
        %add3A_245 = arith.addf %mul3A_242, %add3A_244 : vector<16xf32>
        %mul3A_246 = arith.mulf %add3A_245, %sub3A_231 : vector<16xf32>
        %add3A_247 = arith.constant -126.999794 : f32
        %add3A_248 = vector.broadcast %add3A_247 : f32 to vector<16xf32>
        %add3A_249 = arith.addf %mul3A_246, %add3A_248 : vector<16xf32>
        %add3A_250 = arith.addf %mul3A_226, %add3A_249 : vector<16xf32>
        %mul3A_251 = arith.constant 0.693147182 : f32
        %mul3A_252 = vector.broadcast %mul3A_251 : f32 to vector<16xf32>
        %mul3A_253 = arith.mulf %add3A_250, %mul3A_252 : vector<16xf32>
        %sub3A_254 = arith.subf %mul3A_253, %get3A_221 : vector<16xf32>
        %mul3A_255 = arith.mulf %get3A_215, %sub3A_254 : vector<16xf32>
        %add3A_256 = arith.addf %add3A_209, %mul3A_255 : vector<16xf32>
        %add3A_257 = arith.constant 32 : i32
        %add3A_258 = arith.addi %mul3A_166, %add3A_257 : i32
        %get3A_259 = arith.constant 6 : i32
        %get3A_260 = arith.index_cast %get3A_259 : i32 to index
        %get3A_261 = arith.index_cast %add3A_258 : i32 to index
        %get3A_262 = tpu.vector_load %arg6[%get3A_260, %get3A_261] {strides = array<i32>} : memref<8x4096xf32, #tpu.memory_space<vmem>>, vector<16xf32>,
        %add3A_263 = arith.constant 32 : i32
        %add3A_264 = arith.addi %mul3A_166, %add3A_263 : i32
        %get3A_265 = arith.constant 6 : i32
        %get3A_266 = arith.index_cast %get3A_265 : i32 to index
        %get3A_267 = arith.index_cast %add3A_264 : i32 to index
        %get3A_268 = tpu.vector_load %arg5[%get3A_266, %get3A_267] {strides = array<i32>} : memref<8x4096xf32, #tpu.memory_space<vmem>>, vector<16xf32>,
        %bitcast3A_269 = vector.bitcast %get3A_262 : vector<16xf32> to vector<16xi32>
        %convert_element_type3A_270 = arith.sitofp %bitcast3A_269 : vector<16xi32> to vector<16xf32>
        %mul3A_271 = arith.constant 1.1920929E-7 : f32
        %mul3A_272 = vector.broadcast %mul3A_271 : f32 to vector<16xf32>
        %mul3A_273 = arith.mulf %convert_element_type3A_270, %mul3A_272 : vector<16xf32>
        %shift_right_arithmetic3A_274 = arith.constant 23 : i32
        %shift_right_arithmetic3A_275 = vector.broadcast %shift_right_arithmetic3A_274 : i32 to vector<16xi32>
        %shift_right_arithmetic3A_276 = arith.shrsi %bitcast3A_269, %shift_right_arithmetic3A_275 : vector<16xi32>
        %convert_element_type3A_277 = arith.sitofp %shift_right_arithmetic3A_276 : vector<16xi32> to vector<16xf32>
        %sub3A_278 = arith.subf %mul3A_273, %convert_element_type3A_277 : vector<16xf32>
        %mul3A_279 = arith.constant -0.0791503638 : f32
        %mul3A_280 = vector.broadcast %mul3A_279 : f32 to vector<16xf32>
        %mul3A_281 = arith.mulf %mul3A_280, %sub3A_278 : vector<16xf32>
        %add3A_282 = arith.constant 0.312214255 : f32
        %add3A_283 = vector.broadcast %add3A_282 : f32 to vector<16xf32>
        %add3A_284 = arith.addf %mul3A_281, %add3A_283 : vector<16xf32>
        %mul3A_285 = arith.mulf %add3A_284, %sub3A_278 : vector<16xf32>
        %add3A_286 = arith.constant -0.669515192 : f32
        %add3A_287 = vector.broadcast %add3A_286 : f32 to vector<16xf32>
        %add3A_288 = arith.addf %mul3A_285, %add3A_287 : vector<16xf32>
        %mul3A_289 = arith.mulf %add3A_288, %sub3A_278 : vector<16xf32>
        %add3A_290 = arith.constant 0.436098099 : f32
        %add3A_291 = vector.broadcast %add3A_290 : f32 to vector<16xf32>
        %add3A_292 = arith.addf %mul3A_289, %add3A_291 : vector<16xf32>
        %mul3A_293 = arith.mulf %add3A_292, %sub3A_278 : vector<16xf32>
        %add3A_294 = arith.constant -126.999794 : f32
        %add3A_295 = vector.broadcast %add3A_294 : f32 to vector<16xf32>
        %add3A_296 = arith.addf %mul3A_293, %add3A_295 : vector<16xf32>
        %add3A_297 = arith.addf %mul3A_273, %add3A_296 : vector<16xf32>
        %mul3A_298 = arith.constant 0.693147182 : f32
        %mul3A_299 = vector.broadcast %mul3A_298 : f32 to vector<16xf32>
        %mul3A_300 = arith.mulf %add3A_297, %mul3A_299 : vector<16xf32>
        %sub3A_301 = arith.subf %mul3A_300, %get3A_268 : vector<16xf32>
        %mul3A_302 = arith.mulf %get3A_262, %sub3A_301 : vector<16xf32>
        %add3A_303 = arith.addf %add3A_256, %mul3A_302 : vector<16xf32>
        %add3A_304 = arith.constant 48 : i32
        %add3A_305 = arith.addi %mul3A_166, %add3A_304 : i32
        %get3A_306 = arith.constant 6 : i32
        %get3A_307 = arith.index_cast %get3A_306 : i32 to index
        %get3A_308 = arith.index_cast %add3A_305 : i32 to index
        %get3A_309 = tpu.vector_load %arg6[%get3A_307, %get3A_308] {strides = array<i32>} : memref<8x4096xf32, #tpu.memory_space<vmem>>, vector<16xf32>,
        %add3A_310 = arith.constant 48 : i32
        %add3A_311 = arith.addi %mul3A_166, %add3A_310 : i32
        %get3A_312 = arith.constant 6 : i32
        %get3A_313 = arith.index_cast %get3A_312 : i32 to index
        %get3A_314 = arith.index_cast %add3A_311 : i32 to index
        %get3A_315 = tpu.vector_load %arg5[%get3A_313, %get3A_314] {strides = array<i32>} : memref<8x4096xf32, #tpu.memory_space<vmem>>, vector<16xf32>,
        %bitcast3A_316 = vector.bitcast %get3A_309 : vector<16xf32> to vector<16xi32>
        %convert_element_type3A_317 = arith.sitofp %bitcast3A_316 : vector<16xi32> to vector<16xf32>
        %mul3A_318 = arith.constant 1.1920929E-7 : f32
        %mul3A_319 = vector.broadcast %mul3A_318 : f32 to vector<16xf32>
        %mul3A_320 = arith.mulf %convert_element_type3A_317, %mul3A_319 : vector<16xf32>
        %shift_right_arithmetic3A_321 = arith.constant 23 : i32
        %shift_right_arithmetic3A_322 = vector.broadcast %shift_right_arithmetic3A_321 : i32 to vector<16xi32>
        %shift_right_arithmetic3A_323 = arith.shrsi %bitcast3A_316, %shift_right_arithmetic3A_322 : vector<16xi32>
        %convert_element_type3A_324 = arith.sitofp %shift_right_arithmetic3A_323 : vector<16xi32> to vector<16xf32>
        %sub3A_325 = arith.subf %mul3A_320, %convert_element_type3A_324 : vector<16xf32>
        %mul3A_326 = arith.constant -0.0791503638 : f32
        %mul3A_327 = vector.broadcast %mul3A_326 : f32 to vector<16xf32>
        %mul3A_328 = arith.mulf %mul3A_327, %sub3A_325 : vector<16xf32>
        %add3A_329 = arith.constant 0.312214255 : f32
        %add3A_330 = vector.broadcast %add3A_329 : f32 to vector<16xf32>
        %add3A_331 = arith.addf %mul3A_328, %add3A_330 : vector<16xf32>
        %mul3A_332 = arith.mulf %add3A_331, %sub3A_325 : vector<16xf32>
        %add3A_333 = arith.constant -0.669515192 : f32
        %add3A_334 = vector.broadcast %add3A_333 : f32 to vector<16xf32>
        %add3A_335 = arith.addf %mul3A_332, %add3A_334 : vector<16xf32>
        %mul3A_336 = arith.mulf %add3A_335, %sub3A_325 : vector<16xf32>
        %add3A_337 = arith.constant 0.436098099 : f32
        %add3A_338 = vector.broadcast %add3A_337 : f32 to vector<16xf32>
        %add3A_339 = arith.addf %mul3A_336, %add3A_338 : vector<16xf32>
        %mul3A_340 = arith.mulf %add3A_339, %sub3A_325 : vector<16xf32>
        %add3A_341 = arith.constant -126.999794 : f32
        %add3A_342 = vector.broadcast %add3A_341 : f32 to vector<16xf32>
        %add3A_343 = arith.addf %mul3A_340, %add3A_342 : vector<16xf32>
        %add3A_344 = arith.addf %mul3A_320, %add3A_343 : vector<16xf32>
        %mul3A_345 = arith.constant 0.693147182 : f32
        %mul3A_346 = vector.broadcast %mul3A_345 : f32 to vector<16xf32>
        %mul3A_347 = arith.mulf %add3A_344, %mul3A_346 : vector<16xf32>
        %sub3A_348 = arith.subf %mul3A_347, %get3A_315 : vector<16xf32>
        %mul3A_349 = arith.mulf %get3A_309, %sub3A_348 : vector<16xf32>
        %add3A_350 = arith.addf %add3A_303, %mul3A_349 : vector<16xf32>
        scf.yield %add3A_350 : vector<16xf32>
      }
      %scan3A_149 = arith.constant 64 : i32
      %scan3A_150 = arith.constant 0 : i32
      %scan3A_151 = arith.constant 64 : i32
      %scan3A_152 = arith.addi %scan3A_150, %scan3A_151 : i32
      %scan3A_153 = arith.constant 1 : i32
      %scan3A_154 = scf.for %scan3A_163 = %scan3A_150 to %scan3A_152 step %scan3A_153 iter_args(%scan3A_164 = %scan3A_148) -> (vector<16xf32>)  : i32 {
        %mul3A_165 = arith.constant 64 : i32
        %mul3A_166 = arith.muli %scan3A_163, %mul3A_165 : i32
        %add3A_167 = arith.constant 0 : i32
        %add3A_168 = arith.addi %mul3A_166, %add3A_167 : i32
        %get3A = arith.constant 7 : i32
        %get3A_169 = arith.index_cast %get3A : i32 to index
        %get3A_170 = arith.index_cast %add3A_168 : i32 to index
        %get3A_171 = tpu.vector_load %arg6[%get3A_169, %get3A_170] {strides = array<i32>} : memref<8x4096xf32, #tpu.memory_space<vmem>>, vector<16xf32>,
        %add3A_172 = arith.constant 0 : i32
        %add3A_173 = arith.addi %mul3A_166, %add3A_172 : i32
        %get3A_174 = arith.constant 7 : i32
        %get3A_175 = arith.index_cast %get3A_174 : i32 to index
        %get3A_176 = arith.index_cast %add3A_173 : i32 to index
        %get3A_177 = tpu.vector_load %arg5[%get3A_175, %get3A_176] {strides = array<i32>} : memref<8x4096xf32, #tpu.memory_space<vmem>>, vector<16xf32>,
        %bitcast3A = vector.bitcast %get3A_171 : vector<16xf32> to vector<16xi32>
        %convert_element_type3A_178 = arith.sitofp %bitcast3A : vector<16xi32> to vector<16xf32>
        %mul3A_179 = arith.constant 1.1920929E-7 : f32
        %mul3A_180 = vector.broadcast %mul3A_179 : f32 to vector<16xf32>
        %mul3A_181 = arith.mulf %convert_element_type3A_178, %mul3A_180 : vector<16xf32>
        %shift_right_arithmetic3A = arith.constant 23 : i32
        %shift_right_arithmetic3A_182 = vector.broadcast %shift_right_arithmetic3A : i32 to vector<16xi32>
        %shift_right_arithmetic3A_183 = arith.shrsi %bitcast3A, %shift_right_arithmetic3A_182 : vector<16xi32>
        %convert_element_type3A_184 = arith.sitofp %shift_right_arithmetic3A_183 : vector<16xi32> to vector<16xf32>
        %sub3A = arith.subf %mul3A_181, %convert_element_type3A_184 : vector<16xf32>
        %mul3A_185 = arith.constant -0.0791503638 : f32
        %mul3A_186 = vector.broadcast %mul3A_185 : f32 to vector<16xf32>
        %mul3A_187 = arith.mulf %mul3A_186, %sub3A : vector<16xf32>
        %add3A_188 = arith.constant 0.312214255 : f32
        %add3A_189 = vector.broadcast %add3A_188 : f32 to vector<16xf32>
        %add3A_190 = arith.addf %mul3A_187, %add3A_189 : vector<16xf32>
        %mul3A_191 = arith.mulf %add3A_190, %sub3A : vector<16xf32>
        %add3A_192 = arith.constant -0.669515192 : f32
        %add3A_193 = vector.broadcast %add3A_192 : f32 to vector<16xf32>
        %add3A_194 = arith.addf %mul3A_191, %add3A_193 : vector<16xf32>
        %mul3A_195 = arith.mulf %add3A_194, %sub3A : vector<16xf32>
        %add3A_196 = arith.constant 0.436098099 : f32
        %add3A_197 = vector.broadcast %add3A_196 : f32 to vector<16xf32>
        %add3A_198 = arith.addf %mul3A_195, %add3A_197 : vector<16xf32>
        %mul3A_199 = arith.mulf %add3A_198, %sub3A : vector<16xf32>
        %add3A_200 = arith.constant -126.999794 : f32
        %add3A_201 = vector.broadcast %add3A_200 : f32 to vector<16xf32>
        %add3A_202 = arith.addf %mul3A_199, %add3A_201 : vector<16xf32>
        %add3A_203 = arith.addf %mul3A_181, %add3A_202 : vector<16xf32>
        %mul3A_204 = arith.constant 0.693147182 : f32
        %mul3A_205 = vector.broadcast %mul3A_204 : f32 to vector<16xf32>
        %mul3A_206 = arith.mulf %add3A_203, %mul3A_205 : vector<16xf32>
        %sub3A_207 = arith.subf %mul3A_206, %get3A_177 : vector<16xf32>
        %mul3A_208 = arith.mulf %get3A_171, %sub3A_207 : vector<16xf32>
        %add3A_209 = arith.addf %scan3A_164, %mul3A_208 : vector<16xf32>
        %add3A_210 = arith.constant 16 : i32
        %add3A_211 = arith.addi %mul3A_166, %add3A_210 : i32
        %get3A_212 = arith.constant 7 : i32
        %get3A_213 = arith.index_cast %get3A_212 : i32 to index
        %get3A_214 = arith.index_cast %add3A_211 : i32 to index
        %get3A_215 = tpu.vector_load %arg6[%get3A_213, %get3A_214] {strides = array<i32>} : memref<8x4096xf32, #tpu.memory_space<vmem>>, vector<16xf32>,
        %add3A_216 = arith.constant 16 : i32
        %add3A_217 = arith.addi %mul3A_166, %add3A_216 : i32
        %get3A_218 = arith.constant 7 : i32
        %get3A_219 = arith.index_cast %get3A_218 : i32 to index
        %get3A_220 = arith.index_cast %add3A_217 : i32 to index
        %get3A_221 = tpu.vector_load %arg5[%get3A_219, %get3A_220] {strides = array<i32>} : memref<8x4096xf32, #tpu.memory_space<vmem>>, vector<16xf32>,
        %bitcast3A_222 = vector.bitcast %get3A_215 : vector<16xf32> to vector<16xi32>
        %convert_element_type3A_223 = arith.sitofp %bitcast3A_222 : vector<16xi32> to vector<16xf32>
        %mul3A_224 = arith.constant 1.1920929E-7 : f32
        %mul3A_225 = vector.broadcast %mul3A_224 : f32 to vector<16xf32>
        %mul3A_226 = arith.mulf %convert_element_type3A_223, %mul3A_225 : vector<16xf32>
        %shift_right_arithmetic3A_227 = arith.constant 23 : i32
        %shift_right_arithmetic3A_228 = vector.broadcast %shift_right_arithmetic3A_227 : i32 to vector<16xi32>
        %shift_right_arithmetic3A_229 = arith.shrsi %bitcast3A_222, %shift_right_arithmetic3A_228 : vector<16xi32>
        %convert_element_type3A_230 = arith.sitofp %shift_right_arithmetic3A_229 : vector<16xi32> to vector<16xf32>
        %sub3A_231 = arith.subf %mul3A_226, %convert_element_type3A_230 : vector<16xf32>
        %mul3A_232 = arith.constant -0.0791503638 : f32
        %mul3A_233 = vector.broadcast %mul3A_232 : f32 to vector<16xf32>
        %mul3A_234 = arith.mulf %mul3A_233, %sub3A_231 : vector<16xf32>
        %add3A_235 = arith.constant 0.312214255 : f32
        %add3A_236 = vector.broadcast %add3A_235 : f32 to vector<16xf32>
        %add3A_237 = arith.addf %mul3A_234, %add3A_236 : vector<16xf32>
        %mul3A_238 = arith.mulf %add3A_237, %sub3A_231 : vector<16xf32>
        %add3A_239 = arith.constant -0.669515192 : f32
        %add3A_240 = vector.broadcast %add3A_239 : f32 to vector<16xf32>
        %add3A_241 = arith.addf %mul3A_238, %add3A_240 : vector<16xf32>
        %mul3A_242 = arith.mulf %add3A_241, %sub3A_231 : vector<16xf32>
        %add3A_243 = arith.constant 0.436098099 : f32
        %add3A_244 = vector.broadcast %add3A_243 : f32 to vector<16xf32>
        %add3A_245 = arith.addf %mul3A_242, %add3A_244 : vector<16xf32>
        %mul3A_246 = arith.mulf %add3A_245, %sub3A_231 : vector<16xf32>
        %add3A_247 = arith.constant -126.999794 : f32
        %add3A_248 = vector.broadcast %add3A_247 : f32 to vector<16xf32>
        %add3A_249 = arith.addf %mul3A_246, %add3A_248 : vector<16xf32>
        %add3A_250 = arith.addf %mul3A_226, %add3A_249 : vector<16xf32>
        %mul3A_251 = arith.constant 0.693147182 : f32
        %mul3A_252 = vector.broadcast %mul3A_251 : f32 to vector<16xf32>
        %mul3A_253 = arith.mulf %add3A_250, %mul3A_252 : vector<16xf32>
        %sub3A_254 = arith.subf %mul3A_253, %get3A_221 : vector<16xf32>
        %mul3A_255 = arith.mulf %get3A_215, %sub3A_254 : vector<16xf32>
        %add3A_256 = arith.addf %add3A_209, %mul3A_255 : vector<16xf32>
        %add3A_257 = arith.constant 32 : i32
        %add3A_258 = arith.addi %mul3A_166, %add3A_257 : i32
        %get3A_259 = arith.constant 7 : i32
        %get3A_260 = arith.index_cast %get3A_259 : i32 to index
        %get3A_261 = arith.index_cast %add3A_258 : i32 to index
        %get3A_262 = tpu.vector_load %arg6[%get3A_260, %get3A_261] {strides = array<i32>} : memref<8x4096xf32, #tpu.memory_space<vmem>>, vector<16xf32>,
        %add3A_263 = arith.constant 32 : i32
        %add3A_264 = arith.addi %mul3A_166, %add3A_263 : i32
        %get3A_265 = arith.constant 7 : i32
        %get3A_266 = arith.index_cast %get3A_265 : i32 to index
        %get3A_267 = arith.index_cast %add3A_264 : i32 to index
        %get3A_268 = tpu.vector_load %arg5[%get3A_266, %get3A_267] {strides = array<i32>} : memref<8x4096xf32, #tpu.memory_space<vmem>>, vector<16xf32>,
        %bitcast3A_269 = vector.bitcast %get3A_262 : vector<16xf32> to vector<16xi32>
        %convert_element_type3A_270 = arith.sitofp %bitcast3A_269 : vector<16xi32> to vector<16xf32>
        %mul3A_271 = arith.constant 1.1920929E-7 : f32
        %mul3A_272 = vector.broadcast %mul3A_271 : f32 to vector<16xf32>
        %mul3A_273 = arith.mulf %convert_element_type3A_270, %mul3A_272 : vector<16xf32>
        %shift_right_arithmetic3A_274 = arith.constant 23 : i32
        %shift_right_arithmetic3A_275 = vector.broadcast %shift_right_arithmetic3A_274 : i32 to vector<16xi32>
        %shift_right_arithmetic3A_276 = arith.shrsi %bitcast3A_269, %shift_right_arithmetic3A_275 : vector<16xi32>
        %convert_element_type3A_277 = arith.sitofp %shift_right_arithmetic3A_276 : vector<16xi32> to vector<16xf32>
        %sub3A_278 = arith.subf %mul3A_273, %convert_element_type3A_277 : vector<16xf32>
        %mul3A_279 = arith.constant -0.0791503638 : f32
        %mul3A_280 = vector.broadcast %mul3A_279 : f32 to vector<16xf32>
        %mul3A_281 = arith.mulf %mul3A_280, %sub3A_278 : vector<16xf32>
        %add3A_282 = arith.constant 0.312214255 : f32
        %add3A_283 = vector.broadcast %add3A_282 : f32 to vector<16xf32>
        %add3A_284 = arith.addf %mul3A_281, %add3A_283 : vector<16xf32>
        %mul3A_285 = arith.mulf %add3A_284, %sub3A_278 : vector<16xf32>
        %add3A_286 = arith.constant -0.669515192 : f32
        %add3A_287 = vector.broadcast %add3A_286 : f32 to vector<16xf32>
        %add3A_288 = arith.addf %mul3A_285, %add3A_287 : vector<16xf32>
        %mul3A_289 = arith.mulf %add3A_288, %sub3A_278 : vector<16xf32>
        %add3A_290 = arith.constant 0.436098099 : f32
        %add3A_291 = vector.broadcast %add3A_290 : f32 to vector<16xf32>
        %add3A_292 = arith.addf %mul3A_289, %add3A_291 : vector<16xf32>
        %mul3A_293 = arith.mulf %add3A_292, %sub3A_278 : vector<16xf32>
        %add3A_294 = arith.constant -126.999794 : f32
        %add3A_295 = vector.broadcast %add3A_294 : f32 to vector<16xf32>
        %add3A_296 = arith.addf %mul3A_293, %add3A_295 : vector<16xf32>
        %add3A_297 = arith.addf %mul3A_273, %add3A_296 : vector<16xf32>
        %mul3A_298 = arith.constant 0.693147182 : f32
        %mul3A_299 = vector.broadcast %mul3A_298 : f32 to vector<16xf32>
        %mul3A_300 = arith.mulf %add3A_297, %mul3A_299 : vector<16xf32>
        %sub3A_301 = arith.subf %mul3A_300, %get3A_268 : vector<16xf32>
        %mul3A_302 = arith.mulf %get3A_262, %sub3A_301 : vector<16xf32>
        %add3A_303 = arith.addf %add3A_256, %mul3A_302 : vector<16xf32>
        %add3A_304 = arith.constant 48 : i32
        %add3A_305 = arith.addi %mul3A_166, %add3A_304 : i32
        %get3A_306 = arith.constant 7 : i32
        %get3A_307 = arith.index_cast %get3A_306 : i32 to index
        %get3A_308 = arith.index_cast %add3A_305 : i32 to index
        %get3A_309 = tpu.vector_load %arg6[%get3A_307, %get3A_308] {strides = array<i32>} : memref<8x4096xf32, #tpu.memory_space<vmem>>, vector<16xf32>,
        %add3A_310 = arith.constant 48 : i32
        %add3A_311 = arith.addi %mul3A_166, %add3A_310 : i32
        %get3A_312 = arith.constant 7 : i32
        %get3A_313 = arith.index_cast %get3A_312 : i32 to index
        %get3A_314 = arith.index_cast %add3A_311 : i32 to index
        %get3A_315 = tpu.vector_load %arg5[%get3A_313, %get3A_314] {strides = array<i32>} : memref<8x4096xf32, #tpu.memory_space<vmem>>, vector<16xf32>,
        %bitcast3A_316 = vector.bitcast %get3A_309 : vector<16xf32> to vector<16xi32>
        %convert_element_type3A_317 = arith.sitofp %bitcast3A_316 : vector<16xi32> to vector<16xf32>
        %mul3A_318 = arith.constant 1.1920929E-7 : f32
        %mul3A_319 = vector.broadcast %mul3A_318 : f32 to vector<16xf32>
        %mul3A_320 = arith.mulf %convert_element_type3A_317, %mul3A_319 : vector<16xf32>
        %shift_right_arithmetic3A_321 = arith.constant 23 : i32
        %shift_right_arithmetic3A_322 = vector.broadcast %shift_right_arithmetic3A_321 : i32 to vector<16xi32>
        %shift_right_arithmetic3A_323 = arith.shrsi %bitcast3A_316, %shift_right_arithmetic3A_322 : vector<16xi32>
        %convert_element_type3A_324 = arith.sitofp %shift_right_arithmetic3A_323 : vector<16xi32> to vector<16xf32>
        %sub3A_325 = arith.subf %mul3A_320, %convert_element_type3A_324 : vector<16xf32>
        %mul3A_326 = arith.constant -0.0791503638 : f32
        %mul3A_327 = vector.broadcast %mul3A_326 : f32 to vector<16xf32>
        %mul3A_328 = arith.mulf %mul3A_327, %sub3A_325 : vector<16xf32>
        %add3A_329 = arith.constant 0.312214255 : f32
        %add3A_330 = vector.broadcast %add3A_329 : f32 to vector<16xf32>
        %add3A_331 = arith.addf %mul3A_328, %add3A_330 : vector<16xf32>
        %mul3A_332 = arith.mulf %add3A_331, %sub3A_325 : vector<16xf32>
        %add3A_333 = arith.constant -0.669515192 : f32
        %add3A_334 = vector.broadcast %add3A_333 : f32 to vector<16xf32>
        %add3A_335 = arith.addf %mul3A_332, %add3A_334 : vector<16xf32>
        %mul3A_336 = arith.mulf %add3A_335, %sub3A_325 : vector<16xf32>
        %add3A_337 = arith.constant 0.436098099 : f32
        %add3A_338 = vector.broadcast %add3A_337 : f32 to vector<16xf32>
        %add3A_339 = arith.addf %mul3A_336, %add3A_338 : vector<16xf32>
        %mul3A_340 = arith.mulf %add3A_339, %sub3A_325 : vector<16xf32>
        %add3A_341 = arith.constant -126.999794 : f32
        %add3A_342 = vector.broadcast %add3A_341 : f32 to vector<16xf32>
        %add3A_343 = arith.addf %mul3A_340, %add3A_342 : vector<16xf32>
        %add3A_344 = arith.addf %mul3A_320, %add3A_343 : vector<16xf32>
        %mul3A_345 = arith.constant 0.693147182 : f32
        %mul3A_346 = vector.broadcast %mul3A_345 : f32 to vector<16xf32>
        %mul3A_347 = arith.mulf %add3A_344, %mul3A_346 : vector<16xf32>
        %sub3A_348 = arith.subf %mul3A_347, %get3A_315 : vector<16xf32>
        %mul3A_349 = arith.mulf %get3A_309, %sub3A_348 : vector<16xf32>
        %add3A_350 = arith.addf %add3A_303, %mul3A_349 : vector<16xf32>
        scf.yield %add3A_350 : vector<16xf32>
      }
      %scan3A_155 = arith.constant 64 : i32
      %add3A_156 = arith.constant 3 : i32
      %add3A_157 = arith.addi %mul3A_56, %add3A_156 : i32
      %lt3A_158 = arith.constant 32 : i32
      %lt3A_159 = arith.cmpi slt, %add3A_157, %lt3A_158 : i32
      %convert_element_type3A_160 = arith.extui %lt3A_159 : i1 to i32
      %cond3A_161 = arith.constant 0 : i32
      %cond3A_162 = arith.cmpi ne, %convert_element_type3A_160, %cond3A_161 : i32
      scf.if %cond3A_162 {
        %add3A_163 = arith.constant 3 : i32
        %add3A_164 = arith.addi %mul3A_56, %add3A_163 : i32
        %mul3A_165 = arith.constant 4 : i32
        %mul3A_166 = arith.muli %add3A_164, %mul3A_165 : i32
        %add3A_167 = arith.addi %mul3A_2, %mul3A_166 : i32
        %dma_start3A_168 = arith.constant 4 : i32
        %dma_start3A_169 = arith.constant 0 : i32
        %dma_start3A_170 = tpu.memref_slice %arg5[%dma_start3A_168, %dma_start3A_169] : memref<8x4096xf32, #tpu.memory_space<vmem>> -> memref<4x4096xf32, #tpu.memory_space<vmem>>
        %dma_start3A_171 = arith.constant 0 : i32
        %dma_start3A_172 = tpu.memref_slice %arg2[%add3A_167, %dma_start3A_171] : memref<16384x4096xf32, #tpu.memory_space<hbm>> -> memref<4x4096xf32, #tpu.memory_space<hbm>>
        %dma_start3A_173 = arith.constant 4 : i32
        %dma_start3A_174 = arith.constant 0 : i32
        %dma_start3A_175 = tpu.memref_slice %arg5[%dma_start3A_173, %dma_start3A_174] : memref<8x4096xf32, #tpu.memory_space<vmem>> -> memref<4x4096xf32, #tpu.memory_space<vmem>>
        %dma_start3A_176 = arith.constant 0 : i32
        %dma_start3A_177 = tpu.memref_slice %arg2[%add3A_167, %dma_start3A_176] : memref<16384x4096xf32, #tpu.memory_space<hbm>> -> memref<4x4096xf32, #tpu.memory_space<hbm>>
        tpu.enqueue_dma source(%dma_start3A_177 : memref<4x4096xf32, #tpu.memory_space<hbm>>) target(%dma_start3A_175 : memref<4x4096xf32, #tpu.memory_space<vmem>>) target_semaphore(%arg9 : memref<!tpu.dma_semaphore, #tpu.memory_space<semaphore_mem>>)
        %dma_start3A_178 = arith.constant 4 : i32
        %dma_start3A_179 = arith.constant 0 : i32
        %dma_start3A_180 = tpu.memref_slice %arg6[%dma_start3A_178, %dma_start3A_179] : memref<8x4096xf32, #tpu.memory_space<vmem>> -> memref<4x4096xf32, #tpu.memory_space<vmem>>
        %dma_start3A_181 = arith.constant 0 : i32
        %dma_start3A_182 = tpu.memref_slice %arg3[%add3A_167, %dma_start3A_181] : memref<16384x4096xf32, #tpu.memory_space<hbm>> -> memref<4x4096xf32, #tpu.memory_space<hbm>>
        %dma_start3A_183 = arith.constant 4 : i32
        %dma_start3A_184 = arith.constant 0 : i32
        %dma_start3A_185 = tpu.memref_slice %arg6[%dma_start3A_183, %dma_start3A_184] : memref<8x4096xf32, #tpu.memory_space<vmem>> -> memref<4x4096xf32, #tpu.memory_space<vmem>>
        %dma_start3A_186 = arith.constant 0 : i32
        %dma_start3A_187 = tpu.memref_slice %arg3[%add3A_167, %dma_start3A_186] : memref<16384x4096xf32, #tpu.memory_space<hbm>> -> memref<4x4096xf32, #tpu.memory_space<hbm>>
        tpu.enqueue_dma source(%dma_start3A_187 : memref<4x4096xf32, #tpu.memory_space<hbm>>) target(%dma_start3A_185 : memref<4x4096xf32, #tpu.memory_space<vmem>>) target_semaphore(%arg11 : memref<!tpu.dma_semaphore, #tpu.memory_space<semaphore_mem>>)
      } else {
      }
      scf.yield %scan3A_154 : vector<16xf32>
    }
    %scan3A_51 = arith.constant 16 : i32
    %swap3A = arith.constant 0 : index
    %swap3A_52 = tpu.vector_load %arg7[%swap3A] {strides = array<i32>} : memref<16xf32, #tpu.memory_space<vmem>>, vector<16xf32>,
    tpu.vector_store %arg7[%swap3A], %scan3A_50 {strides = array<i32>} : memref<16xf32, #tpu.memory_space<vmem>>, vector<16xf32>,
    "tpu.region"() ({
      %run_scoped3A = tpu.sem_alloc : memref<!tpu.dma_semaphore, #tpu.memory_space<semaphore_mem>>
      %dma_start3A_53 = arith.constant 0 : i32
      %dma_start3A_54 = tpu.memref_slice %arg4[%add3A, %dma_start3A_53] : memref<32x16xf32, #tpu.memory_space<hbm>> -> memref<1x16xf32, #tpu.memory_space<hbm>>
      %dma_start3A_55 = tpu.memref_squeeze %dma_start3A_54 : memref<1x16xf32, #tpu.memory_space<hbm>> -> memref<16xf32, #tpu.memory_space<hbm>>
      %dma_start3A_56 = arith.constant 0 : i32
      %dma_start3A_57 = tpu.memref_slice %arg4[%add3A, %dma_start3A_56] : memref<32x16xf32, #tpu.memory_space<hbm>> -> memref<1x16xf32, #tpu.memory_space<hbm>>
      %dma_start3A_58 = tpu.memref_squeeze %dma_start3A_57 : memref<1x16xf32, #tpu.memory_space<hbm>> -> memref<16xf32, #tpu.memory_space<hbm>>
      tpu.enqueue_dma source(%arg7 : memref<16xf32, #tpu.memory_space<vmem>>) target(%dma_start3A_58 : memref<16xf32, #tpu.memory_space<hbm>>) target_semaphore(%run_scoped3A : memref<!tpu.dma_semaphore, #tpu.memory_space<semaphore_mem>>)
      %dma_wait3A = arith.constant 0 : i32
      %dma_wait3A_59 = tpu.memref_slice %arg4[%add3A, %dma_wait3A] : memref<32x16xf32, #tpu.memory_space<hbm>> -> memref<1x16xf32, #tpu.memory_space<hbm>>
      %dma_wait3A_60 = tpu.memref_squeeze %dma_wait3A_59 : memref<1x16xf32, #tpu.memory_space<hbm>> -> memref<16xf32, #tpu.memory_space<hbm>>
      %dma_wait3A_61 = arith.constant 0 : i32
      %dma_wait3A_62 = tpu.memref_slice %arg4[%add3A, %dma_wait3A_61] : memref<32x16xf32, #tpu.memory_space<hbm>> -> memref<1x16xf32, #tpu.memory_space<hbm>>
      %dma_wait3A_63 = tpu.memref_squeeze %dma_wait3A_62 : memref<1x16xf32, #tpu.memory_space<hbm>> -> memref<16xf32, #tpu.memory_space<hbm>>
      tpu.wait_dma2 semaphore(%run_scoped3A : memref<!tpu.dma_semaphore, #tpu.memory_space<semaphore_mem>>) src(%arg7 : memref<16xf32, #tpu.memory_space<vmem>>) dst(%dma_wait3A_63 : memref<16xf32, #tpu.memory_space<hbm>>)
      tpu.yield
    }) : () -> ()
    return
  }
}

module attributes {stable_mosaic.version = 14 : i64} {
  func.func @_tc_kl_sum_kernel(%arg0: i32, %arg1: memref<512x4096xf32, #tpu.memory_space<vmem>>, %arg2: memref<512x4096xf32, #tpu.memory_space<vmem>>, %arg3: memref<1x1xf32, #tpu.memory_space<smem>>) attributes {dimension_semantics = [#tpu.dimension_semantics<arbitrary>], iteration_bounds = array<i64: 24>, scalar_prefetch = 0 : i64, scratch_operands = 0 : i64, tpu.core_type = #tpu.core_type<tc>, window_params = [{transform_indices = @transform_0, window_bounds = array<i64: 512, 4096>}, {transform_indices = @transform_1, window_bounds = array<i64: 512, 4096>}, {transform_indices = @transform_2, window_bounds = array<i64: 1, 1>}]} {
    %get3A = arith.constant 0 : index
    %get3A_0 = arith.constant 0 : index
    %get3A_1 = vector.load %arg2[%get3A, %get3A_0] : memref<512x4096xf32, #tpu.memory_space<vmem>>, vector<512x4096xf32>
    %get3A_2 = arith.constant 0 : index
    %get3A_3 = arith.constant 0 : index
    %get3A_4 = vector.load %arg1[%get3A_2, %get3A_3] : memref<512x4096xf32, #tpu.memory_space<vmem>>, vector<512x4096xf32>
    %gt3A = arith.constant 0.000000e+00 : f32
    %gt3A_5 = vector.broadcast %gt3A : f32 to vector<512x4096xf32>
    %gt3A_6 = arith.cmpf ogt, %get3A_1, %gt3A_5 : vector<512x4096xf32>
    %jit3A = arith.constant 1.000000e+00 : f32
    %broadcast_in_dim3A = vector.broadcast %jit3A : f32 to vector<512x4096xf32>
    %select_n3A = arith.select %gt3A_6, %get3A_1, %broadcast_in_dim3A : vector<512x4096xi1>, vector<512x4096xf32>
    %log3A = math.log %select_n3A : vector<512x4096xf32>
    %mul3A = arith.mulf %get3A_1, %log3A : vector<512x4096xf32>
    %mul3A_7 = arith.mulf %get3A_1, %get3A_4 : vector<512x4096xf32>
    %sub3A = arith.subf %mul3A, %mul3A_7 : vector<512x4096xf32>
    %reduce_sum3A = vector.shape_cast %sub3A : vector<512x4096xf32> to vector<1x512x4096xf32>
    %reduce_sum3A_8 = arith.constant dense<0.000000e+00> : vector<1xf32>
    %reduce_sum3A_9 = vector.multi_reduction <add>, %reduce_sum3A, %reduce_sum3A_8 [1, 2] : vector<1x512x4096xf32> to vector<1xf32>
    %reduce_sum3A_10 = vector.shape_cast %reduce_sum3A_9 : vector<1xf32> to vector<1x1x1xf32>
    %reduce_sum3A_11 = vector.extract %reduce_sum3A_10[0, 0, 0] : f32 from vector<1x1x1xf32>
    %eq3A = arith.constant 0 : i32
    %eq3A_12 = arith.cmpi eq, %arg0, %eq3A : i32
    %convert_element_type3A = arith.extui %eq3A_12 : i1 to i32
    %cond3A = arith.constant 0 : i32
    %cond3A_13 = arith.cmpi ne, %convert_element_type3A, %cond3A : i32
    scf.if %cond3A_13 {
      %swap3A_19 = arith.constant 0.000000e+00 : f32
      %swap3A_20 = arith.constant 0 : index
      %swap3A_21 = arith.constant 0 : index
      %swap3A_22 = memref.load %arg3[%swap3A_20, %swap3A_21] : memref<1x1xf32, #tpu.memory_space<smem>>
      memref.store %swap3A_19, %arg3[%swap3A_20, %swap3A_21] : memref<1x1xf32, #tpu.memory_space<smem>>
    } else {
    }
    %get3A_14 = arith.constant 0 : index
    %get3A_15 = arith.constant 0 : index
    %get3A_16 = memref.load %arg3[%get3A_14, %get3A_15] : memref<1x1xf32, #tpu.memory_space<smem>>
    %add3A = arith.addf %get3A_16, %reduce_sum3A_11 : f32
    %swap3A = arith.constant 0 : index
    %swap3A_17 = arith.constant 0 : index
    %swap3A_18 = memref.load %arg3[%swap3A, %swap3A_17] : memref<1x1xf32, #tpu.memory_space<smem>>
    memref.store %add3A, %arg3[%swap3A, %swap3A_17] : memref<1x1xf32, #tpu.memory_space<smem>>
    return
  }
  func.func @transform_0(%arg0: i32) -> (i32, i32) {
    %add3A = arith.constant 8 : i32
    %add3A_0 = arith.addi %arg0, %add3A : i32
    %c0_i32 = arith.constant 0 : i32
    %c0_i32_1 = arith.constant 0 : i32
    return %add3A_0, %c0_i32 : i32, i32
  }
  func.func @transform_1(%arg0: i32) -> (i32, i32) {
    %add3A = arith.constant 8 : i32
    %add3A_0 = arith.addi %arg0, %add3A : i32
    %c0_i32 = arith.constant 0 : i32
    %c0_i32_1 = arith.constant 0 : i32
    return %add3A_0, %c0_i32 : i32, i32
  }
  func.func @transform_2(%arg0: i32) -> (i32, i32) {
    %c0_i32 = arith.constant 0 : i32
    %c0_i32_0 = arith.constant 0 : i32
    %c0_i32_1 = arith.constant 0 : i32
    return %c0_i32, %c0_i32_0 : i32, i32
  }
}

</mosaic_0001>

<sc_bundles>
// kernel: kernel.4.cloned.1.call-start
scs
__scs_entry_jumppad:
0x0: {  	(pc) =	sbr.rel $0x88, $3  }
0x1: {  	(tag) =	ssettag $0x0;
	lr =	simm.s32 $0x1  }
0x2: {  	[smem:$0x3F9F] =	sst lr;
	_ =	strace $0xD0000000  }
0x3: {  	_ = 	snop  }
0x4: {  	_ = 	snop  }
0x5: {  	_ = 	snop  }
0x6: {  	_ = 	snop  }
0x7: {  	_ = 	snop  }
__scs_overlays_trampoline_lowered:
0x8: {  	[smem:$0x3FAE] =	sst s0  }
0x9: {  	[smem:$0x3FAF] =	sst s1  }
0xa: {  	[smem:$0x3FB0] =	sst s2  }
0xb: {  	[smem:$0x3FB1] =	sst s3  }
0xc: {  	[smem:$0x3FB2] =	sst s4  }
0xd: {  	[smem:$0x3FB3] =	sst s5  }
0xe: {  	[smem:$0x3FB4] =	sst s6  }
0xf: {  	[smem:$0x3FB5] =	sst s7  }
0x10: {  	[smem:$0x3FB6] =	sst s8  }
0x11: {  	[smem:$0x3FB7] =	sst s9;
	s0 =	simm.s32 @!p0 $0x0  }
0x12: {  	s1 =	sld [smem:$0x3F9D];
	s0 =	simm.s32 @p0 $0x1  }
0x13: {  	[smem:$0x3FB8] =	sst s0;
	s0 =	simm.s32 @!p1 $0x0  }
0x14: {  	s2 =	sld [smem:$0x3F9C];
	s0 =	simm.s32 @p1 $0x1  }
0x15: {  	[smem:$0x3FB9] =	sst s0;
	s0 =	simm.s32 @!p2 $0x0  }
0x16: {  	s3 =	sld [smem:$0x3FDB];
	s0 =	simm.s32 @p2 $0x1  }
0x17: {  	s4 =	simm.s32 $0x1BF5;
	[smem:$0x3FBB] =	sst s0  }
0x18: {  	s0 =	sld [smem:$0x3F9E];
	_ =	swait.ge [sflag:s4], $0x0  }
0x19: {  	s7 =	sld [smem:$0x3F9F]  }
0x1a: {  	s8 =	sadd.s32 $0xFFFFE003, lr  }
0x1b: {  	s9 =	sadd.s32 $0xFFFFFEF7, lr;
	s5 =	simm.s32 $0xFFFFFFFF;
	p2 =	slt.u32 s8, $0xFFFFF086  }
0x1c: {  	p1 =	slt.u32 s9, $0xF7A;
	s5 =	simm.s32 @!p2 $0x0  }
0x1d: {  	s5 =	simm.s32 @p1 $0x1;
	p0 =	seq.s32 s7, s2  }
0x1e: {  	s7 =	smul.u32 @!p0 $0xF7A, s2;
	p2 =	seq.s32 @!p0 s5, $0x0  }
0x1f: {  	s9 =	smul.u32 $0xF7A, s1;
	s8 =	simm.s32 @!p0 $0x1BF5;
	p2 =	por !p2, p0  }
0x20: {  	[sflag:s8] =	ssyncset.s32 @!p0 $0xFFFFF086;
	s6 =	sadd.s32 @!p0 s3, s7;
	s7 =	simm.s32 @!p0 $0x108  }
0x21: {  	s3 =	sadd.s32 s3, s9;
	s6 =	sadd.s32 @!p0 $0x88, s6;
	s7 =	simm.s32 @p2 $0x1082  }
0x22: {  	[simem:s7], [sflag:s8] =	dma.local @!p0 [hbm:s6], $0xF7A  }
0x23: {  	s9 =	sor.u32 $0xD0000000, s2;
	s6 =	simm.s32 $0x108;
	_ =	swait.ge @!p0 [sflag:s8], $0x0  }
0x24: {  	s3 =	sadd.s32 $0x88, s3;
	s6 =	simm.s32 @!p1 $0x1082;
	[sflag:s4] =	ssyncset.s32 $0xFFFFF086  }
0x25: {  	[simem:s6], [sflag:s4] =	dma.local [hbm:s3], $0xF7A  }
0x26: {  	[smem:$0x3F9F] =	sst s1;
	(tag) =	ssettag s2;
	_ =	strace s9  }
0x27: {  	s1 =	sld [smem:$0x3FAF]  }
0x28: {  	s2 =	sld [smem:$0x3FB0]  }
0x29: {  	s4 =	sld [smem:$0x3FB2]  }
0x2a: {  	p0 =	seq.s32 s5, $0x0;
	s5 =	sld [smem:$0x3FB3]  }
0x2b: {  	s6 =	sld [smem:$0x3FB4]  }
0x2c: {  	s7 =	sld [smem:$0x3FB5]  }
0x2d: {  	s3 =	simm.s32 $0x108;
	s8 =	sld [smem:$0x3FB6]  }
0x2e: {  	s3 =	simm.s32 @!p0 $0x1082;
	s9 =	sld [smem:$0x3FB7]  }
0x2f: {  	lr =	sadd.s32 s0, s3;
	s0 =	sld [smem:$0x3FAE]  }
0x30: {  	s3 =	sld [smem:$0x3FB1]  }
0x31: {  	[smem:$0x3FBA] =	sst s10  }
0x32: {  	s10 =	sld [smem:$0x3FB8];
	_ =	sdelay $0x3  }
0x33: {  	p0 =	seq.s32 s10, $0x1;
	s10 =	sld [smem:$0x3FBA];
	_ =	sdelay $0x3  }
0x34: {  	[smem:$0x3FBA] =	sst s10  }
0x35: {  	s10 =	sld [smem:$0x3FB9];
	_ =	sdelay $0x3  }
0x36: {  	p1 =	seq.s32 s10, $0x1;
	s10 =	sld [smem:$0x3FBA];
	_ =	sdelay $0x3  }
0x37: {  	[smem:$0x3FBA] =	sst s10  }
0x38: {  	s10 =	sld [smem:$0x3FBB]  }
0x39: {  	_ = 	snop;
	(pc) =	sbr.ind lr, $3  }
0x3a: {  	_ = 	snop  }
0x3b: {  	_ = 	snop  }
0x3c: {  	p2 =	seq.s32 s10, $0x1;
	s10 =	sld [smem:$0x3FBA]  }
0x3d: {  	_ =	shalt  }
0x3e: {  	_ =	shalt  }
0x3f: {  	_ =	shalt  }
0x40: {  	_ =	shalt  }
0x41: {  	_ =	shalt  }
0x42: {  	_ =	shalt  }
0x43: {  	_ =	shalt  }
0x44: {  	_ =	shalt  }
0x45: {  	_ =	shalt  }
0x46: {  	_ =	shalt  }
0x47: {  	_ =	shalt  }
0x48: {  	_ =	shalt  }
0x49: {  	_ =	shalt  }
0x4a: {  	_ =	shalt  }
0x4b: {  	_ =	shalt  }
0x4c: {  	_ =	shalt  }
0x4d: {  	_ =	shalt  }
0x4e: {  	_ =	shalt  }
0x4f: {  	_ =	shalt  }
0x50: {  	_ =	shalt  }
0x51: {  	_ =	shalt  }
0x52: {  	_ =	shalt  }
0x53: {  	_ =	shalt  }
0x54: {  	_ =	shalt  }
0x55: {  	_ =	shalt  }
0x56: {  	_ =	shalt  }
0x57: {  	_ =	shalt  }
0x58: {  	_ =	shalt  }
0x59: {  	_ =	shalt  }
0x5a: {  	_ =	shalt  }
0x5b: {  	_ =	shalt  }
0x5c: {  	_ =	shalt  }
0x5d: {  	_ =	shalt  }
0x5e: {  	_ =	shalt  }
0x5f: {  	_ =	shalt  }
0x60: {  	_ =	shalt  }
0x61: {  	_ =	shalt  }
0x62: {  	_ =	shalt  }
0x63: {  	_ =	shalt  }
0x64: {  	_ =	shalt  }
0x65: {  	_ =	shalt  }
0x66: {  	_ =	shalt  }
0x67: {  	_ =	shalt  }
0x68: {  	_ =	shalt  }
0x69: {  	_ =	shalt  }
0x6a: {  	_ =	shalt  }
0x6b: {  	_ =	shalt  }
0x6c: {  	_ =	shalt  }
0x6d: {  	_ =	shalt  }
0x6e: {  	_ =	shalt  }
0x6f: {  	_ =	shalt  }
0x70: {  	_ =	shalt  }
0x71: {  	_ =	shalt  }
0x72: {  	_ =	shalt  }
0x73: {  	_ =	shalt  }
0x74: {  	_ =	shalt  }
0x75: {  	_ =	shalt  }
0x76: {  	_ =	shalt  }
0x77: {  	_ =	shalt  }
0x78: {  	_ =	shalt  }
0x79: {  	_ =	shalt  }
0x7a: {  	_ =	shalt  }
0x7b: {  	_ =	shalt  }
0x7c: {  	_ =	shalt  }
0x7d: {  	_ =	shalt  }
0x7e: {  	_ =	shalt  }
0x7f: {  	_ =	shalt  }
0x80: {  	_ =	shalt  }
0x81: {  	_ =	shalt  }
0x82: {  	_ =	shalt  }
0x83: {  	_ =	shalt  }
0x84: {  	_ =	shalt  }
0x85: {  	_ =	shalt  }
0x86: {  	_ =	shalt  }
0x87: {  	_ =	shalt  }
.Lfunc_end0:
.L_simem_size_0:
called_computation_lowered:
.L_overlay_start_0:
0x88: {  	s2 =	sld [smem:$0x3FD9]  }
0x89: {  	s3 =	sld [smem:$0x3FFE];
	_ =	sdelay $0x1  }
0x8a: {  	s1 =	srdreg.scid  }
0x8b: {  	s0 =	sand.u32 $0x1, s1  }
0x8c: {  	s17 =	sshll.u32 s0, $0xA;
	s2 =	sadd.s32 s3, s2  }
0x8d: {  	s2 =	sadd.s32 s2, s17  }
0x8e: {  	[smem:$0x3FC6] =	sst s2  }
0x8f: {  	_ = 	snop  }
0x90: {  	s2 =	sld [smem:$0x3FC9]  }
0x91: {  	s18 =	sld [smem:$0x3FC8];
	(tm) =	ssettm $0x1  }
0x92: {  	s4 =	sld [smem:$0x3FFB];
	_ =	sdelay $0x3  }
0x93: {  	_ =	strace s4  }
0x94: {  	s4 =	sld [smem:$0x3FFC];
	_ =	sdelay $0x3  }
0x95: {  	_ =	strace s4  }
0x96: {  	s4 =	sld [smem:$0x3FFD];
	_ =	sdelay $0x3  }
0x97: {  	_ =	strace s4  }
0x98: {  	_ =	strace $0x8FFFFFFF  }
0x99: {  	s19 =	sld [smem:$0x3FDB];
	_ =	sdelay $0x1  }
0x9a: {  	s5 =	simm.s32 $_scs_section_size  }
0x9b: {  	s6 =	simm.s32 $_size__tile_overlayer_lowered;
	s7 =	simm.s32 $_tile_overlayer_lowered  }
0x9c: {  	s22 =	simm.s32 $0x1BFF;
	s21 =	sshll.u32 s7, $0x1;
	s4 =	sadd.s32 s5, s19  }
0x9d: {  	s8 =	simm.s32 $0x0;
	s20 =	sshll.u32 s6, $0x1;
	s6 =	sadd.s32 s21, s4  }
0x9e: {  	[timem:s8], [sflag:s22] =	dma.local [hbm:s6], s20  }
0x9f: {  	_ =	swait.ge [sflag:s22], s20  }
0xa0: {  	s5 =	ssub.s32 $0x0, s20;
	[sflag:s22] =	ssyncset.done $0x0  }
0xa1: {  	[sflag:s22] =	ssyncadd.s32 s5;
	_ =	sdelay $0x1  }
0xa2: {  	s23 =	simm.s32 $0x1B8B  }
0xa3: {  	_ =	swait.ge [sflag:s23], $0x1  }
0xa4: {  	[sflag:s23] =	ssyncset.done $0x0  }
0xa5: {  	s25 =	simm.s32 $0x1B8E;
	s24 =	sld [smem:$0x3FFE];
	[sflag:s23] =	ssyncadd.s32 $0xFFFFFFFF  }
0xa6: {  	s26 =	simm.s32 $execute0_lowered;
	[smem:$0x3FD2] =	sst s25  }
0xa7: {  	s6 =	sshll.u32 s26, $0x1;
	_ =	strace $0x80000046;
	[dreg:$0x1] =	wrdreg $0xFFFFFFFF  }
0xa8: {  	s28 =	simm.s32 $_size_execute0_lowered;
	s4 =	sadd.s32 s4, s6;
	[dreg:$0x0] =	wrdreg $0x0  }
0xa9: {  	s6 =	sshll.u32 s28, $0x1;
	[dreg:$0x2] =	wrdreg s4  }
0xaa: {  	[dreg:$0x3] =	wrdreg s6  }
0xab: {  	[dreg:$0x4] =	wrdreg $0xC0  }
0xac: {  	_ =	task [dreg:s8], $0x5FFFF  }
0xad: {  	[dreg:$0x1] =	wrdreg $0xFFFFFFFF  }
0xae: {  	[dreg:$0x0] =	wrdreg $0x60  }
0xaf: {  	[dreg:$0x2] =	wrdreg s2  }
0xb0: {  	[dreg:$0x3] =	wrdreg s18  }
0xb1: {  	[dreg:$0x4] =	wrdreg s24  }
0xb2: {  	[dreg:$0x5] =	wrdreg $0x9  }
0xb3: {  	_ =	task.clear_ibuf [dreg:s8], $0x6FFFF;
	_ =	strace $0x90000046  }
0xb4: {  	s29 =	simm.s32 $0x9;
	_ =	strace $0x80000048  }
0xb5: {  	_ =	swait.ge [sflag:s29], $0x1  }
0xb6: {  	[sflag:s29] =	ssyncadd.s32 $0xFFFFFFFF  }
0xb7: {  	_ =	strace $0x90000048  }
0xb8: {  	_ =	sfence  }
0xb9: {  	s30 =	sld [smem:$0x0];
	_ =	sdelay $0x2  }
0xba: {  	s31 =	sshll.u32 s1, $0xD;
	s1 =	sshrl.u32 s1, $0x2  }
0xbb: {  	s3 =	sand.u32 $0x4000, s31;
	s1 =	sadd.s32 s1, s30  }
0xbc: {  	s0 =	sor.u32 s3, s0;
	s1 =	sshll.u32 s1, $0x11  }
0xbd: {  	s0 =	sor.u32 s1, s0  }
0xbe: {  	s0 =	sadd.s32 $0x8F2B, s0  }
0xbf: {  	[sflag:s0] =	ssyncadd.remote.s32 $0x1  }
0xc0: {  	_ =	sfence.sel $0xFFFF  }
0xc1: {  	[dreg:$0x0] =	wrdreg $0xFFFFFFFF;
	(pc) =	sbr.abs _section_cstart, $3  }
0xc2: {  	[dreg:$0x1] =	wrdreg $0xFFFFFFFF  }
0xc3: {  	_ =	task.clear_ibuf [dreg:s8], $0x2FFFF;
	_ =	strace $0x9FFFFFFF  }
0xc4: {  	(tm) =	ssettm $0x7FFFFFFF  }
0xc5: {  	_ =	shalt  }
tec
execute0_lowered:
.L_overlay_start_1:
0x0: {  	(tag) =	ssettag $0x1  }
0x1: {  	s2 =	rddreg [dreg:$0x0]  }
0x2: {  	s3 =	rddreg [dreg:$0x1]  }
0x3: {  	s0 =	rddreg [dreg:$0x2]  }
0x4: {  	s1 =	srdreg.scid;
	s4 =	stileid.u32;
	s12 =	simm.s32 $0x1  }
0x5: {  	s13 =	simm.s32 $0x3;
	s14 =	simm.s32 $0x2;
	s15 =	simm.s32 $0x4  }
0x6: {  	s17 =	simm.s32 $0x5;
	s18 =	simm.s32 $0x0;
	s1 =	sand.u32 $0x1, s1  }
0x7: {  	s5 =	sshll.u32 s4, $0x1;
	s4 =	simm.s32 $0x0;
	s6 =	ssub.s32 $0x2, s1  }
0x8: {  	s1 =	sor.u32 s1, s5;
	[smem:$0x7FF] =	sst s4;
	s30 =	sshrl.u32 s6, $0x1  }
.Ltmp0:
0x9: {  	s9 =	sshll.u32 s1, $0x10;
	_ =	strace $0x80000047;
	(pc) =	sbr.rel .LBB2_1-.Ltmp0, $4  }
0xa: {  	s1 =	sshll.u32 s1, $0x4;
	s11 =	ssub.s32 s6, s30;
	s8 =	sor.u32 $0x40, s9  }
0xb: {  	s5 =	sadd.s32 s2, s9;
	s6 =	sadd.s32 s3, s9;
	s0 =	sadd.s32 s0, s1  }
0xc: {  	s9 =	sor.u32 $0x1000, s9;
	[dreg:$0x4] =	wrdreg s0;
	s31 =	smax.u32 s11, $0x1  }
0xd: {  	s7 =	sadd.s32 s2, s8;
	s8 =	sadd.s32 s3, s8;
	[dreg:$0x5] =	wrdreg s31  }
.LBB2_58:
0xe: {  	[tilespmem:$0x10000] =	vst v17;
	s0 =	rddreg [dreg:$0x4];
	s1 =	simm.s32 $0x10000  }
0xf: {  	[hbm4b:s0+s4] =	stream.linear.scatter [tilespmem:s1], [sflag:$0x5], $0x80, $0x38;
	[tilespmem:$0x10080] =	vst v63  }
0x10: {  	_ =	swait.ge [sflag:s17], $0x80  }
0x11: {  	s18 =	sadd.s32 $0x1, s18;
	s31 =	rddreg [dreg:$0x5]  }
0x12: {  	p0 =	sne.s32 s18, s31  }
.Ltmp1:
0x13: {  	_ = 	snop;
	(pc) =	sbr.rel @!p0 .LBB2_59-.Ltmp1, $3  }
0x14: {  	_ =	sdelay $0x1  }
0x15: {  	[sflag:s17] =	ssyncset.done $0x0  }
0x16: {  	[sflag:s17] =	ssyncadd.s32 $0xFFFFFF80  }
.LBB2_1:
0x17: {  	s0 =	simm.s32 $0x80  }
0x18: {  	s19 =	sadd.s32 $0x0, s5;
	s1 =	simm.s32 $0x400;
	s16 =	simm.s32 $0x0  }
.LBB2_2:
0x19: {  	[tilespmem:s16], [sflag:$0x1] =	stream.linear.gather [hbm4b:s19+s4], $0x200, $0x38;
	[tilespmem:$0x10080] =	vst v63  }
0x1a: {  	s19 =	smov.u32 s0;
	s16 =	smov.u32 s1;
	p0 =	sne.s32 s0, $0xF80  }
.Ltmp2:
0x1b: {  	s0 =	sadd.s32 $0x80, s0;
	(pc) =	sbr.rel @p0 .LBB2_2-.Ltmp2, $2  }
0x1c: {  	_ =	sdelay $0x2  }
0x1d: {  	s1 =	sadd.s32 $0x400, s1;
	s19 =	sadd.s32 s19, s5  }
0x1e: {  	[tilespmem:s16], [sflag:$0x1] =	stream.linear.gather [hbm4b:s19+s4], $0x200, $0x38;
	[tilespmem:$0x10080] =	vst v63  }
0x1f: {  	s0 =	simm.s32 $0x8000  }
0x20: {  	s1 =	simm.s32 $0x80;
	s19 =	sadd.s32 $0x0, s6;
	s16 =	simm.s32 $0x8400  }
.LBB2_4:
0x21: {  	[tilespmem:s0], [sflag:$0x3] =	stream.linear.gather [hbm4b:s19+s4], $0x200, $0x38;
	[tilespmem:$0x10080] =	vst v63  }
0x22: {  	s19 =	smov.u32 s1;
	s0 =	smov.u32 s16;
	p0 =	sne.s32 s1, $0xF80  }
.Ltmp3:
0x23: {  	s1 =	sadd.s32 $0x80, s1;
	(pc) =	sbr.rel @p0 .LBB2_4-.Ltmp3, $2  }
0x24: {  	_ =	sdelay $0x2  }
0x25: {  	s16 =	sadd.s32 $0x400, s16;
	s19 =	sadd.s32 s19, s6  }
0x26: {  	[tilespmem:s0], [sflag:$0x3] =	stream.linear.gather [hbm4b:s19+s4], $0x200, $0x38;
	[tilespmem:$0x10080] =	vst v63  }
0x27: {  	s0 =	simm.s32 $0x200  }
0x28: {  	s1 =	simm.s32 $0x80;
	s19 =	sadd.s32 $0x0, s7;
	s16 =	simm.s32 $0x600  }
.LBB2_6:
0x29: {  	[tilespmem:s0], [sflag:$0x2] =	stream.linear.gather [hbm4b:s19+s4], $0x200, $0x38;
	[tilespmem:$0x10080] =	vst v63  }
0x2a: {  	s19 =	smov.u32 s1;
	s0 =	smov.u32 s16;
	p0 =	sne.s32 s1, $0xF80  }
.Ltmp4:
0x2b: {  	s1 =	sadd.s32 $0x80, s1;
	(pc) =	sbr.rel @p0 .LBB2_6-.Ltmp4, $2  }
0x2c: {  	_ =	sdelay $0x2  }
0x2d: {  	s16 =	sadd.s32 $0x400, s16;
	s19 =	sadd.s32 s19, s7  }
0x2e: {  	[tilespmem:s0], [sflag:$0x2] =	stream.linear.gather [hbm4b:s19+s4], $0x200, $0x38;
	[tilespmem:$0x10080] =	vst v63  }
0x2f: {  	s19 =	simm.s32 $0x0;
	s0 =	simm.s32 $0x8200;
	s1 =	simm.s32 $0x0  }
.LBB2_8:
0x30: {  	p0 =	sne.s32 s1, $0xF80  }
.Ltmp5:
0x31: {  	_ = 	snop;
	(pc) =	sbr.rel @p0 .LBB2_8-.Ltmp5, $4  }
0x32: {  	_ = 	snop  }
0x33: {  	s16 =	sadd.s32 s1, s8  }
0x34: {  	[tilespmem:s0], [sflag:$0x4] =	stream.linear.gather [hbm4b:s16+s19], $0x200, $0x38;
	[tilespmem:$0x10080] =	vst v63  }
0x35: {  	s1 =	sadd.s32 $0x80, s1;
	s0 =	sadd.s32 $0x400, s0  }
0x36: {  	v17 =	vimm.f32 $0.0e+00  }
.LBB2_10:
0x37: {  	_ =	swait.ge [sflag:s12], $0x4000  }
0x38: {  	[sflag:s12] =	ssyncset.done $0x0  }
0x39: {  	[sflag:s12] =	ssyncadd.s32 $0xFFFFC000  }
0x3a: {  	s0 =	simm.s32 $0x0;
	_ =	swait.ge [sflag:s13], $0x4000  }
0x3b: {  	s1 =	sand.u32 $0x40, s0;
	s0 =	sand.u32 $0x7C00, s0;
	[sflag:s13] =	ssyncset.done $0x0  }
0x3c: {  	s22 =	sor.u32 s1, s0;
	[sflag:s13] =	ssyncadd.s32 $0xFFFFC000  }
0x3d: {  	v21 =	vld [tilespmem:s22+$0x8010]  }
0x3e: {  	v20 =	vld [tilespmem:s22+$0x8000];
	_ =	sdelay $0x2  }
0x3f: {  	v1 =	vld [tilespmem:s22+$0x8030];
	_ =	sdelay $0x1  }
0x40: {  	v0 =	vcvt.s32.f32 v21;
	v2 =	vcvt.s32.f32 v20  }
0x41: {  	v5 =	vld [tilespmem:s22+$0x8020]  }
0x42: {  	v3 =	vshra.s32 v20, $0x17;
	v4 =	vmul.f32 $1.192092900e-07, v0;
	v9 =	vmul.f32 $1.192092900e-07, v2  }
0x43: {  	v0 =	vshra.s32 v21, $0x17;
	v2 =	vcvt.s32.f32 v3;
	v3 =	vcvt.s32.f32 v1  }
0x44: {  	v0 =	vcvt.s32.f32 v0  }
0x45: {  	s28 =	simm.s32 $0x40;
	s29 =	simm.s32 $0x200;
	v6 =	vshra.s32 v1, $0x17;
	v7 =	vsub.f32 v9, v2;
	v15 =	vmul.f32 $1.192092900e-07, v3  }
0x46: {  	s0 =	sand.u32 $0x40, s28;
	s1 =	sand.u32 $0x7C00, s29;
	v8 =	vsub.f32 v4, v0;
	v0 =	vcvt.s32.f32 v6;
	v6 =	vcvt.s32.f32 v5  }
0x47: {  	s20 =	sor.u32 s0, s1;
	v2 =	vmul.f32 $7.915036380e-02, v7  }
0x48: {  	v3 =	vmul.f32 $7.915036380e-02, v8;
	v18 =	vsub.f32 v15, v0;
	v19 =	vmul.f32 $1.192092900e-07, v6;
	v6 =	vld [tilespmem:s20+$0x8000]  }
0x49: {  	v0 =	vsub.f32 $3.122142550e-01, v2;
	v2 =	vshra.s32 v5, $0x17  }
0x4a: {  	v3 =	vsub.f32 $3.122142550e-01, v3;
	v10 =	vmul.f32 $7.915036380e-02, v18;
	v2 =	vcvt.s32.f32 v2  }
0x4b: {  	v11 =	vmul.f32 v0, v7  }
0x4c: {  	v0 =	vld [tilespmem:s20+$0x8020];
	v12 =	vmul.f32 v3, v8;
	v10 =	vsub.f32 $3.122142550e-01, v10;
	v22 =	vsub.f32 v19, v2  }
0x4d: {  	v3 =	vld [tilespmem:s20+$0x8010];
	v11 =	vadd.f32 $-6.695151920e-01, v11;
	v14 =	vcvt.s32.f32 v6;
	v27 =	vshra.s32 v6, $0x17  }
0x4e: {  	v12 =	vadd.f32 $-6.695151920e-01, v12;
	v10 =	vmul.f32 v10, v18;
	v13 =	vmul.f32 $7.915036380e-02, v22  }
0x4f: {  	v2 =	vld [tilespmem:s20+$0x8030];
	v27 =	vcvt.s32.f32 v27;
	v11 =	vmul.f32 v11, v7  }
0x50: {  	v14 =	vmul.f32 $1.192092900e-07, v14;
	v16 =	vmul.f32 v12, v8  }
0x51: {  	v23 =	vadd.f32 $-6.695151920e-01, v10;
	v10 =	vcvt.s32.f32 v0;
	v12 =	vshra.s32 v0, $0x17  }
0x52: {  	v24 =	vadd.f32 $4.360980990e-01, v11;
	v11 =	vcvt.s32.f32 v3;
	v25 =	vshra.s32 v3, $0x17  }
0x53: {  	v26 =	vcvt.s32.f32 v12;
	v28 =	vadd.f32 $4.360980990e-01, v16;
	v16 =	vcvt.s32.f32 v25  }
0x54: {  	v27 =	vsub.f32 v14, v27;
	v25 =	vcvt.s32.f32 v2;
	v10 =	vmul.f32 $1.192092900e-07, v10  }
0x55: {  	v23 =	vmul.f32 v23, v18;
	v12 =	vmul.f32 $1.192092900e-07, v11;
	v11 =	vshra.s32 v2, $0x17  }
0x56: {  	s30 =	simm.s32 $0x80;
	s31 =	simm.s32 $0x400;
	v30 =	vmul.f32 $7.915036380e-02, v27;
	v29 =	vcvt.s32.f32 v11  }
0x57: {  	s0 =	sand.u32 $0x40, s30;
	s1 =	sand.u32 $0x7C00, s31;
	v11 =	vmul.f32 $1.192092900e-07, v25;
	v25 =	vsub.f32 $3.122142550e-01, v13;
	v13 =	vsub.f32 v10, v26  }
0x58: {  	s21 =	sor.u32 s0, s1;
	v7 =	vmul.f32 v24, v7;
	v23 =	vadd.f32 $4.360980990e-01, v23;
	v16 =	vsub.f32 v12, v16  }
0x59: {  	v28 =	vmul.f32 v28, v8;
	v8 =	vld [tilespmem:s21+$0x8020];
	v26 =	vsub.f32 $3.122142550e-01, v30;
	v35 =	vsub.f32 v11, v29  }
0x5a: {  	v25 =	vmul.f32 v25, v22;
	v29 =	vadd.f32 $-1.269997940e+02, v7;
	v30 =	vmul.f32 $7.915036380e-02, v13  }
0x5b: {  	v18 =	vmul.f32 v23, v18;
	v24 =	vmul.f32 $7.915036380e-02, v16  }
0x5c: {  	v26 =	vmul.f32 v26, v27;
	v25 =	vadd.f32 $-6.695151920e-01, v25;
	v29 =	vadd.f32 v29, v9  }
0x5d: {  	v18 =	vadd.f32 $-1.269997940e+02, v18;
	v7 =	vsub.f32 $3.122142550e-01, v24;
	v24 =	vmul.f32 $7.915036380e-02, v35  }
0x5e: {  	v23 =	vadd.f32 $-6.695151920e-01, v26;
	v26 =	vadd.f32 $-1.269997940e+02, v28;
	v32 =	vcvt.s32.f32 v8  }
0x5f: {  	v34 =	vshra.s32 v8, $0x17;
	v25 =	vmul.f32 v25, v22;
	v24 =	vsub.f32 $3.122142550e-01, v24  }
0x60: {  	v9 =	vld [tilespmem:s21+$0x8000];
	v34 =	vcvt.s32.f32 v34;
	v39 =	vadd.f32 v18, v15;
	v15 =	vmul.f32 $6.931471820e-01, v29  }
0x61: {  	v30 =	vsub.f32 $3.122142550e-01, v30;
	v31 =	vmul.f32 v7, v16;
	v24 =	vmul.f32 v24, v35  }
0x62: {  	v7 =	vld [tilespmem:s21+$0x8010];
	v23 =	vmul.f32 v23, v27;
	v26 =	vadd.f32 v26, v4;
	v25 =	vadd.f32 $4.360980990e-01, v25  }
0x63: {  	v61 =	vmul.f32 v30, v13;
	v28 =	vadd.f32 $-6.695151920e-01, v31;
	v31 =	vadd.f32 $-6.695151920e-01, v24;
	v24 =	vld [tilespmem:s22+$0x10]  }
0x64: {  	v4 =	vld [tilespmem:s21+$0x8030];
	v59 =	vmul.f32 $6.931471820e-01, v39;
	v23 =	vadd.f32 $4.360980990e-01, v23;
	v25 =	vmul.f32 v25, v22  }
0x65: {  	v38 =	vshra.s32 v9, $0x17;
	v22 =	vmul.f32 $6.931471820e-01, v26;
	v26 =	vcvt.s32.f32 v9  }
0x66: {  	v38 =	vcvt.s32.f32 v38;
	v28 =	vmul.f32 v28, v16  }
0x67: {  	v36 =	vld [tilespmem:s22+$0x0];
	v27 =	vmul.f32 v23, v27;
	v33 =	vcvt.s32.f32 v7;
	v37 =	vshra.s32 v7, $0x17  }
0x68: {  	v29 =	vsub.f32 v22, v24;
	v22 =	vmul.f32 $1.192092900e-07, v26;
	v24 =	vadd.f32 $-1.269997940e+02, v25  }
0x69: {  	v56 =	vshra.s32 v4, $0x17;
	v30 =	vcvt.s32.f32 v4;
	v57 =	vcvt.s32.f32 v37  }
0x6a: {  	v31 =	vmul.f32 v31, v35;
	v58 =	vadd.f32 v24, v19;
	v19 =	vsub.f32 v22, v38  }
0x6b: {  	v63 =	vcvt.s32.f32 v56;
	v18 =	vmul.f32 $1.192092900e-07, v33;
	v33 =	vadd.f32 $-1.269997940e+02, v27  }
0x6c: {  	v26 =	vadd.f32 $4.360980990e-01, v28;
	v28 =	vsub.f32 v15, v36;
	v60 =	vmul.f32 $7.915036380e-02, v19  }
0x6d: {  	v27 =	vadd.f32 $4.360980990e-01, v31;
	v31 =	vadd.f32 $-6.695151920e-01, v61;
	v25 =	vld [tilespmem:s22+$0x30];
	v15 =	vmul.f32 $1.192092900e-07, v32  }
0x6e: {  	v28 =	vmul.f32 v28, v20;
	v62 =	vmul.f32 v29, v21;
	v29 =	vsub.f32 $3.122142550e-01, v60  }
0x6f: {  	v24 =	vsub.f32 v18, v57;
	v20 =	vsub.f32 v15, v34;
	v21 =	vmul.f32 $1.192092900e-07, v30  }
0x70: {  	v27 =	vmul.f32 v27, v35;
	v28 =	vadd.f32 v28, v17;
	v30 =	vmul.f32 v29, v19;
	v29 =	vld [tilespmem:s22+$0x20]  }
0x71: {  	s16 =	simm.s32 $0xC0;
	v23 =	vmul.f32 $7.915036380e-02, v20;
	v34 =	vmul.f32 $7.915036380e-02, v24;
	v17 =	vsub.f32 v21, v63  }
0x72: {  	s0 =	simm.s32 $0x600;
	s24 =	smov.u32 s20;
	s23 =	smov.u32 s21;
	v32 =	vmul.f32 $6.931471820e-01, v58;
	v25 =	vsub.f32 v59, v25;
	v28 =	vadd.f32 v62, v28  }
.LBB2_11:
0x73: {  	s1 =	smov.u32 s16  }
0x74: {  	s25 =	sand.u32 $0x40, s16;
	s26 =	sand.u32 $0x7C00, s0;
	v34 =	vsub.f32 $3.122142550e-01, v34;
	v35 =	vmul.f32 $7.915036380e-02, v17;
	v33 =	vadd.f32 v33, v14;
	v14 =	vmovc v22;
	v36 =	vmovc v17;
	s1 =	sadd.s32 $0x40, s16  }
0x75: {  	p0 =	sne.s32 s16, $0xFC0;
	v17 =	vadd.f32 $-6.695151920e-01, v30;
	v22 =	vmul.f32 v26, v16;
	v26 =	vsub.f32 v32, v29;
	v16 =	vmovc v24;
	s25 =	sor.u32 s25, s26  }
0x76: {  	v31 =	vmul.f32 v31, v13;
	v29 =	vmul.f32 v34, v16;
	v30 =	vsub.f32 $3.122142550e-01, v35;
	v24 =	vld [tilespmem:s25+$0x8020]  }
0x77: {  	v17 =	vmul.f32 v17, v19;
	v22 =	vadd.f32 $-1.269997940e+02, v22;
	v26 =	vmul.f32 v26, v5;
	v5 =	vmovc v0;
	v0 =	vmovc v8;
	v32 =	vld [tilespmem:s25+$0x8010]  }
0x78: {  	v38 =	vadd.f32 $-6.695151920e-01, v29;
	v29 =	vmul.f32 v30, v36;
	v30 =	vadd.f32 $4.360980990e-01, v31;
	v34 =	vld [tilespmem:s25+$0x8000]  }
0x79: {  	v25 =	vmul.f32 v25, v1;
	v1 =	vmovc v2;
	v22 =	vadd.f32 v22, v12;
	v26 =	vadd.f32 v26, v28  }
0x7a: {  	v2 =	vmovc v4;
	v27 =	vadd.f32 $-1.269997940e+02, v27;
	v12 =	vmovc v18;
	v28 =	vmul.f32 v38, v16;
	v29 =	vadd.f32 $-6.695151920e-01, v29;
	v31 =	vld [tilespmem:s24+$0x10]  }
0x7b: {  	v17 =	vadd.f32 $4.360980990e-01, v17;
	v37 =	vadd.f32 v25, v26;
	v35 =	vcvt.s32.f32 v24;
	v4 =	vld [tilespmem:s25+$0x8030];
	v8 =	vmovc v24  }
0x7c: {  	v26 =	vmul.f32 v30, v13;
	v13 =	vmovc v20;
	v18 =	vcvt.s32.f32 v32;
	v24 =	vshra.s32 v8, $0x17;
	v25 =	vld [tilespmem:s24+$0x0]  }
0x7d: {  	v22 =	vmul.f32 $6.931471820e-01, v22;
	v20 =	vshra.s32 v32, $0x17;
	v30 =	vcvt.s32.f32 v24  }
0x7e: {  	v27 =	vadd.f32 v27, v11;
	v11 =	vmovc v21;
	v24 =	vcvt.s32.f32 v34;
	v38 =	vshra.s32 v34, $0x17  }
0x7f: {  	v21 =	vmul.f32 $6.931471820e-01, v33;
	v18 =	vmul.f32 $1.192092900e-07, v18;
	v31 =	vsub.f32 v22, v31  }
0x80: {  	v22 =	vmul.f32 $1.192092900e-07, v24;
	v24 =	vadd.f32 $-1.269997940e+02, v26;
	v33 =	vshra.s32 v4, $0x17;
	v39 =	vld [tilespmem:s24+$0x30]  }
0x81: {  	v38 =	vcvt.s32.f32 v38;
	v26 =	vadd.f32 $4.360980990e-01, v28;
	v21 =	vsub.f32 v21, v25  }
0x82: {  	v23 =	vsub.f32 $3.122142550e-01, v23;
	v20 =	vcvt.s32.f32 v20;
	v28 =	vadd.f32 v24, v10;
	v10 =	vmovc v15  }
0x83: {  	v38 =	vsub.f32 v22, v38;
	v15 =	vmul.f32 $1.192092900e-07, v35;
	v25 =	vmul.f32 $6.931471820e-01, v27  }
0x84: {  	v24 =	vsub.f32 v18, v20;
	v27 =	vmul.f32 v29, v36;
	v35 =	vmul.f32 v21, v6;
	v6 =	vmovc v9  }
0x85: {  	v40 =	vmul.f32 v23, v13;
	v21 =	vmul.f32 $7.915036380e-02, v38;
	v9 =	vmovc v34;
	v25 =	vsub.f32 v25, v39  }
0x86: {  	v20 =	vsub.f32 v15, v30;
	v30 =	vcvt.s32.f32 v4;
	v39 =	vmul.f32 v31, v3;
	v3 =	vmovc v7;
	v7 =	vmovc v32  }
.Ltmp6:
0x87: {  	v17 =	vmul.f32 v17, v19;
	v19 =	vmovc v38;
	v31 =	vsub.f32 $3.122142550e-01, v21;
	v32 =	vcvt.s32.f32 v33;
	v29 =	vld [tilespmem:s24+$0x20];
	s24 =	smov.u32 s23;
	s23 =	smov.u32 s25;
	(pc) =	sbr.rel @p0 .LBB2_11-.Ltmp6, $4  }
0x88: {  	v23 =	vmul.f32 $7.915036380e-02, v20;
	v21 =	vmul.f32 $1.192092900e-07, v30;
	v35 =	vadd.f32 v35, v37  }
0x89: {  	v27 =	vadd.f32 $4.360980990e-01, v27;
	v33 =	vadd.f32 $-1.269997940e+02, v17;
	v30 =	vmul.f32 v31, v19  }
0x8a: {  	v34 =	vmul.f32 $7.915036380e-02, v24;
	v17 =	vsub.f32 v21, v32;
	v32 =	vmul.f32 $6.931471820e-01, v28  }
0x8b: {  	s0 =	sadd.s32 $0x200, s0;
	s16 =	smov.u32 s1;
	v27 =	vmul.f32 v27, v36;
	v31 =	vadd.f32 $-6.695151920e-01, v40;
	v28 =	vadd.f32 v39, v35  }
0x8c: {  	v34 =	vsub.f32 $3.122142550e-01, v34  }
0x8d: {  	v35 =	vmul.f32 $7.915036380e-02, v17;
	v14 =	vadd.f32 v33, v14;
	v30 =	vadd.f32 $-6.695151920e-01, v30  }
0x8e: {  	v16 =	vmul.f32 v26, v16;
	v26 =	vsub.f32 v32, v29;
	v1 =	vmul.f32 v25, v1  }
0x8f: {  	v23 =	vsub.f32 $3.122142550e-01, v23;
	v31 =	vmul.f32 v31, v13;
	v27 =	vadd.f32 $-1.269997940e+02, v27  }
0x90: {  	v29 =	vmul.f32 v34, v24;
	v16 =	vadd.f32 $-1.269997940e+02, v16;
	v5 =	vmul.f32 v26, v5  }
0x91: {  	v53 =	vld [tilespmem:s24+$0x10];
	v52 =	vsub.f32 $3.122142550e-01, v35;
	v30 =	vmul.f32 v30, v19;
	v31 =	vadd.f32 $4.360980990e-01, v31  }
0x92: {  	v14 =	vmul.f32 $6.931471820e-01, v14;
	v12 =	vadd.f32 v16, v12;
	v5 =	vadd.f32 v5, v28;
	v16 =	vld [tilespmem:s24+$0x0]  }
0x93: {  	v11 =	vadd.f32 v27, v11;
	v26 =	vadd.f32 $-6.695151920e-01, v29;
	v13 =	vmul.f32 v31, v13  }
0x94: {  	v29 =	vmul.f32 v52, v17;
	v1 =	vadd.f32 v1, v5;
	v5 =	vmul.f32 $6.931471820e-01, v12;
	v12 =	vld [tilespmem:s24+$0x30]  }
0x95: {  	v23 =	vmul.f32 v23, v20;
	v28 =	vadd.f32 $4.360980990e-01, v30;
	v13 =	vadd.f32 $-1.269997940e+02, v13  }
0x96: {  	v27 =	vld [tilespmem:s24+$0x20];
	v25 =	vadd.f32 $-6.695151920e-01, v29;
	v26 =	vmul.f32 v26, v24;
	v5 =	vsub.f32 v5, v53  }
0x97: {  	v11 =	vmul.f32 $6.931471820e-01, v11;
	v14 =	vsub.f32 v14, v16;
	v10 =	vadd.f32 v13, v10  }
0x98: {  	v13 =	vadd.f32 $4.360980990e-01, v26;
	v3 =	vmul.f32 v5, v3;
	v5 =	vmul.f32 v28, v19  }
0x99: {  	v6 =	vmul.f32 v14, v6;
	v11 =	vsub.f32 v11, v12;
	v10 =	vmul.f32 $6.931471820e-01, v10  }
0x9a: {  	v16 =	vmul.f32 v25, v17;
	v12 =	vadd.f32 $-6.695151920e-01, v23;
	v5 =	vadd.f32 $-1.269997940e+02, v5  }
0x9b: {  	v1 =	vadd.f32 v6, v1;
	v6 =	vmul.f32 v13, v24;
	v10 =	vsub.f32 v10, v27  }
0x9c: {  	v19 =	vld [tilespmem:s22+$0x8090];
	v13 =	vadd.f32 $4.360980990e-01, v16;
	v5 =	vadd.f32 v5, v22  }
0x9d: {  	v12 =	vmul.f32 v12, v20;
	v22 =	vld [tilespmem:s22+$0x8080];
	v1 =	vadd.f32 v3, v1;
	v3 =	vadd.f32 $-1.269997940e+02, v6  }
0x9e: {  	v0 =	vmul.f32 v10, v0;
	v6 =	vld [tilespmem:s23+$0x0];
	v10 =	vmul.f32 v13, v17  }
0x9f: {  	v14 =	vld [tilespmem:s23+$0x10];
	v12 =	vadd.f32 $4.360980990e-01, v12;
	v3 =	vadd.f32 v3, v18  }
0xa0: {  	v0 =	vadd.f32 v0, v1;
	v1 =	vmul.f32 v11, v2;
	v2 =	vadd.f32 $-1.269997940e+02, v10  }
0xa1: {  	v5 =	vmul.f32 $6.931471820e-01, v5;
	v10 =	vmul.f32 v12, v20  }
0xa2: {  	v0 =	vadd.f32 v1, v0;
	v3 =	vmul.f32 $6.931471820e-01, v3;
	v2 =	vadd.f32 v2, v21  }
0xa3: {  	v11 =	vld [tilespmem:s23+$0x30];
	v10 =	vadd.f32 $-1.269997940e+02, v10;
	v12 =	vcvt.s32.f32 v22;
	v5 =	vsub.f32 v5, v6  }
0xa4: {  	v1 =	vld [tilespmem:s22+$0x80B0];
	v6 =	vcvt.s32.f32 v19;
	v3 =	vsub.f32 v3, v14;
	v2 =	vmul.f32 $6.931471820e-01, v2  }
0xa5: {  	v10 =	vadd.f32 v10, v15;
	v17 =	vmul.f32 $1.192092900e-07, v12;
	v9 =	vmul.f32 v5, v9  }
0xa6: {  	v13 =	vld [tilespmem:s23+$0x20];
	v5 =	vshra.s32 v22, $0x17;
	v15 =	vmul.f32 $1.192092900e-07, v6;
	v6 =	vshra.s32 v19, $0x17  }
0xa7: {  	v12 =	vcvt.s32.f32 v5;
	v6 =	vcvt.s32.f32 v6  }
0xa8: {  	v2 =	vsub.f32 v2, v11;
	v10 =	vmul.f32 $6.931471820e-01, v10;
	v3 =	vmul.f32 v3, v7  }
0xa9: {  	v5 =	vld [tilespmem:s22+$0x80A0];
	v11 =	vcvt.s32.f32 v1;
	v14 =	vshra.s32 v1, $0x17;
	v0 =	vadd.f32 v9, v0  }
0xaa: {  	v18 =	vsub.f32 v17, v12;
	v6 =	vsub.f32 v15, v6;
	v12 =	vcvt.s32.f32 v14  }
0xab: {  	v7 =	vsub.f32 v10, v13;
	v2 =	vmul.f32 v2, v4;
	v4 =	vld [tilespmem:s20+$0x8080];
	v20 =	vmul.f32 $1.192092900e-07, v11  }
0xac: {  	v13 =	vadd.f32 v3, v0;
	v0 =	vld [tilespmem:s20+$0x80A0];
	v10 =	vmul.f32 $7.915036380e-02, v18  }
0xad: {  	v3 =	vld [tilespmem:s20+$0x8090];
	v9 =	vmul.f32 $7.915036380e-02, v6;
	v7 =	vmul.f32 v7, v8;
	v21 =	vsub.f32 v20, v12  }
0xae: {  	v8 =	vcvt.s32.f32 v5;
	v11 =	vshra.s32 v5, $0x17;
	v10 =	vsub.f32 $3.122142550e-01, v10  }
0xaf: {  	v9 =	vsub.f32 $3.122142550e-01, v9;
	v11 =	vcvt.s32.f32 v11;
	v12 =	vmul.f32 $7.915036380e-02, v21  }
0xb0: {  	v7 =	vadd.f32 v7, v13;
	v23 =	vmul.f32 $1.192092900e-07, v8;
	v14 =	vcvt.s32.f32 v4  }
0xb1: {  	v27 =	vshra.s32 v4, $0x17;
	v10 =	vmul.f32 v10, v18;
	v8 =	vmul.f32 v9, v6  }
0xb2: {  	v26 =	vadd.f32 v2, v7;
	v13 =	vshra.s32 v0, $0x17;
	v16 =	vshra.s32 v3, $0x17  }
0xb3: {  	v2 =	vld [tilespmem:s20+$0x80B0];
	v27 =	vcvt.s32.f32 v27;
	v24 =	vsub.f32 v23, v11;
	v11 =	vcvt.s32.f32 v0  }
0xb4: {  	v9 =	vsub.f32 $3.122142550e-01, v12;
	v12 =	vcvt.s32.f32 v3;
	v25 =	vcvt.s32.f32 v13  }
0xb5: {  	v14 =	vmul.f32 $1.192092900e-07, v14;
	v16 =	vcvt.s32.f32 v16;
	v10 =	vadd.f32 $-6.695151920e-01, v10  }
0xb6: {  	v8 =	vadd.f32 $-6.695151920e-01, v8;
	v9 =	vmul.f32 v9, v21;
	v13 =	vmul.f32 $1.192092900e-07, v12  }
0xb7: {  	v27 =	vsub.f32 v14, v27;
	v7 =	vmul.f32 v10, v18;
	v10 =	vmul.f32 $7.915036380e-02, v24  }
0xb8: {  	v8 =	vmul.f32 v8, v6;
	v9 =	vadd.f32 $-6.695151920e-01, v9;
	v12 =	vshra.s32 v2, $0x17  }
0xb9: {  	v28 =	vcvt.s32.f32 v2;
	v16 =	vsub.f32 v13, v16;
	v7 =	vadd.f32 $4.360980990e-01, v7  }
0xba: {  	v29 =	vsub.f32 $3.122142550e-01, v10;
	v10 =	vmul.f32 $1.192092900e-07, v11;
	v30 =	vcvt.s32.f32 v12  }
0xbb: {  	v8 =	vadd.f32 $4.360980990e-01, v8;
	v11 =	vmul.f32 $1.192092900e-07, v28;
	v9 =	vmul.f32 v9, v21  }
0xbc: {  	v28 =	vmul.f32 $7.915036380e-02, v27;
	v12 =	vsub.f32 v10, v25;
	v7 =	vmul.f32 v7, v18  }
0xbd: {  	v18 =	vmul.f32 $7.915036380e-02, v16;
	v25 =	vmul.f32 v29, v24;
	v54 =	vsub.f32 v11, v30  }
0xbe: {  	v31 =	vmul.f32 v8, v6;
	v8 =	vld [tilespmem:s21+$0x80A0];
	v28 =	vsub.f32 $3.122142550e-01, v28;
	v9 =	vadd.f32 $4.360980990e-01, v9  }
0xbf: {  	v6 =	vld [tilespmem:s21+$0x8090];
	v29 =	vmul.f32 $7.915036380e-02, v12;
	v7 =	vadd.f32 $-1.269997940e+02, v7;
	v30 =	vmul.f32 $7.915036380e-02, v54  }
0xc0: {  	v18 =	vsub.f32 $3.122142550e-01, v18;
	v25 =	vadd.f32 $-6.695151920e-01, v25;
	v28 =	vmul.f32 v28, v27  }
0xc1: {  	v21 =	vmul.f32 v9, v21;
	v29 =	vsub.f32 $3.122142550e-01, v29;
	v30 =	vsub.f32 $3.122142550e-01, v30  }
0xc2: {  	v18 =	vmul.f32 v18, v16;
	v9 =	vadd.f32 $-6.695151920e-01, v28;
	v28 =	vadd.f32 $-1.269997940e+02, v31  }
0xc3: {  	v25 =	vmul.f32 v25, v24;
	v31 =	vadd.f32 v7, v17;
	v21 =	vadd.f32 $-1.269997940e+02, v21  }
0xc4: {  	v36 =	vld [tilespmem:s22+$0x80];
	v55 =	vcvt.s32.f32 v8;
	v57 =	vshra.s32 v8, $0x17;
	v37 =	vshra.s32 v6, $0x17  }
0xc5: {  	v18 =	vadd.f32 $-6.695151920e-01, v18;
	v34 =	vcvt.s32.f32 v57;
	v17 =	vmul.f32 v9, v27;
	v9 =	vld [tilespmem:s21+$0x8080]  }
0xc6: {  	v7 =	vld [tilespmem:s21+$0x80B0];
	v25 =	vadd.f32 $4.360980990e-01, v25;
	v58 =	vcvt.s32.f32 v37;
	v60 =	vmul.f32 v29, v12  }
0xc7: {  	v30 =	vmul.f32 v30, v54;
	v15 =	vadd.f32 v28, v15;
	v31 =	vmul.f32 $6.931471820e-01, v31  }
0xc8: {  	v21 =	vadd.f32 v21, v20;
	v18 =	vmul.f32 v18, v16;
	v24 =	vmul.f32 v25, v24  }
0xc9: {  	v28 =	vadd.f32 $-6.695151920e-01, v30;
	v56 =	vadd.f32 $4.360980990e-01, v17;
	v17 =	vcvt.s32.f32 v6  }
0xca: {  	v30 =	vld [tilespmem:s22+$0x90];
	v15 =	vmul.f32 $6.931471820e-01, v15;
	v31 =	vsub.f32 v31, v36;
	v25 =	vcvt.s32.f32 v9  }
0xcb: {  	v21 =	vmul.f32 $6.931471820e-01, v21;
	v29 =	vcvt.s32.f32 v7;
	v38 =	vshra.s32 v9, $0x17  }
0xcc: {  	v38 =	vcvt.s32.f32 v38;
	v20 =	vmul.f32 $1.192092900e-07, v25  }
0xcd: {  	v39 =	vshra.s32 v7, $0x17;
	v17 =	vmul.f32 $1.192092900e-07, v17;
	v31 =	vmul.f32 v31, v22  }
0xce: {  	v27 =	vmul.f32 v56, v27;
	v25 =	vadd.f32 $4.360980990e-01, v18;
	v18 =	vsub.f32 v20, v38  }
0xcf: {  	v28 =	vmul.f32 v28, v54;
	v30 =	vsub.f32 v15, v30;
	v15 =	vadd.f32 $-1.269997940e+02, v24;
	v24 =	vld [tilespmem:s22+$0xB0]  }
0xd0: {  	v63 =	vadd.f32 v31, v26;
	v33 =	vadd.f32 $-1.269997940e+02, v27;
	v22 =	vmul.f32 $7.915036380e-02, v18  }
0xd1: {  	v62 =	vcvt.s32.f32 v39;
	v27 =	vadd.f32 $4.360980990e-01, v28;
	v59 =	vadd.f32 v15, v23  }
0xd2: {  	v15 =	vmul.f32 $1.192092900e-07, v55;
	v61 =	vmul.f32 v30, v19;
	v30 =	vsub.f32 $3.122142550e-01, v22  }
0xd3: {  	v31 =	vadd.f32 $-6.695151920e-01, v60;
	v23 =	vsub.f32 v17, v58;
	v19 =	vmul.f32 $1.192092900e-07, v29  }
0xd4: {  	v24 =	vsub.f32 v21, v24;
	v21 =	vsub.f32 v15, v34;
	v29 =	vmul.f32 v30, v18;
	v30 =	vld [tilespmem:s22+$0xA0]  }
0xd5: {  	v27 =	vmul.f32 v27, v54;
	v26 =	vsub.f32 v19, v62;
	v32 =	vmul.f32 $6.931471820e-01, v59  }
0xd6: {  	s16 =	simm.s32 $0xC0;
	s0 =	simm.s32 $0x600;
	v28 =	vadd.f32 v61, v63;
	v34 =	vmul.f32 $7.915036380e-02, v23;
	v22 =	vmul.f32 $7.915036380e-02, v21  }
.LBB2_13:
0xd7: {  	s1 =	smov.u32 s16  }
0xd8: {  	s22 =	sand.u32 $0x40, s16;
	s23 =	sand.u32 $0x7C00, s0;
	v34 =	vsub.f32 $3.122142550e-01, v34;
	v35 =	vmul.f32 $7.915036380e-02, v26;
	v33 =	vadd.f32 v33, v14;
	v14 =	vmovc v20;
	v36 =	vmovc v26;
	s1 =	sadd.s32 $0x40, s16  }
0xd9: {  	p0 =	sne.s32 s16, $0xFC0;
	v20 =	vadd.f32 $-6.695151920e-01, v29;
	v25 =	vmul.f32 v25, v16;
	v26 =	vsub.f32 v32, v30;
	v16 =	vmovc v23;
	s22 =	sor.u32 s22, s23  }
0xda: {  	v31 =	vmul.f32 v31, v12;
	v29 =	vmul.f32 v34, v16;
	v30 =	vsub.f32 $3.122142550e-01, v35;
	v23 =	vld [tilespmem:s22+$0x80A0]  }
0xdb: {  	v20 =	vmul.f32 v20, v18;
	v25 =	vadd.f32 $-1.269997940e+02, v25;
	v26 =	vmul.f32 v26, v5;
	v5 =	vmovc v0;
	v0 =	vmovc v8;
	v32 =	vld [tilespmem:s22+$0x8090]  }
0xdc: {  	v38 =	vadd.f32 $-6.695151920e-01, v29;
	v29 =	vmul.f32 v30, v36;
	v30 =	vadd.f32 $4.360980990e-01, v31;
	v34 =	vld [tilespmem:s22+$0x8080]  }
0xdd: {  	v24 =	vmul.f32 v24, v1;
	v1 =	vmovc v2;
	v25 =	vadd.f32 v25, v13;
	v26 =	vadd.f32 v26, v28  }
0xde: {  	v2 =	vmovc v7;
	v27 =	vadd.f32 $-1.269997940e+02, v27;
	v13 =	vmovc v17;
	v28 =	vmul.f32 v38, v16;
	v29 =	vadd.f32 $-6.695151920e-01, v29;
	v31 =	vld [tilespmem:s20+$0x90]  }
0xdf: {  	v37 =	vadd.f32 $4.360980990e-01, v20;
	v26 =	vadd.f32 v24, v26;
	v35 =	vcvt.s32.f32 v23;
	v7 =	vld [tilespmem:s22+$0x80B0];
	v8 =	vmovc v23  }
0xe0: {  	v24 =	vmul.f32 v30, v12;
	v12 =	vmovc v21;
	v17 =	vcvt.s32.f32 v32;
	v20 =	vshra.s32 v8, $0x17;
	v23 =	vld [tilespmem:s20+$0x80]  }
0xe1: {  	v21 =	vshra.s32 v32, $0x17;
	v30 =	vcvt.s32.f32 v20;
	v20 =	vmul.f32 $6.931471820e-01, v25  }
0xe2: {  	v27 =	vadd.f32 v27, v11;
	v11 =	vmovc v19;
	v25 =	vcvt.s32.f32 v34;
	v38 =	vshra.s32 v34, $0x17  }
0xe3: {  	v19 =	vmul.f32 $6.931471820e-01, v33;
	v17 =	vmul.f32 $1.192092900e-07, v17;
	v31 =	vsub.f32 v20, v31  }
0xe4: {  	v24 =	vadd.f32 $-1.269997940e+02, v24;
	v20 =	vmul.f32 $1.192092900e-07, v25;
	v33 =	vshra.s32 v7, $0x17;
	v39 =	vld [tilespmem:s20+$0xB0]  }
0xe5: {  	v38 =	vcvt.s32.f32 v38;
	v25 =	vadd.f32 $4.360980990e-01, v28;
	v19 =	vsub.f32 v19, v23  }
0xe6: {  	v22 =	vsub.f32 $3.122142550e-01, v22;
	v21 =	vcvt.s32.f32 v21;
	v28 =	vadd.f32 v24, v10;
	v10 =	vmovc v15  }
0xe7: {  	v15 =	vmul.f32 $1.192092900e-07, v35;
	v24 =	vmul.f32 $6.931471820e-01, v27;
	v38 =	vsub.f32 v20, v38  }
0xe8: {  	v27 =	vmul.f32 v29, v36;
	v23 =	vsub.f32 v17, v21;
	v29 =	vmul.f32 v19, v4;
	v4 =	vmovc v9  }
0xe9: {  	v35 =	vmul.f32 v22, v12;
	v19 =	vmul.f32 $7.915036380e-02, v38;
	v9 =	vmovc v34;
	v24 =	vsub.f32 v24, v39  }
0xea: {  	v21 =	vsub.f32 v15, v30;
	v34 =	vcvt.s32.f32 v7;
	v39 =	vmul.f32 v31, v3;
	v3 =	vmovc v6;
	v6 =	vmovc v32  }
.Ltmp7:
0xeb: {  	v31 =	vsub.f32 $3.122142550e-01, v19;
	v32 =	vcvt.s32.f32 v33;
	v33 =	vmul.f32 v37, v18;
	v18 =	vmovc v38;
	v30 =	vld [tilespmem:s20+$0xA0];
	s20 =	smov.u32 s21;
	s21 =	smov.u32 s22;
	(pc) =	sbr.rel @p0 .LBB2_13-.Ltmp7, $4  }
0xec: {  	v22 =	vmul.f32 $7.915036380e-02, v21;
	v19 =	vmul.f32 $1.192092900e-07, v34;
	v37 =	vadd.f32 v29, v26  }
0xed: {  	v27 =	vadd.f32 $4.360980990e-01, v27;
	v29 =	vmul.f32 v31, v18;
	v33 =	vadd.f32 $-1.269997940e+02, v33  }
0xee: {  	v34 =	vmul.f32 $7.915036380e-02, v23;
	v26 =	vsub.f32 v19, v32;
	v32 =	vmul.f32 $6.931471820e-01, v28  }
0xef: {  	s0 =	sadd.s32 $0x200, s0;
	s16 =	smov.u32 s1;
	v27 =	vmul.f32 v27, v36;
	v31 =	vadd.f32 $-6.695151920e-01, v35;
	v28 =	vadd.f32 v39, v37  }
0xf0: {  	v34 =	vsub.f32 $3.122142550e-01, v34  }
0xf1: {  	v14 =	vadd.f32 v33, v14;
	v16 =	vmul.f32 v25, v16;
	v25 =	vsub.f32 v32, v30  }
0xf2: {  	v35 =	vmul.f32 $7.915036380e-02, v26;
	v29 =	vadd.f32 $-6.695151920e-01, v29;
	v22 =	vsub.f32 $3.122142550e-01, v22  }
0xf3: {  	v31 =	vmul.f32 v31, v12;
	v27 =	vadd.f32 $-1.269997940e+02, v27;
	v30 =	vmul.f32 v34, v23  }
0xf4: {  	v57 =	vsub.f32 $3.122142550e-01, v35;
	v16 =	vadd.f32 $-1.269997940e+02, v16;
	v5 =	vmul.f32 v25, v5  }
0xf5: {  	v58 =	vld [tilespmem:s20+$0x80];
	v29 =	vmul.f32 v29, v18;
	v31 =	vadd.f32 $4.360980990e-01, v31;
	v11 =	vadd.f32 v27, v11  }
0xf6: {  	v1 =	vmul.f32 v24, v1;
	v25 =	vadd.f32 $-6.695151920e-01, v30;
	v5 =	vadd.f32 v5, v28;
	v28 =	vld [tilespmem:s20+$0x90]  }
0xf7: {  	v30 =	vmul.f32 v57, v26;
	v13 =	vadd.f32 v16, v13;
	v29 =	vadd.f32 $4.360980990e-01, v29  }
0xf8: {  	v1 =	vadd.f32 v1, v5;
	v5 =	vmul.f32 $6.931471820e-01, v14;
	v14 =	vmul.f32 v22, v21  }
0xf9: {  	v12 =	vmul.f32 v31, v12;
	v24 =	vadd.f32 $-6.695151920e-01, v30;
	v13 =	vmul.f32 $6.931471820e-01, v13  }
0xfa: {  	v59 =	vmul.f32 v25, v23;
	v5 =	vsub.f32 v5, v58;
	v14 =	vadd.f32 $-6.695151920e-01, v14  }
0xfb: {  	v12 =	vadd.f32 $-1.269997940e+02, v12;
	v13 =	vsub.f32 v13, v28  }
0xfc: {  	v60 =	vadd.f32 $4.360980990e-01, v59;
	v4 =	vmul.f32 v5, v4;
	v5 =	vld [tilespmem:s20+$0xA0];
	v14 =	vmul.f32 v14, v21  }
0xfd: {  	v10 =	vadd.f32 v12, v10;
	v12 =	vmul.f32 v24, v26;
	v3 =	vmul.f32 v13, v3  }
0xfe: {  	v13 =	vmul.f32 v29, v18;
	v1 =	vadd.f32 v4, v1;
	v4 =	vadd.f32 $4.360980990e-01, v14  }
0xff: {  	v16 =	vmul.f32 v60, v23;
	v12 =	vadd.f32 $4.360980990e-01, v12;
	v10 =	vmul.f32 $6.931471820e-01, v10;
	v14 =	vld [tilespmem:s20+$0xB0]  }
0x100: {  	v13 =	vadd.f32 $-1.269997940e+02, v13;
	v1 =	vadd.f32 v3, v1;
	v3 =	vmul.f32 v4, v21  }
0x101: {  	v4 =	vmul.f32 v12, v26;
	v12 =	vld [tilespmem:s21+$0x80];
	v5 =	vsub.f32 v10, v5;
	v10 =	vadd.f32 $-1.269997940e+02, v16  }
0x102: {  	s0 =	simm.s32 $0x0;
	v61 =	vld [tilespmem:s21+$0x90];
	v11 =	vmul.f32 $6.931471820e-01, v11;
	v13 =	vadd.f32 v13, v20;
	v3 =	vadd.f32 $-1.269997940e+02, v3  }
0x103: {  	s1 =	sand.u32 $0x40, s0;
	s0 =	sand.u32 $0x7C00, s0;
	v4 =	vadd.f32 $-1.269997940e+02, v4;
	v0 =	vmul.f32 v5, v0;
	v5 =	vadd.f32 v10, v17;
	v10 =	vld [tilespmem:s21+$0xA0]  }
0x104: {  	v62 =	vld [tilespmem:s21+$0xB0];
	s20 =	sor.u32 s1, s0;
	v11 =	vsub.f32 v11, v14;
	v13 =	vmul.f32 $6.931471820e-01, v13;
	v3 =	vadd.f32 v3, v15  }
0x105: {  	v14 =	vld [tilespmem:s20+$0x8100];
	v4 =	vadd.f32 v4, v19;
	v0 =	vadd.f32 v0, v1;
	v1 =	vmul.f32 $6.931471820e-01, v5  }
0x106: {  	v2 =	vmul.f32 v11, v2;
	v5 =	vsub.f32 v13, v12;
	v13 =	vld [tilespmem:s20+$0x8110];
	v3 =	vmul.f32 $6.931471820e-01, v3  }
0x107: {  	v4 =	vmul.f32 $6.931471820e-01, v4;
	v1 =	vsub.f32 v1, v61  }
0x108: {  	v2 =	vadd.f32 v2, v0;
	v5 =	vmul.f32 v5, v9;
	v0 =	vld [tilespmem:s20+$0x8120];
	v3 =	vsub.f32 v3, v10  }
0x109: {  	v4 =	vsub.f32 v4, v62;
	v1 =	vmul.f32 v1, v6  }
0x10a: {  	v2 =	vadd.f32 v5, v2;
	v5 =	vcvt.s32.f32 v14;
	v6 =	vmul.f32 v3, v8  }
0x10b: {  	v9 =	vmul.f32 v4, v7;
	v3 =	vld [tilespmem:s20+$0x8130];
	v4 =	vcvt.s32.f32 v13;
	v7 =	vshra.s32 v14, $0x17  }
0x10c: {  	v1 =	vadd.f32 v1, v2;
	v5 =	vmul.f32 $1.192092900e-07, v5;
	v2 =	vcvt.s32.f32 v7  }
0x10d: {  	v10 =	vshra.s32 v13, $0x17;
	v7 =	vcvt.s32.f32 v0;
	v8 =	vshra.s32 v0, $0x17  }
0x10e: {  	v10 =	vcvt.s32.f32 v10;
	v11 =	vcvt.s32.f32 v8;
	v8 =	vsub.f32 v5, v2  }
0x10f: {  	p1 =	por $0x1, $0x1;
	v4 =	vmul.f32 $1.192092900e-07, v4;
	v2 =	vmul.f32 $1.192092900e-07, v7  }
.Ltmp8:
0x110: {  	v1 =	vadd.f32 v6, v1;
	v6 =	vmul.f32 $7.915036380e-02, v8;
	v15 =	vcvt.s32.f32 v3;
	(pc) =	sbr.rel @!p1 .LBB2_15-.Ltmp8, $4  }
0x111: {  	v12 =	vsub.f32 v4, v10;
	v63 =	vshra.s32 v3, $0x17;
	v7 =	vsub.f32 v2, v11  }
0x112: {  	v11 =	vcvt.s32.f32 v63;
	v10 =	vsub.f32 $3.122142550e-01, v6;
	v6 =	vmul.f32 $1.192092900e-07, v15  }
0x113: {  	s22 =	simm.s32 $0x200;
	v1 =	vadd.f32 v9, v1;
	v34 =	vmul.f32 $7.915036380e-02, v12  }
0x114: {  	p2 =	por $0x0, $0x0;
	p0 =	por $0x0, $0x0;
	s21 =	simm.s32 $0x40;
	v9 =	vmul.f32 $7.915036380e-02, v7;
	v29 =	vmul.f32 v10, v8;
	v26 =	vsub.f32 v6, v11  }
0x115: {  	s0 =	sand.u32 $0x40, s21;
	s1 =	sand.u32 $0x7C00, s22  }
0x116: {  	v10 =	vsub.f32 $3.122142550e-01, v34;
	s23 =	sor.u32 s0, s1  }
0x117: {  	v15 =	vld [tilespmem:s23+$0x8120]  }
0x118: {  	v16 =	vmul.f32 $7.915036380e-02, v26;
	v18 =	vadd.f32 $-6.695151920e-01, v29;
	v17 =	vmul.f32 v10, v12;
	v11 =	vld [tilespmem:s23+$0x8100]  }
0x119: {  	v9 =	vsub.f32 $3.122142550e-01, v9;
	v10 =	vld [tilespmem:s23+$0x8110]  }
0x11a: {  	v16 =	vsub.f32 $3.122142550e-01, v16;
	v18 =	vmul.f32 v18, v8;
	v17 =	vadd.f32 $-6.695151920e-01, v17  }
0x11b: {  	v30 =	vmul.f32 v9, v7  }
0x11c: {  	v19 =	vmul.f32 v16, v26;
	v23 =	vadd.f32 $4.360980990e-01, v18;
	v17 =	vmul.f32 v17, v12  }
0x11d: {  	v16 =	vld [tilespmem:s23+$0x8130];
	v20 =	vcvt.s32.f32 v15;
	v21 =	vcvt.s32.f32 v11;
	v22 =	vshra.s32 v11, $0x17  }
0x11e: {  	v18 =	vcvt.s32.f32 v10;
	v24 =	vshra.s32 v15, $0x17;
	v22 =	vcvt.s32.f32 v22  }
0x11f: {  	v25 =	vshra.s32 v10, $0x17;
	v27 =	vcvt.s32.f32 v24;
	v21 =	vmul.f32 $1.192092900e-07, v21  }
0x120: {  	v19 =	vadd.f32 $-6.695151920e-01, v19;
	v25 =	vcvt.s32.f32 v25;
	v18 =	vmul.f32 $1.192092900e-07, v18  }
0x121: {  	v24 =	vadd.f32 $4.360980990e-01, v17;
	v17 =	vmul.f32 $1.192092900e-07, v20;
	v36 =	vsub.f32 v21, v22  }
0x122: {  	p3 =	por $0x1, $0x1;
	v28 =	vshra.s32 v16, $0x17;
	v22 =	vsub.f32 v18, v25;
	v25 =	vmul.f32 v19, v26  }
.Ltmp9:
0x123: {  	v20 =	vsub.f32 v17, v27;
	v27 =	vcvt.s32.f32 v16;
	v19 =	vmul.f32 $7.915036380e-02, v36;
	(pc) =	sbr.rel @!p3 .LBB2_17-.Ltmp9, $4  }
0x124: {  	v33 =	vadd.f32 $-6.695151920e-01, v30;
	v8 =	vmul.f32 v23, v8;
	v28 =	vcvt.s32.f32 v28  }
0x125: {  	v23 =	vadd.f32 $4.360980990e-01, v25;
	v29 =	vsub.f32 $3.122142550e-01, v19;
	v19 =	vmul.f32 $1.192092900e-07, v27  }
0x126: {  	v32 =	vadd.f32 $-1.269997940e+02, v8;
	v9 =	vmul.f32 $7.915036380e-02, v20;
	v34 =	vmul.f32 $7.915036380e-02, v22  }
0x127: {  	p2 =	por $0x1, $0x1;
	s0 =	simm.s32 $0x80;
	s1 =	simm.s32 $0x400;
	v30 =	vmul.f32 v23, v26;
	v29 =	vmul.f32 v29, v36;
	v40 =	vsub.f32 v19, v28  }
0x128: {  	v8 =	vsub.f32 $3.122142550e-01, v34  }
0x129: {  	s0 =	sand.u32 $0x40, s0;
	s1 =	sand.u32 $0x7C00, s1;
	v12 =	vmul.f32 v24, v12;
	v26 =	vmul.f32 v33, v7;
	v5 =	vadd.f32 v32, v5;
	v58 =	vld [tilespmem:s20+$0x100]  }
0x12a: {  	v9 =	vsub.f32 $3.122142550e-01, v9;
	v23 =	vmul.f32 $7.915036380e-02, v40;
	s24 =	sor.u32 s0, s1;
	v25 =	vadd.f32 $-6.695151920e-01, v29  }
0x12b: {  	v28 =	vld [tilespmem:s24+$0x8120];
	v8 =	vmul.f32 v8, v22;
	v12 =	vadd.f32 $-1.269997940e+02, v12;
	v26 =	vadd.f32 $4.360980990e-01, v26  }
0x12c: {  	v27 =	vld [tilespmem:s24+$0x8130];
	v59 =	vmul.f32 $6.931471820e-01, v5;
	v24 =	vsub.f32 $3.122142550e-01, v23;
	v29 =	vmul.f32 v25, v36  }
0x12d: {  	v41 =	vmul.f32 v9, v20;
	v25 =	vld [tilespmem:s24+$0x8100];
	v8 =	vadd.f32 $-6.695151920e-01, v8;
	v7 =	vmul.f32 v26, v7  }
0x12e: {  	v23 =	vld [tilespmem:s24+$0x8110];
	v4 =	vadd.f32 v12, v4;
	v24 =	vmul.f32 v24, v40;
	v29 =	vadd.f32 $4.360980990e-01, v29  }
0x12f: {  	v12 =	vld [tilespmem:s20+$0x110];
	v32 =	vsub.f32 v59, v58;
	v8 =	vmul.f32 v8, v22;
	v7 =	vadd.f32 $-1.269997940e+02, v7  }
0x130: {  	v35 =	vmul.f32 $6.931471820e-01, v4;
	v31 =	vadd.f32 $-6.695151920e-01, v24;
	v24 =	vadd.f32 $-1.269997940e+02, v30  }
0x131: {  	v30 =	vcvt.s32.f32 v28;
	v57 =	vshra.s32 v28, $0x17;
	v14 =	vmul.f32 v32, v14  }
0x132: {  	v60 =	vshra.s32 v27, $0x17;
	v63 =	vmul.f32 v29, v36;
	v37 =	vcvt.s32.f32 v25  }
0x133: {  	v56 =	vcvt.s32.f32 v23;
	v26 =	vshra.s32 v23, $0x17;
	v38 =	vshra.s32 v25, $0x17  }
0x134: {  	v35 =	vsub.f32 v35, v12;
	v12 =	vcvt.s32.f32 v38;
	v5 =	vmul.f32 $1.192092900e-07, v37  }
0x135: {  	v39 =	vld [tilespmem:s20+$0x130];
	v33 =	vcvt.s32.f32 v57;
	v62 =	vcvt.s32.f32 v60;
	v6 =	vadd.f32 v24, v6  }
0x136: {  	v24 =	vadd.f32 $4.360980990e-01, v8;
	v26 =	vcvt.s32.f32 v26;
	v8 =	vsub.f32 v5, v12  }
0x137: {  	v61 =	vadd.f32 v7, v2;
	v2 =	vmul.f32 $1.192092900e-07, v30;
	v4 =	vmul.f32 $1.192092900e-07, v56  }
0x138: {  	v14 =	vadd.f32 v14, v1;
	v6 =	vmul.f32 $6.931471820e-01, v6;
	v30 =	vmul.f32 $7.915036380e-02, v8  }
0x139: {  	p4 =	por $0x1, $0x1;
	v32 =	vadd.f32 $-1.269997940e+02, v63;
	v12 =	vsub.f32 v4, v26;
	v26 =	vmul.f32 v31, v40  }
.Ltmp10:
0x13a: {  	v31 =	vsub.f32 v6, v39;
	v6 =	vcvt.s32.f32 v27;
	v30 =	vsub.f32 $3.122142550e-01, v30;
	(pc) =	sbr.rel @!p4 .LBB2_19-.Ltmp10, $4  }
0x13b: {  	v38 =	vmul.f32 $6.931471820e-01, v61;
	v7 =	vsub.f32 v2, v33;
	v13 =	vmul.f32 v35, v13  }
0x13c: {  	v35 =	vld [tilespmem:s20+$0x120];
	v6 =	vmul.f32 $1.192092900e-07, v6;
	v29 =	vmul.f32 v30, v8;
	v30 =	vadd.f32 $4.360980990e-01, v26  }
0x13d: {  	v33 =	vadd.f32 $-6.695151920e-01, v41;
	v9 =	vmul.f32 $7.915036380e-02, v7;
	v36 =	vadd.f32 v13, v14  }
0x13e: {  	s16 =	simm.s32 $0xC0;
	p3 =	por $0x1, $0x1;
	s0 =	simm.s32 $0x600;
	v34 =	vmul.f32 $7.915036380e-02, v12;
	v26 =	vsub.f32 v6, v62;
	v30 =	vmul.f32 v30, v40  }
.LBB2_20:
0x13f: {  	s1 =	smov.u32 s16  }
0x140: {  	s25 =	sand.u32 $0x40, s16;
	s26 =	sand.u32 $0x7C00, s0;
	v13 =	vsub.f32 $3.122142550e-01, v34;
	v14 =	vmul.f32 $7.915036380e-02, v26;
	v32 =	vadd.f32 v32, v21;
	v21 =	vmovc v5;
	v37 =	vmovc v26;
	s1 =	sadd.s32 $0x40, s16  }
0x141: {  	p4 =	sne.s32 s16, $0xFC0;
	v5 =	vadd.f32 $-6.695151920e-01, v29;
	v24 =	vmul.f32 v24, v22;
	v26 =	vsub.f32 v38, v35;
	v22 =	vmovc v12;
	s25 =	sor.u32 s25, s26  }
0x142: {  	v29 =	vmul.f32 v33, v20;
	v13 =	vmul.f32 v13, v22;
	v14 =	vsub.f32 $3.122142550e-01, v14;
	v12 =	vld [tilespmem:s25+$0x8120]  }
0x143: {  	v5 =	vmul.f32 v5, v8;
	v24 =	vadd.f32 $-1.269997940e+02, v24;
	v26 =	vmul.f32 v26, v0;
	v0 =	vmovc v15;
	v15 =	vmovc v28;
	v33 =	vld [tilespmem:s25+$0x8110]  }
0x144: {  	v29 =	vadd.f32 $4.360980990e-01, v29;
	v13 =	vadd.f32 $-6.695151920e-01, v13;
	v14 =	vmul.f32 v14, v37;
	v34 =	vld [tilespmem:s25+$0x8100]  }
0x145: {  	v38 =	vmul.f32 v31, v3;
	v3 =	vmovc v16;
	v24 =	vadd.f32 v24, v18;
	v26 =	vadd.f32 v26, v36  }
0x146: {  	v16 =	vmovc v27;
	v30 =	vadd.f32 $-1.269997940e+02, v30;
	v18 =	vmovc v4;
	v13 =	vmul.f32 v13, v22;
	v14 =	vadd.f32 $-6.695151920e-01, v14;
	v31 =	vld [tilespmem:s23+$0x110]  }
0x147: {  	v36 =	vadd.f32 $4.360980990e-01, v5;
	v26 =	vadd.f32 v38, v26;
	v35 =	vcvt.s32.f32 v12;
	v27 =	vld [tilespmem:s25+$0x8130];
	v28 =	vmovc v12  }
0x148: {  	v29 =	vmul.f32 v29, v20;
	v20 =	vmovc v7;
	v4 =	vcvt.s32.f32 v33;
	v5 =	vshra.s32 v28, $0x17;
	v12 =	vld [tilespmem:s23+$0x100]  }
0x149: {  	v7 =	vshra.s32 v33, $0x17;
	v38 =	vcvt.s32.f32 v5;
	v5 =	vmul.f32 $6.931471820e-01, v24  }
0x14a: {  	v30 =	vadd.f32 v30, v19;
	v19 =	vmovc v6;
	v24 =	vcvt.s32.f32 v34;
	v39 =	vshra.s32 v34, $0x17  }
0x14b: {  	v6 =	vmul.f32 $6.931471820e-01, v32;
	v4 =	vmul.f32 $1.192092900e-07, v4;
	v32 =	vsub.f32 v5, v31  }
0x14c: {  	v29 =	vadd.f32 $-1.269997940e+02, v29;
	v5 =	vmul.f32 $1.192092900e-07, v24;
	v40 =	vshra.s32 v27, $0x17;
	v31 =	vld [tilespmem:s23+$0x130]  }
0x14d: {  	v39 =	vcvt.s32.f32 v39;
	v24 =	vadd.f32 $4.360980990e-01, v13;
	v6 =	vsub.f32 v6, v12  }
0x14e: {  	v9 =	vsub.f32 $3.122142550e-01, v9;
	v7 =	vcvt.s32.f32 v7;
	v13 =	vadd.f32 v29, v17;
	v17 =	vmovc v2  }
0x14f: {  	v30 =	vmul.f32 $6.931471820e-01, v30;
	v2 =	vmul.f32 $1.192092900e-07, v35;
	v29 =	vsub.f32 v5, v39  }
0x150: {  	v14 =	vmul.f32 v14, v37;
	v12 =	vsub.f32 v4, v7;
	v39 =	vmul.f32 v6, v11;
	v11 =	vmovc v25  }
0x151: {  	v41 =	vmul.f32 v9, v20;
	v6 =	vmul.f32 $7.915036380e-02, v29;
	v25 =	vmovc v34;
	v31 =	vsub.f32 v30, v31  }
0x152: {  	v7 =	vsub.f32 v2, v38;
	v42 =	vmul.f32 v32, v10;
	v10 =	vmovc v23;
	v23 =	vmovc v33;
	v30 =	vcvt.s32.f32 v27  }
.Ltmp11:
0x153: {  	v33 =	vcvt.s32.f32 v40;
	v34 =	vmul.f32 v36, v8;
	v8 =	vmovc v29;
	v32 =	vsub.f32 $3.122142550e-01, v6;
	v35 =	vld [tilespmem:s23+$0x120];
	s23 =	smov.u32 s24;
	s24 =	smov.u32 s25;
	(pc) =	sbr.rel @p4 .LBB2_20-.Ltmp11, $4  }
0x154: {  	v9 =	vmul.f32 $7.915036380e-02, v7;
	v36 =	vadd.f32 v39, v26;
	v6 =	vmul.f32 $1.192092900e-07, v30  }
0x155: {  	v14 =	vadd.f32 $4.360980990e-01, v14;
	v29 =	vmul.f32 v32, v8;
	v32 =	vadd.f32 $-1.269997940e+02, v34  }
0x156: {  	v38 =	vmul.f32 $6.931471820e-01, v13;
	v34 =	vmul.f32 $7.915036380e-02, v12;
	v26 =	vsub.f32 v6, v33  }
0x157: {  	s0 =	sadd.s32 $0x200, s0;
	s16 =	smov.u32 s1;
	v30 =	vmul.f32 v14, v37;
	v36 =	vadd.f32 v42, v36;
	v33 =	vadd.f32 $-6.695151920e-01, v41  }
0x158: {  	v40 =	vmov v0  }
0x159: {  	v45 =	vmovc v3;
	v41 =	vmovc v21;
	v42 =	vmov v22;
	v39 =	vmov v20;
	v37 =	vmov v15  }
0x15a: {  	v0 =	vmovc v28;
	v43 =	vmovc v18;
	v28 =	vmov v16;
	v3 =	vmov v27;
	v46 =	vmov v19  }
0x15b: {  	s0 =	smov.u32 s23;
	v27 =	vmovc v17;
	v44 =	vmovc v11;
	v14 =	vmov v25;
	v25 =	vmov v10;
	v13 =	vmov v23;
	s23 =	smov.u32 s24  }
.LBB2_22:
0x15c: {  	v10 =	vsub.f32 $3.122142550e-01, v34;
	v11 =	vmul.f32 $7.915036380e-02, v26;
	v15 =	vadd.f32 @p2 v32, v41  }
0x15d: {  	v16 =	vadd.f32 $-6.695151920e-01, v29;
	v17 =	vmul.f32 @p2 v24, v42;
	v18 =	vsub.f32 @p3 v38, v35  }
0x15e: {  	v19 =	vmul.f32 @p2 v33, v39;
	v23 =	vadd.f32 @p2 $-1.269997940e+02, v30;
	v9 =	vsub.f32 $3.122142550e-01, v9  }
0x15f: {  	v22 =	vld @p2 [tilespmem:s0+$0x100];
	v10 =	vmul.f32 v10, v12;
	v11 =	vsub.f32 $3.122142550e-01, v11;
	v16 =	vmul.f32 v16, v8  }
0x160: {  	v17 =	vadd.f32 @p2 $-1.269997940e+02, v17;
	v18 =	vmul.f32 @p3 v18, v40;
	v19 =	vadd.f32 @p2 $4.360980990e-01, v19  }
0x161: {  	v15 =	vmul.f32 @p2 $6.931471820e-01, v15;
	v9 =	vmul.f32 v9, v7;
	v10 =	vadd.f32 $-6.695151920e-01, v10  }
0x162: {  	v20 =	vld @p2 [tilespmem:s0+$0x110];
	v11 =	vmul.f32 v11, v26;
	v17 =	vadd.f32 @p2 v17, v43;
	v18 =	vadd.f32 @p3 v18, v36  }
0x163: {  	v21 =	vmul.f32 @p3 v31, v45;
	v16 =	vadd.f32 $4.360980990e-01, v16;
	v9 =	vadd.f32 $-6.695151920e-01, v9  }
0x164: {  	v19 =	vmul.f32 @p2 v19, v39;
	v15 =	vsub.f32 @p2 v15, v22;
	v11 =	vadd.f32 $-6.695151920e-01, v11  }
0x165: {  	v18 =	vadd.f32 @p3 v21, v18;
	v17 =	vmul.f32 @p2 $6.931471820e-01, v17;
	v10 =	vmul.f32 v10, v12  }
0x166: {  	v21 =	vadd.f32 @p2 v23, v46;
	v19 =	vadd.f32 @p2 $-1.269997940e+02, v19;
	v8 =	vmul.f32 v16, v8  }
0x167: {  	v22 =	vld @p2 [tilespmem:s0+$0x120];
	v9 =	vmul.f32 v9, v7;
	v15 =	vmul.f32 @p2 v15, v44;
	v17 =	vsub.f32 @p2 v17, v20  }
0x168: {  	v10 =	vadd.f32 $4.360980990e-01, v10;
	v19 =	vadd.f32 @p2 v19, v27;
	v21 =	vmul.f32 @p2 $6.931471820e-01, v21  }
0x169: {  	v11 =	vmul.f32 v11, v26;
	v16 =	vpsel p3, v18, v1;
	v8 =	vadd.f32 $-1.269997940e+02, v8  }
0x16a: {  	v20 =	vld @p2 [tilespmem:s0+$0x130];
	v9 =	vadd.f32 $4.360980990e-01, v9;
	v15 =	vadd.f32 @p2 v15, v16;
	v17 =	vmul.f32 @p2 v17, v25  }
0x16b: {  	v11 =	vadd.f32 $4.360980990e-01, v11;
	v18 =	vmul.f32 @p2 $6.931471820e-01, v19;
	v10 =	vmul.f32 v10, v12  }
0x16c: {  	v19 =	vpsel p2, v22, v0;
	v7 =	vmul.f32 v9, v7;
	v5 =	vadd.f32 v8, v5  }
0x16d: {  	v15 =	vadd.f32 @p2 v17, v15;
	v18 =	vpsel p2, v18, v0;
	v10 =	vadd.f32 $-1.269997940e+02, v10  }
0x16e: {  	v11 =	vmul.f32 v11, v26;
	v7 =	vadd.f32 $-1.269997940e+02, v7;
	v18 =	vsub.f32 @p2 v18, v19;
	v17 =	vmovc @p2 v37  }
0x16f: {  	v16 =	vsub.f32 @p2 v21, v20;
	v9 =	vpsel p2, v15, v0;
	v15 =	vld [tilespmem:s23+$0x100];
	v17 =	vpsel p2, v17, v0  }
0x170: {  	v12 =	vmovc @p2 v28;
	v4 =	vadd.f32 v10, v4;
	v10 =	vadd.f32 $-1.269997940e+02, v11;
	v11 =	vld [tilespmem:s23+$0x120];
	v8 =	vmul.f32 @p2 v18, v17  }
0x171: {  	v12 =	vpsel p2, v12, v0;
	v2 =	vadd.f32 v7, v2;
	v18 =	vld [tilespmem:s23+$0x110]  }
0x172: {  	v5 =	vmul.f32 $6.931471820e-01, v5;
	v16 =	vpsel p2, v16, v0;
	v8 =	vadd.f32 @p2 v8, v9;
	v9 =	vld [tilespmem:s23+$0x130]  }
0x173: {  	v7 =	vmul.f32 @p2 v16, v12;
	v6 =	vadd.f32 v10, v6;
	v17 =	vld [tilespmem:s20+$0x8180];
	v2 =	vmul.f32 $6.931471820e-01, v2  }
0x174: {  	v4 =	vmul.f32 $6.931471820e-01, v4;
	v5 =	vsub.f32 v5, v15;
	v15 =	vld [tilespmem:s20+$0x8190]  }
0x175: {  	v6 =	vmul.f32 $6.931471820e-01, v6;
	v7 =	vadd.f32 @p2 v7, v8;
	v8 =	vsub.f32 v2, v11  }
0x176: {  	v2 =	vld [tilespmem:s20+$0x81A0];
	v4 =	vsub.f32 v4, v18;
	v5 =	vmul.f32 v5, v14  }
0x177: {  	v1 =	vpsel p2, v7, v1;
	v0 =	vmul.f32 v8, v0;
	v6 =	vsub.f32 v6, v9  }
0x178: {  	v7 =	vcvt.s32.f32 v17;
	v4 =	vmul.f32 v4, v13;
	v5 =	vadd.f32 v5, v1  }
0x179: {  	v1 =	vld [tilespmem:s20+$0x81B0];
	v9 =	vshra.s32 v17, $0x17;
	v8 =	vmul.f32 v6, v3;
	v3 =	vcvt.s32.f32 v15  }
0x17a: {  	v11 =	vshra.s32 v15, $0x17;
	v6 =	vmul.f32 $1.192092900e-07, v7;
	v7 =	vcvt.s32.f32 v9  }
0x17b: {  	v5 =	vadd.f32 v4, v5;
	v10 =	vcvt.s32.f32 v2;
	v4 =	vshra.s32 v2, $0x17  }
0x17c: {  	v13 =	vcvt.s32.f32 v4;
	v4 =	vmul.f32 $1.192092900e-07, v3;
	v9 =	vsub.f32 v6, v7  }
0x17d: {  	v7 =	vcvt.s32.f32 v11;
	v3 =	vmul.f32 $1.192092900e-07, v10  }
.Ltmp12:
0x17e: {  	v0 =	vadd.f32 v0, v5;
	v10 =	vcvt.s32.f32 v1;
	v5 =	vmul.f32 $7.915036380e-02, v9;
	(pc) =	sbr.rel @!p1 .LBB2_23-.Ltmp12, $4  }
0x17f: {  	v11 =	vshra.s32 v1, $0x17;
	v12 =	vsub.f32 v4, v7;
	v7 =	vsub.f32 v3, v13  }
0x180: {  	v11 =	vcvt.s32.f32 v11;
	v13 =	vsub.f32 $3.122142550e-01, v5;
	v5 =	vmul.f32 $1.192092900e-07, v10  }
0x181: {  	v0 =	vadd.f32 v8, v0;
	v8 =	vmul.f32 $7.915036380e-02, v7  }
0x182: {  	v34 =	vmul.f32 $7.915036380e-02, v12;
	v30 =	vmul.f32 v13, v9;
	v26 =	vsub.f32 v5, v11  }
0x183: {  	s0 =	sand.u32 $0x40, s21;
	s1 =	sand.u32 $0x7C00, s22  }
0x184: {  	v10 =	vsub.f32 $3.122142550e-01, v34;
	s21 =	sor.u32 s0, s1;
	v14 =	vmul.f32 $7.915036380e-02, v26  }
0x185: {  	v13 =	vld [tilespmem:s21+$0x81A0]  }
0x186: {  	v11 =	vld [tilespmem:s21+$0x8180];
	v16 =	vmul.f32 v10, v12;
	v14 =	vsub.f32 $3.122142550e-01, v14  }
0x187: {  	v8 =	vsub.f32 $3.122142550e-01, v8;
	v10 =	vld [tilespmem:s21+$0x8190]  }
0x188: {  	v18 =	vadd.f32 $-6.695151920e-01, v30;
	v16 =	vadd.f32 $-6.695151920e-01, v16;
	v19 =	vmul.f32 v14, v26  }
0x189: {  	v29 =	vmul.f32 v8, v7  }
0x18a: {  	v18 =	vmul.f32 v18, v9;
	v16 =	vmul.f32 v16, v12;
	v20 =	vadd.f32 $-6.695151920e-01, v19  }
0x18b: {  	v14 =	vld [tilespmem:s21+$0x81B0];
	v22 =	vcvt.s32.f32 v13;
	v19 =	vcvt.s32.f32 v11;
	v24 =	vshra.s32 v11, $0x17  }
0x18c: {  	v25 =	vshra.s32 v13, $0x17;
	v23 =	vcvt.s32.f32 v10;
	v24 =	vcvt.s32.f32 v24  }
0x18d: {  	v27 =	vshra.s32 v10, $0x17;
	v25 =	vcvt.s32.f32 v25;
	v21 =	vmul.f32 $1.192092900e-07, v19  }
0x18e: {  	v18 =	vadd.f32 $4.360980990e-01, v18;
	v27 =	vcvt.s32.f32 v27;
	v19 =	vmul.f32 $1.192092900e-07, v23  }
0x18f: {  	v36 =	vsub.f32 v21, v24;
	v24 =	vadd.f32 $4.360980990e-01, v16;
	v16 =	vmul.f32 $1.192092900e-07, v22  }
0x190: {  	p2 =	por $0x1, $0x1;
	v23 =	vshra.s32 v14, $0x17;
	v22 =	vsub.f32 v19, v27;
	v27 =	vmul.f32 v20, v26  }
.Ltmp13:
0x191: {  	v28 =	vmul.f32 $7.915036380e-02, v36;
	v20 =	vsub.f32 v16, v25;
	v25 =	vcvt.s32.f32 v14;
	(pc) =	sbr.rel @!p2 .LBB2_25-.Ltmp13, $4  }
0x192: {  	v33 =	vadd.f32 $-6.695151920e-01, v29;
	v9 =	vmul.f32 v18, v9;
	v23 =	vcvt.s32.f32 v23  }
0x193: {  	v28 =	vsub.f32 $3.122142550e-01, v28;
	v18 =	vmul.f32 $1.192092900e-07, v25;
	v25 =	vadd.f32 $4.360980990e-01, v27  }
0x194: {  	v32 =	vadd.f32 $-1.269997940e+02, v9;
	v34 =	vmul.f32 $7.915036380e-02, v22;
	v8 =	vmul.f32 $7.915036380e-02, v20  }
0x195: {  	p1 =	por $0x1, $0x1;
	s0 =	simm.s32 $0x80;
	s1 =	simm.s32 $0x400;
	v30 =	vmul.f32 v28, v36;
	v40 =	vsub.f32 v18, v23;
	v29 =	vmul.f32 v25, v26  }
0x196: {  	v9 =	vsub.f32 $3.122142550e-01, v34  }
0x197: {  	s0 =	sand.u32 $0x40, s0;
	s1 =	sand.u32 $0x7C00, s1;
	v12 =	vmul.f32 v24, v12;
	v26 =	vmul.f32 v33, v7;
	v6 =	vadd.f32 v32, v6;
	v58 =	vld [tilespmem:s20+$0x180]  }
0x198: {  	v8 =	vsub.f32 $3.122142550e-01, v8;
	v23 =	vmul.f32 $7.915036380e-02, v40;
	s22 =	sor.u32 s0, s1;
	v25 =	vadd.f32 $-6.695151920e-01, v30  }
0x199: {  	v28 =	vld [tilespmem:s22+$0x81A0];
	v9 =	vmul.f32 v9, v22;
	v12 =	vadd.f32 $-1.269997940e+02, v12;
	v26 =	vadd.f32 $4.360980990e-01, v26  }
0x19a: {  	v27 =	vld [tilespmem:s22+$0x81B0];
	v59 =	vmul.f32 $6.931471820e-01, v6;
	v24 =	vsub.f32 $3.122142550e-01, v23;
	v30 =	vmul.f32 v25, v36  }
0x19b: {  	v41 =	vmul.f32 v8, v20;
	v25 =	vld [tilespmem:s22+$0x8180];
	v9 =	vadd.f32 $-6.695151920e-01, v9;
	v7 =	vmul.f32 v26, v7  }
0x19c: {  	v23 =	vld [tilespmem:s22+$0x8190];
	v4 =	vadd.f32 v12, v4;
	v24 =	vmul.f32 v24, v40;
	v30 =	vadd.f32 $4.360980990e-01, v30  }
0x19d: {  	v12 =	vld [tilespmem:s20+$0x190];
	v32 =	vsub.f32 v59, v58;
	v9 =	vmul.f32 v9, v22;
	v7 =	vadd.f32 $-1.269997940e+02, v7  }
0x19e: {  	v35 =	vmul.f32 $6.931471820e-01, v4;
	v31 =	vadd.f32 $-6.695151920e-01, v24;
	v24 =	vadd.f32 $-1.269997940e+02, v29  }
0x19f: {  	v29 =	vcvt.s32.f32 v28;
	v57 =	vshra.s32 v28, $0x17;
	v17 =	vmul.f32 v32, v17  }
0x1a0: {  	v60 =	vshra.s32 v27, $0x17;
	v63 =	vmul.f32 v30, v36;
	v37 =	vcvt.s32.f32 v25  }
0x1a1: {  	v56 =	vcvt.s32.f32 v23;
	v26 =	vshra.s32 v23, $0x17;
	v38 =	vshra.s32 v25, $0x17  }
0x1a2: {  	v35 =	vsub.f32 v35, v12;
	v12 =	vcvt.s32.f32 v38;
	v6 =	vmul.f32 $1.192092900e-07, v37  }
0x1a3: {  	v39 =	vld [tilespmem:s20+$0x1B0];
	v33 =	vcvt.s32.f32 v57;
	v62 =	vcvt.s32.f32 v60;
	v5 =	vadd.f32 v24, v5  }
0x1a4: {  	v24 =	vadd.f32 $4.360980990e-01, v9;
	v26 =	vcvt.s32.f32 v26;
	v9 =	vsub.f32 v6, v12  }
0x1a5: {  	v61 =	vadd.f32 v7, v3;
	v3 =	vmul.f32 $1.192092900e-07, v29;
	v4 =	vmul.f32 $1.192092900e-07, v56  }
0x1a6: {  	v17 =	vadd.f32 v17, v0;
	v5 =	vmul.f32 $6.931471820e-01, v5;
	v29 =	vmul.f32 $7.915036380e-02, v9  }
0x1a7: {  	p2 =	por $0x1, $0x1;
	v32 =	vadd.f32 $-1.269997940e+02, v63;
	v12 =	vsub.f32 v4, v26;
	v26 =	vmul.f32 v31, v40  }
.Ltmp14:
0x1a8: {  	v31 =	vsub.f32 v5, v39;
	v5 =	vcvt.s32.f32 v27;
	v29 =	vsub.f32 $3.122142550e-01, v29;
	(pc) =	sbr.rel @!p2 .LBB2_27-.Ltmp14, $4  }
0x1a9: {  	v38 =	vmul.f32 $6.931471820e-01, v61;
	v7 =	vsub.f32 v3, v33;
	v15 =	vmul.f32 v35, v15  }
0x1aa: {  	v35 =	vld [tilespmem:s20+$0x1A0];
	v5 =	vmul.f32 $1.192092900e-07, v5;
	v30 =	vmul.f32 v29, v9;
	v29 =	vadd.f32 $4.360980990e-01, v26  }
0x1ab: {  	v33 =	vadd.f32 $-6.695151920e-01, v41;
	v8 =	vmul.f32 $7.915036380e-02, v7;
	v36 =	vadd.f32 v15, v17  }
0x1ac: {  	s16 =	simm.s32 $0xC0;
	p0 =	por $0x1, $0x1;
	s0 =	simm.s32 $0x600;
	v34 =	vmul.f32 $7.915036380e-02, v12;
	v26 =	vsub.f32 v5, v62;
	v29 =	vmul.f32 v29, v40  }
.LBB2_28:
0x1ad: {  	s1 =	smov.u32 s16  }
0x1ae: {  	s20 =	sand.u32 $0x40, s16;
	s23 =	sand.u32 $0x7C00, s0;
	v15 =	vsub.f32 $3.122142550e-01, v34;
	v17 =	vmul.f32 $7.915036380e-02, v26;
	v32 =	vadd.f32 v32, v21;
	v21 =	vmovc v6;
	v37 =	vmovc v26;
	s1 =	sadd.s32 $0x40, s16  }
0x1af: {  	p2 =	sne.s32 s16, $0xFC0;
	v6 =	vadd.f32 $-6.695151920e-01, v30;
	v24 =	vmul.f32 v24, v22;
	v26 =	vsub.f32 v38, v35;
	v22 =	vmovc v12;
	s20 =	sor.u32 s20, s23  }
0x1b0: {  	v30 =	vmul.f32 v33, v20;
	v15 =	vmul.f32 v15, v22;
	v17 =	vsub.f32 $3.122142550e-01, v17;
	v12 =	vld [tilespmem:s20+$0x81A0]  }
0x1b1: {  	v6 =	vmul.f32 v6, v9;
	v24 =	vadd.f32 $-1.269997940e+02, v24;
	v26 =	vmul.f32 v26, v2;
	v2 =	vmovc v13;
	v13 =	vmovc v28;
	v33 =	vld [tilespmem:s20+$0x8190]  }
0x1b2: {  	v30 =	vadd.f32 $4.360980990e-01, v30;
	v15 =	vadd.f32 $-6.695151920e-01, v15;
	v17 =	vmul.f32 v17, v37;
	v34 =	vld [tilespmem:s20+$0x8180]  }
0x1b3: {  	v38 =	vmul.f32 v31, v1;
	v1 =	vmovc v14;
	v24 =	vadd.f32 v24, v19;
	v26 =	vadd.f32 v26, v36  }
0x1b4: {  	v14 =	vmovc v27;
	v29 =	vadd.f32 $-1.269997940e+02, v29;
	v19 =	vmovc v4;
	v15 =	vmul.f32 v15, v22;
	v17 =	vadd.f32 $-6.695151920e-01, v17;
	v31 =	vld [tilespmem:s21+$0x190]  }
0x1b5: {  	v36 =	vadd.f32 $4.360980990e-01, v6;
	v26 =	vadd.f32 v38, v26;
	v35 =	vcvt.s32.f32 v12;
	v27 =	vld [tilespmem:s20+$0x81B0];
	v28 =	vmovc v12  }
0x1b6: {  	v30 =	vmul.f32 v30, v20;
	v20 =	vmovc v7;
	v4 =	vcvt.s32.f32 v33;
	v6 =	vshra.s32 v28, $0x17;
	v12 =	vld [tilespmem:s21+$0x180]  }
0x1b7: {  	v7 =	vshra.s32 v33, $0x17;
	v38 =	vcvt.s32.f32 v6;
	v6 =	vmul.f32 $6.931471820e-01, v24  }
0x1b8: {  	v29 =	vadd.f32 v29, v18;
	v18 =	vmovc v5;
	v24 =	vcvt.s32.f32 v34;
	v39 =	vshra.s32 v34, $0x17  }
0x1b9: {  	v5 =	vmul.f32 $6.931471820e-01, v32;
	v4 =	vmul.f32 $1.192092900e-07, v4;
	v32 =	vsub.f32 v6, v31  }
0x1ba: {  	v30 =	vadd.f32 $-1.269997940e+02, v30;
	v6 =	vmul.f32 $1.192092900e-07, v24;
	v40 =	vshra.s32 v27, $0x17;
	v31 =	vld [tilespmem:s21+$0x1B0]  }
0x1bb: {  	v39 =	vcvt.s32.f32 v39;
	v24 =	vadd.f32 $4.360980990e-01, v15;
	v5 =	vsub.f32 v5, v12  }
0x1bc: {  	v8 =	vsub.f32 $3.122142550e-01, v8;
	v7 =	vcvt.s32.f32 v7;
	v15 =	vadd.f32 v30, v16;
	v16 =	vmovc v3  }
0x1bd: {  	v29 =	vmul.f32 $6.931471820e-01, v29;
	v3 =	vmul.f32 $1.192092900e-07, v35;
	v30 =	vsub.f32 v6, v39  }
0x1be: {  	v17 =	vmul.f32 v17, v37;
	v12 =	vsub.f32 v4, v7;
	v39 =	vmul.f32 v5, v11;
	v11 =	vmovc v25  }
0x1bf: {  	v41 =	vmul.f32 v8, v20;
	v5 =	vmul.f32 $7.915036380e-02, v30;
	v25 =	vmovc v34;
	v31 =	vsub.f32 v29, v31  }
0x1c0: {  	v7 =	vsub.f32 v3, v38;
	v42 =	vmul.f32 v32, v10;
	v10 =	vmovc v23;
	v23 =	vmovc v33;
	v29 =	vcvt.s32.f32 v27  }
.Ltmp15:
0x1c1: {  	v33 =	vcvt.s32.f32 v40;
	v34 =	vmul.f32 v36, v9;
	v9 =	vmovc v30;
	v32 =	vsub.f32 $3.122142550e-01, v5;
	v35 =	vld [tilespmem:s21+$0x1A0];
	s21 =	smov.u32 s22;
	s22 =	smov.u32 s20;
	(pc) =	sbr.rel @p2 .LBB2_28-.Ltmp15, $4  }
0x1c2: {  	v8 =	vmul.f32 $7.915036380e-02, v7;
	v36 =	vadd.f32 v39, v26;
	v5 =	vmul.f32 $1.192092900e-07, v29  }
0x1c3: {  	v17 =	vadd.f32 $4.360980990e-01, v17;
	v30 =	vmul.f32 v32, v9;
	v32 =	vadd.f32 $-1.269997940e+02, v34  }
0x1c4: {  	v38 =	vmul.f32 $6.931471820e-01, v15;
	v34 =	vmul.f32 $7.915036380e-02, v12;
	v26 =	vsub.f32 v5, v33  }
0x1c5: {  	s0 =	sadd.s32 $0x200, s0;
	s16 =	smov.u32 s1;
	v29 =	vmul.f32 v17, v37;
	v36 =	vadd.f32 v42, v36;
	v33 =	vadd.f32 $-6.695151920e-01, v41  }
0x1c6: {  	v40 =	vmov v2  }
0x1c7: {  	v45 =	vmovc v1;
	v41 =	vmovc v21;
	v42 =	vmov v22;
	v39 =	vmov v20;
	v37 =	vmov v13  }
0x1c8: {  	v2 =	vmovc v28;
	v43 =	vmovc v19;
	v28 =	vmov v14;
	v1 =	vmov v27;
	v46 =	vmov v18  }
0x1c9: {  	s0 =	smov.u32 s21;
	v27 =	vmovc v16;
	v44 =	vmovc v11;
	v17 =	vmov v25;
	v25 =	vmov v10;
	v15 =	vmov v23;
	s20 =	smov.u32 s22  }
.LBB2_30:
0x1ca: {  	v10 =	vsub.f32 $3.122142550e-01, v34;
	v11 =	vmul.f32 $7.915036380e-02, v26  }
0x1cb: {  	v13 =	vadd.f32 @p1 v32, v41;
	v14 =	vadd.f32 $-6.695151920e-01, v30;
	v16 =	vmul.f32 @p1 v24, v42  }
0x1cc: {  	v18 =	vsub.f32 @p0 v38, v35;
	v19 =	vmul.f32 @p1 v33, v39;
	v21 =	vmul.f32 @p0 v31, v45  }
0x1cd: {  	v22 =	vld @p1 [tilespmem:s0+$0x180];
	v23 =	vadd.f32 @p1 $-1.269997940e+02, v29;
	v8 =	vsub.f32 $3.122142550e-01, v8;
	v10 =	vmul.f32 v10, v12  }
0x1ce: {  	v11 =	vsub.f32 $3.122142550e-01, v11;
	v14 =	vmul.f32 v14, v9;
	v16 =	vadd.f32 @p1 $-1.269997940e+02, v16  }
0x1cf: {  	v18 =	vmul.f32 @p0 v18, v40;
	v19 =	vadd.f32 @p1 $4.360980990e-01, v19;
	v13 =	vmul.f32 @p1 $6.931471820e-01, v13  }
0x1d0: {  	v8 =	vmul.f32 v8, v7;
	v10 =	vadd.f32 $-6.695151920e-01, v10;
	v16 =	vadd.f32 @p1 v16, v43  }
0x1d1: {  	v20 =	vld @p1 [tilespmem:s0+$0x190];
	v11 =	vmul.f32 v11, v26;
	v18 =	vadd.f32 @p0 v18, v36;
	v14 =	vadd.f32 $4.360980990e-01, v14  }
0x1d2: {  	v19 =	vmul.f32 @p1 v19, v39;
	v8 =	vadd.f32 $-6.695151920e-01, v8;
	v13 =	vsub.f32 @p1 v13, v22  }
0x1d3: {  	v11 =	vadd.f32 $-6.695151920e-01, v11;
	v18 =	vadd.f32 @p0 v21, v18;
	v16 =	vmul.f32 @p1 $6.931471820e-01, v16  }
0x1d4: {  	v21 =	vadd.f32 @p1 v23, v46;
	v10 =	vmul.f32 v10, v12;
	v56 =	vmul.f32 v14, v9  }
0x1d5: {  	v22 =	vld @p1 [tilespmem:s0+$0x1A0];
	v19 =	vadd.f32 @p1 $-1.269997940e+02, v19;
	v8 =	vmul.f32 v8, v7;
	v13 =	vmul.f32 @p1 v13, v44  }
0x1d6: {  	v16 =	vsub.f32 @p1 v16, v20;
	v21 =	vmul.f32 @p1 $6.931471820e-01, v21;
	v10 =	vadd.f32 $4.360980990e-01, v10  }
0x1d7: {  	v11 =	vmul.f32 v11, v26;
	v19 =	vadd.f32 @p1 v19, v27;
	v14 =	vpsel p0, v18, v0  }
0x1d8: {  	v20 =	vld @p1 [tilespmem:s0+$0x1B0];
	v9 =	vadd.f32 $-1.269997940e+02, v56;
	v8 =	vadd.f32 $4.360980990e-01, v8;
	v16 =	vmul.f32 @p1 v16, v25  }
0x1d9: {  	v13 =	vadd.f32 @p1 v13, v14;
	v11 =	vadd.f32 $4.360980990e-01, v11;
	v14 =	vmul.f32 @p1 $6.931471820e-01, v19  }
0x1da: {  	v19 =	vpsel p1, v22, v0;
	v10 =	vmul.f32 v10, v12;
	v6 =	vadd.f32 v9, v6  }
0x1db: {  	v59 =	vmul.f32 v8, v7;
	v13 =	vadd.f32 @p1 v16, v13;
	v14 =	vpsel p1, v14, v0  }
0x1dc: {  	v57 =	vld [tilespmem:s20+$0x180];
	v11 =	vmul.f32 v11, v26;
	v58 =	vadd.f32 $-1.269997940e+02, v10;
	v14 =	vsub.f32 @p1 v14, v19;
	v16 =	vmovc @p1 v37  }
0x1dd: {  	v6 =	vmul.f32 $6.931471820e-01, v6;
	v18 =	vsub.f32 @p1 v21, v20;
	v12 =	vpsel p1, v16, v0  }
0x1de: {  	v60 =	vld [tilespmem:s20+$0x190];
	v7 =	vadd.f32 $-1.269997940e+02, v59;
	v19 =	vmovc @p1 v28;
	v13 =	vpsel p1, v13, v0;
	v12 =	vmul.f32 @p1 v14, v12  }
0x1df: {  	v8 =	vpsel p1, v19, v0;
	v4 =	vadd.f32 v58, v4;
	v10 =	vpsel p1, v18, v0  }
0x1e0: {  	v62 =	vld [tilespmem:s20+$0x1A0];
	v61 =	vadd.f32 $-1.269997940e+02, v11;
	v8 =	vmul.f32 @p1 v10, v8;
	v9 =	vadd.f32 @p1 v12, v13  }
0x1e1: {  	v6 =	vsub.f32 v6, v57;
	v3 =	vadd.f32 v7, v3;
	v4 =	vmul.f32 $6.931471820e-01, v4  }
0x1e2: {  	v63 =	vld [tilespmem:s20+$0x1B0];
	v5 =	vadd.f32 v61, v5;
	v7 =	vadd.f32 @p1 v8, v9  }
0x1e3: {  	v6 =	vmul.f32 v6, v17;
	v3 =	vmul.f32 $6.931471820e-01, v3;
	v4 =	vsub.f32 v4, v60  }
0x1e4: {  	v5 =	vmul.f32 $6.931471820e-01, v5;
	v0 =	vpsel p1, v7, v0  }
0x1e5: {  	v3 =	vsub.f32 v3, v62;
	v4 =	vmul.f32 v4, v15;
	v0 =	vadd.f32 v6, v0  }
0x1e6: {  	p0 =	seq.s32 s19, $0xF  }
.Ltmp16:
0x1e7: {  	v5 =	vsub.f32 v5, v63;
	v2 =	vmul.f32 v3, v2;
	v0 =	vadd.f32 v4, v0;
	(pc) =	sbr.rel @p0 .LBB2_36-.Ltmp16, $3  }
0x1e8: {  	_ = 	snop  }
0x1e9: {  	v1 =	vmul.f32 v5, v1;
	v0 =	vadd.f32 v2, v0;
	_ =	sdelay $0x1  }
0x1ea: {  	s20 =	sshll.u32 s19, $0xC;
	v0 =	vadd.f32 v1, v0  }
0x1eb: {  	s0 =	sadd.s32 s20, s9  }
0x1ec: {  	s16 =	simm.s32 $0x0;
	s1 =	sadd.s32 s2, s0  }
0x1ed: {  	s21 =	simm.s32 $0x80;
	s22 =	simm.s32 $0x400;
	s23 =	sadd.s32 $0x0, s1  }
.LBB2_32:
0x1ee: {  	[tilespmem:s16], [sflag:$0x1] =	stream.linear.gather [hbm4b:s23+s4], $0x200, $0x38;
	[tilespmem:$0x10080] =	vst v63  }
0x1ef: {  	s23 =	smov.u32 s21;
	s16 =	smov.u32 s22;
	p1 =	sne.s32 s21, $0xF80  }
.Ltmp17:
0x1f0: {  	s21 =	sadd.s32 $0x80, s21;
	(pc) =	sbr.rel @p1 .LBB2_32-.Ltmp17, $2  }
0x1f1: {  	_ =	sdelay $0x2  }
0x1f2: {  	s22 =	sadd.s32 $0x400, s22;
	s23 =	sadd.s32 s23, s1  }
0x1f3: {  	[tilespmem:s16], [sflag:$0x1] =	stream.linear.gather [hbm4b:s23+s4], $0x200, $0x38;
	[tilespmem:$0x10080] =	vst v63  }
0x1f4: {  	s0 =	sadd.s32 s3, s0;
	s1 =	simm.s32 $0x8000  }
0x1f5: {  	s16 =	simm.s32 $0x80;
	s21 =	simm.s32 $0x8400;
	s22 =	sadd.s32 $0x0, s0  }
.LBB2_34:
0x1f6: {  	[tilespmem:s1], [sflag:$0x3] =	stream.linear.gather [hbm4b:s22+s4], $0x200, $0x38;
	[tilespmem:$0x10080] =	vst v63  }
0x1f7: {  	s22 =	smov.u32 s16;
	s1 =	smov.u32 s21;
	p1 =	sne.s32 s16, $0xF80  }
.Ltmp18:
0x1f8: {  	s16 =	sadd.s32 $0x80, s16;
	(pc) =	sbr.rel @p1 .LBB2_34-.Ltmp18, $2  }
0x1f9: {  	_ =	sdelay $0x2  }
0x1fa: {  	s21 =	sadd.s32 $0x400, s21;
	s22 =	sadd.s32 s22, s0  }
0x1fb: {  	[tilespmem:s1], [sflag:$0x3] =	stream.linear.gather [hbm4b:s22+s4], $0x200, $0x38;
	[tilespmem:$0x10080] =	vst v63  }
.LBB2_36:
0x1fc: {  	_ =	swait.ge [sflag:s14], $0x4000  }
0x1fd: {  	p1 =	por $0x0, $0x0;
	s0 =	simm.s32 $0x1;
	[sflag:s14] =	ssyncset.done $0x0  }
0x1fe: {  	s0 =	simm.s32 @!p1 $0x0;
	[sflag:s14] =	ssyncadd.s32 $0xFFFFC000  }
0x1ff: {  	s0 =	sshll.u32 s0, $0x6;
	_ =	swait.ge [sflag:s15], $0x4000  }
0x200: {  	s21 =	sadd.s32 $0x0, s0;
	[sflag:s15] =	ssyncset.done $0x0  }
0x201: {  	s28 =	sor.u32 $0x220, s21;
	[sflag:s15] =	ssyncadd.s32 $0xFFFFC000  }
0x202: {  	s30 =	sor.u32 $0x200, s21;
	v1 =	vld [tilespmem:s28+$0x8000]  }
0x203: {  	v5 =	vld [tilespmem:s30+$0x8000];
	_ =	sdelay $0x1  }
0x204: {  	s25 =	sor.u32 $0x210, s21  }
0x205: {  	v2 =	vld [tilespmem:s25+$0x8000];
	_ =	sdelay $0x1  }
0x206: {  	s24 =	sor.u32 $0x230, s21;
	v4 =	vcvt.s32.f32 v1;
	v6 =	vshra.s32 v5, $0x17  }
0x207: {  	v3 =	vld [tilespmem:s24+$0x8000];
	v7 =	vcvt.s32.f32 v5;
	v8 =	vshra.s32 v1, $0x17;
	v6 =	vcvt.s32.f32 v6  }
0x208: {  	v8 =	vcvt.s32.f32 v8;
	v11 =	vmul.f32 $1.192092900e-07, v4  }
0x209: {  	v4 =	vcvt.s32.f32 v2;
	v10 =	vmul.f32 $1.192092900e-07, v7  }
0x20a: {  	v7 =	vshra.s32 v2, $0x17  }
0x20b: {  	p1 =	por !p1, !p1;
	s0 =	simm.s32 $0x1;
	v17 =	vsub.f32 v11, v8;
	v13 =	vsub.f32 v10, v6;
	v9 =	vmul.f32 $1.192092900e-07, v4  }
0x20c: {  	s0 =	simm.s32 @!p1 $0x0;
	v4 =	vcvt.s32.f32 v7;
	v6 =	vcvt.s32.f32 v3  }
0x20d: {  	s22 =	sshll.u32 s0, $0x6;
	v8 =	vshra.s32 v3, $0x17;
	v7 =	vmul.f32 $7.915036380e-02, v17;
	v15 =	vmul.f32 $7.915036380e-02, v13  }
0x20e: {  	s0 =	sadd.s32 $0x200, s22;
	v14 =	vsub.f32 v9, v4;
	v4 =	vcvt.s32.f32 v8;
	v12 =	vmul.f32 $1.192092900e-07, v6  }
0x20f: {  	s23 =	sor.u32 $0x230, s0;
	v7 =	vsub.f32 $3.122142550e-01, v7  }
0x210: {  	v6 =	vsub.f32 $3.122142550e-01, v15;
	v15 =	vsub.f32 v12, v4;
	v4 =	vld [tilespmem:s23+$0x8000]  }
0x211: {  	s29 =	sor.u32 $0x220, s0;
	v8 =	vmul.f32 $7.915036380e-02, v14  }
0x212: {  	s31 =	sor.u32 $0x200, s0;
	v16 =	vmul.f32 v7, v17;
	v7 =	vld [tilespmem:s29+$0x8000];
	v6 =	vmul.f32 v6, v13  }
0x213: {  	v18 =	vsub.f32 $3.122142550e-01, v8;
	v19 =	vmul.f32 $7.915036380e-02, v15;
	v8 =	vld [tilespmem:s31+$0x8000]  }
0x214: {  	s26 =	sor.u32 $0x210, s0;
	v16 =	vadd.f32 $-6.695151920e-01, v16;
	v20 =	vadd.f32 $-6.695151920e-01, v6  }
0x215: {  	v21 =	vmul.f32 v18, v14;
	v18 =	vsub.f32 $3.122142550e-01, v19;
	v6 =	vld [tilespmem:s26+$0x8000];
	v26 =	vcvt.s32.f32 v4  }
0x216: {  	v16 =	vmul.f32 v16, v17;
	v20 =	vmul.f32 v20, v13  }
0x217: {  	v22 =	vmul.f32 v18, v15;
	v19 =	vcvt.s32.f32 v7  }
0x218: {  	v21 =	vadd.f32 $-6.695151920e-01, v21;
	v18 =	vshra.s32 v7, $0x17;
	v24 =	vshra.s32 v8, $0x17  }
0x219: {  	v23 =	vadd.f32 $4.360980990e-01, v16;
	v16 =	vcvt.s32.f32 v18;
	v18 =	vmul.f32 $1.192092900e-07, v19  }
0x21a: {  	v25 =	vcvt.s32.f32 v24;
	v19 =	vcvt.s32.f32 v8;
	v27 =	vshra.s32 v6, $0x17  }
0x21b: {  	v28 =	vcvt.s32.f32 v6;
	v30 =	vmul.f32 v23, v17;
	v16 =	vsub.f32 v18, v16  }
0x21c: {  	v22 =	vadd.f32 $-6.695151920e-01, v22;
	v23 =	vcvt.s32.f32 v27;
	v19 =	vmul.f32 $1.192092900e-07, v19  }
0x21d: {  	v24 =	vshra.s32 v4, $0x17;
	v17 =	vmul.f32 $1.192092900e-07, v28;
	v29 =	vmul.f32 $7.915036380e-02, v16  }
0x21e: {  	v24 =	vcvt.s32.f32 v24;
	v31 =	vmul.f32 v22, v15;
	v22 =	vsub.f32 v19, v25  }
0x21f: {  	v25 =	vmul.f32 v21, v14;
	v21 =	vsub.f32 v17, v23;
	v27 =	vsub.f32 $3.122142550e-01, v29  }
0x220: {  	v28 =	vmul.f32 $7.915036380e-02, v22;
	v29 =	vadd.f32 $4.360980990e-01, v20;
	v20 =	vmul.f32 $1.192092900e-07, v26  }
0x221: {  	s1 =	simm.s32 $0x200;
	p2 =	por !p1, !p1;
	s0 =	simm.s32 $0x80;
	v26 =	vadd.f32 $-1.269997940e+02, v30;
	v23 =	vmul.f32 v27, v16;
	v27 =	vadd.f32 $4.360980990e-01, v31  }
.LBB2_37:
0x222: {  	s16 =	simm.s32 $0x1  }
0x223: {  	p3 =	sne.s32 s0, $0xFC0;
	s0 =	sadd.s32 $0x40, s0;
	v28 =	vsub.f32 $3.122142550e-01, v28;
	v30 =	vmul.f32 $7.915036380e-02, v21;
	v29 =	vmul.f32 v29, v13;
	v13 =	vmovc v22;
	s16 =	simm.s32 @!p2 $0x0  }
0x224: {  	s1 =	sadd.s32 $0x200, s1;
	v22 =	vadd.f32 $4.360980990e-01, v25;
	v25 =	vmul.f32 v27, v15;
	v15 =	vsub.f32 v20, v24;
	s16 =	sshll.u32 s16, $0x6  }
0x225: {  	v24 =	vmul.f32 v28, v13;
	v27 =	vsub.f32 $3.122142550e-01, v30;
	v28 =	vadd.f32 $-1.269997940e+02, v29;
	s16 =	sadd.s32 s16, s1;
	v29 =	vld [tilespmem:s28+$0x0];
	s28 =	smov.u32 s29  }
0x226: {  	v26 =	vadd.f32 v26, v11;
	v11 =	vmovc v18;
	v22 =	vmul.f32 v22, v14;
	v25 =	vadd.f32 $-1.269997940e+02, v25;
	v14 =	vmovc v21;
	s10 =	sor.u32 $0x200, s16;
	s11 =	sor.u32 $0x210, s16;
	s29 =	sor.u32 $0x220, s16;
	v30 =	vld [tilespmem:s30+$0x0]  }
0x227: {  	s16 =	sor.u32 $0x230, s16;
	v21 =	vmul.f32 v27, v14;
	v27 =	vmul.f32 $7.915036380e-02, v15;
	v28 =	vadd.f32 v28, v10;
	v10 =	vmovc v19;
	s30 =	smov.u32 s31;
	v18 =	vld [tilespmem:s29+$0x8000];
	s31 =	smov.u32 s10  }
0x228: {  	v23 =	vadd.f32 $-6.695151920e-01, v23;
	v19 =	vadd.f32 $-6.695151920e-01, v24;
	v24 =	vmul.f32 $6.931471820e-01, v26;
	v31 =	vld [tilespmem:s16+$0x8000]  }
0x229: {  	v25 =	vadd.f32 v25, v12;
	v12 =	vmovc v20;
	v27 =	vsub.f32 $3.122142550e-01, v27;
	v28 =	vmul.f32 $6.931471820e-01, v28;
	v26 =	vld [tilespmem:s31+$0x8000]  }
0x22a: {  	v23 =	vmul.f32 v23, v16;
	v22 =	vadd.f32 $-1.269997940e+02, v22;
	v20 =	vld [tilespmem:s11+$0x8000];
	v24 =	vsub.f32 v24, v29  }
0x22b: {  	v29 =	vmul.f32 v19, v13;
	v19 =	vmul.f32 v27, v15;
	v27 =	vsub.f32 v28, v30;
	v28 =	vld [tilespmem:s25+$0x0];
	s25 =	smov.u32 s26;
	s26 =	smov.u32 s11  }
0x22c: {  	v23 =	vadd.f32 $4.360980990e-01, v23;
	v22 =	vadd.f32 v22, v9;
	v9 =	vmovc v17;
	v30 =	vcvt.s32.f32 v18  }
0x22d: {  	v17 =	vadd.f32 $-6.695151920e-01, v19;
	v33 =	vmul.f32 v24, v1;
	v1 =	vmovc v7;
	v7 =	vmovc v18;
	v32 =	vcvt.s32.f32 v31  }
0x22e: {  	v22 =	vmul.f32 $6.931471820e-01, v22;
	v19 =	vcvt.s32.f32 v26;
	v18 =	vshra.s32 v26, $0x17  }
0x22f: {  	v27 =	vmul.f32 v27, v5;
	v5 =	vmovc v8;
	v8 =	vmovc v26;
	v34 =	vcvt.s32.f32 v18;
	v18 =	vshra.s32 v7, $0x17;
	v35 =	vld [tilespmem:s24+$0x0];
	s24 =	smov.u32 s23;
	s23 =	smov.u32 s16  }
0x230: {  	v26 =	vshra.s32 v20, $0x17;
	v24 =	vcvt.s32.f32 v18;
	v22 =	vsub.f32 v22, v28  }
0x231: {  	v21 =	vadd.f32 $-6.695151920e-01, v21;
	v25 =	vmul.f32 $6.931471820e-01, v25;
	v18 =	vmul.f32 $1.192092900e-07, v30  }
0x232: {  	v28 =	vcvt.s32.f32 v20;
	v30 =	vshra.s32 v31, $0x17;
	v22 =	vmul.f32 v22, v2;
	v2 =	vmovc v6;
	v6 =	vmovc v20  }
0x233: {  	v0 =	vadd.f32 v27, v0;
	v20 =	vsub.f32 v18, v24;
	v24 =	vcvt.s32.f32 v30  }
0x234: {  	v19 =	vmul.f32 $1.192092900e-07, v19;
	v30 =	vmul.f32 v23, v16;
	v23 =	vsub.f32 v25, v35  }
0x235: {  	v27 =	vmul.f32 v17, v15;
	v25 =	vmul.f32 $7.915036380e-02, v20;
	v0 =	vadd.f32 v22, v0;
	v16 =	vmovc v20  }
.Ltmp19:
0x236: {  	v17 =	vmul.f32 $1.192092900e-07, v28;
	v22 =	vsub.f32 v19, v34;
	v20 =	vcvt.s32.f32 v26;
	(pc) =	sbr.rel @p3 .LBB2_37-.Ltmp19, $4  }
0x237: {  	v26 =	vsub.f32 $3.122142550e-01, v25;
	v25 =	vmul.f32 v21, v14;
	v34 =	vmul.f32 v23, v3;
	v3 =	vmovc v4;
	v4 =	vmovc v31  }
0x238: {  	v28 =	vmul.f32 $7.915036380e-02, v22;
	v21 =	vsub.f32 v17, v20;
	v0 =	vadd.f32 v33, v0  }
0x239: {  	v29 =	vadd.f32 $4.360980990e-01, v29;
	v27 =	vadd.f32 $4.360980990e-01, v27;
	v23 =	vmul.f32 v26, v16  }
0x23a: {  	p2 =	por !p2, !p2;
	v20 =	vmul.f32 $1.192092900e-07, v32;
	v26 =	vadd.f32 $-1.269997940e+02, v30;
	v0 =	vadd.f32 v34, v0  }
0x23b: {  	v28 =	vsub.f32 $3.122142550e-01, v28;
	v13 =	vmul.f32 v29, v13;
	v25 =	vadd.f32 $4.360980990e-01, v25  }
0x23c: {  	v29 =	vmul.f32 $7.915036380e-02, v21;
	v23 =	vadd.f32 $-6.695151920e-01, v23;
	v24 =	vsub.f32 v20, v24  }
0x23d: {  	v15 =	vmul.f32 v27, v15;
	v11 =	vadd.f32 v26, v11;
	v13 =	vadd.f32 $-1.269997940e+02, v13  }
0x23e: {  	v27 =	vmul.f32 v28, v22;
	v29 =	vsub.f32 $3.122142550e-01, v29;
	v14 =	vmul.f32 v25, v14  }
0x23f: {  	v15 =	vadd.f32 $-1.269997940e+02, v15;
	v25 =	vmul.f32 $7.915036380e-02, v24;
	v10 =	vadd.f32 v13, v10  }
0x240: {  	v13 =	vadd.f32 $-6.695151920e-01, v27;
	v27 =	vmul.f32 v29, v21;
	v14 =	vadd.f32 $-1.269997940e+02, v14  }
0x241: {  	v26 =	vld [tilespmem:s30+$0x0];
	v12 =	vadd.f32 v15, v12;
	v15 =	vmul.f32 v23, v16;
	v25 =	vsub.f32 $3.122142550e-01, v25  }
0x242: {  	v11 =	vmul.f32 $6.931471820e-01, v11;
	v13 =	vmul.f32 v13, v22;
	v9 =	vadd.f32 v14, v9  }
0x243: {  	v23 =	vld [tilespmem:s25+$0x0];
	v14 =	vadd.f32 $4.360980990e-01, v15;
	v15 =	vadd.f32 $-6.695151920e-01, v27;
	v25 =	vmul.f32 v25, v24  }
0x244: {  	v10 =	vmul.f32 $6.931471820e-01, v10;
	v12 =	vmul.f32 $6.931471820e-01, v12;
	v13 =	vadd.f32 $4.360980990e-01, v13  }
0x245: {  	v28 =	vld [tilespmem:s28+$0x0];
	v14 =	vmul.f32 v14, v16;
	v15 =	vmul.f32 v15, v21;
	v25 =	vadd.f32 $-6.695151920e-01, v25  }
0x246: {  	v9 =	vmul.f32 $6.931471820e-01, v9;
	v10 =	vsub.f32 v10, v26;
	v13 =	vmul.f32 v13, v22  }
0x247: {  	v14 =	vadd.f32 $-1.269997940e+02, v14;
	v15 =	vadd.f32 $4.360980990e-01, v15;
	v16 =	vmul.f32 v25, v24  }
0x248: {  	v9 =	vsub.f32 v9, v23;
	v22 =	vld [tilespmem:s24+$0x0];
	v5 =	vmul.f32 v10, v5;
	v13 =	vadd.f32 $-1.269997940e+02, v13  }
0x249: {  	v15 =	vmul.f32 v15, v21;
	v14 =	vadd.f32 v14, v18;
	v10 =	vadd.f32 $4.360980990e-01, v16;
	v16 =	vld [tilespmem:s29+$0x0]  }
0x24a: {  	v11 =	vsub.f32 v11, v28;
	v23 =	vld [tilespmem:s31+$0x0];
	v9 =	vmul.f32 v9, v2;
	v0 =	vadd.f32 v5, v0  }
0x24b: {  	s30 =	sor.u32 $0x2A0, s21;
	v13 =	vadd.f32 v13, v19;
	v5 =	vmul.f32 $6.931471820e-01, v14;
	v14 =	vadd.f32 $-1.269997940e+02, v15  }
0x24c: {  	v1 =	vmul.f32 v11, v1;
	v2 =	vld [tilespmem:s30+$0x8000];
	v0 =	vadd.f32 v9, v0;
	v10 =	vmul.f32 v10, v24  }
0x24d: {  	s1 =	sor.u32 $0x280, s21;
	v15 =	vld [tilespmem:s26+$0x0];
	v12 =	vsub.f32 v12, v22;
	v13 =	vmul.f32 $6.931471820e-01, v13;
	v11 =	vadd.f32 v14, v17  }
0x24e: {  	s0 =	sor.u32 $0x2B0, s21;
	v17 =	vld [tilespmem:s1+$0x8000];
	v10 =	vadd.f32 $-1.269997940e+02, v10;
	v5 =	vsub.f32 v5, v16  }
0x24f: {  	s16 =	sor.u32 $0x290, s21;
	v0 =	vadd.f32 v1, v0;
	v9 =	vmul.f32 v12, v3;
	v3 =	vld [tilespmem:s0+$0x8000];
	v12 =	vsub.f32 v13, v23  }
0x250: {  	v21 =	vld [tilespmem:s16+$0x8000];
	v10 =	vadd.f32 v10, v20;
	v5 =	vmul.f32 v5, v7;
	v7 =	vmul.f32 $6.931471820e-01, v11  }
0x251: {  	v1 =	vmul.f32 v12, v8;
	v8 =	vcvt.s32.f32 v2;
	v11 =	vshra.s32 v2, $0x17  }
0x252: {  	v0 =	vadd.f32 v9, v0;
	v9 =	vld [tilespmem:s23+$0x0];
	v10 =	vmul.f32 $6.931471820e-01, v10;
	v11 =	vcvt.s32.f32 v11  }
0x253: {  	v13 =	vshra.s32 v17, $0x17;
	v7 =	vsub.f32 v7, v15;
	v8 =	vmul.f32 $1.192092900e-07, v8  }
0x254: {  	v0 =	vadd.f32 v1, v0;
	v1 =	vcvt.s32.f32 v13;
	v13 =	vshra.s32 v3, $0x17  }
0x255: {  	v16 =	vshra.s32 v21, $0x17;
	v12 =	vcvt.s32.f32 v3;
	v13 =	vcvt.s32.f32 v13  }
0x256: {  	s10 =	sadd.s32 $0x200, s22;
	v6 =	vmul.f32 v7, v6;
	v7 =	vcvt.s32.f32 v17;
	v15 =	vsub.f32 v8, v11  }
0x257: {  	s21 =	sor.u32 $0x2B0, s10;
	v11 =	vcvt.s32.f32 v21;
	v20 =	vmul.f32 $1.192092900e-07, v12;
	v9 =	vsub.f32 v10, v9  }
0x258: {  	s23 =	sor.u32 $0x280, s10;
	v7 =	vmul.f32 $1.192092900e-07, v7;
	v14 =	vmul.f32 $7.915036380e-02, v15;
	v6 =	vadd.f32 v6, v0;
	v0 =	vld [tilespmem:s21+$0x8000]  }
0x259: {  	v10 =	vcvt.s32.f32 v16;
	v16 =	vsub.f32 v20, v13;
	v9 =	vmul.f32 v9, v4;
	v4 =	vld [tilespmem:s23+$0x8000]  }
0x25a: {  	v19 =	vmul.f32 $1.192092900e-07, v11;
	v18 =	vsub.f32 v7, v1;
	v1 =	vsub.f32 $3.122142550e-01, v14  }
0x25b: {  	v5 =	vadd.f32 v5, v6;
	v6 =	vmul.f32 $7.915036380e-02, v16  }
0x25c: {  	s22 =	sor.u32 $0x2A0, s10;
	v22 =	vsub.f32 v19, v10;
	v11 =	vmul.f32 $7.915036380e-02, v18;
	v12 =	vmul.f32 v1, v15  }
0x25d: {  	v1 =	vld [tilespmem:s22+$0x8000];
	v25 =	vadd.f32 v9, v5;
	v6 =	vsub.f32 $3.122142550e-01, v6;
	v23 =	vcvt.s32.f32 v0  }
0x25e: {  	v13 =	vcvt.s32.f32 v4;
	v24 =	vshra.s32 v4, $0x17;
	v10 =	vsub.f32 $3.122142550e-01, v11  }
0x25f: {  	s24 =	sor.u32 $0x290, s10;
	v11 =	vadd.f32 $-6.695151920e-01, v12;
	v12 =	vmul.f32 $7.915036380e-02, v22;
	v6 =	vmul.f32 v6, v16  }
0x260: {  	v5 =	vld [tilespmem:s24+$0x8000];
	v27 =	vshra.s32 v0, $0x17;
	v24 =	vcvt.s32.f32 v24;
	v10 =	vmul.f32 v10, v18  }
0x261: {  	v27 =	vcvt.s32.f32 v27;
	v9 =	vmul.f32 v11, v15;
	v6 =	vadd.f32 $-6.695151920e-01, v6  }
0x262: {  	v11 =	vsub.f32 $3.122142550e-01, v12;
	v12 =	vadd.f32 $-6.695151920e-01, v10;
	v10 =	vcvt.s32.f32 v1  }
0x263: {  	p1 =	por !p1, !p1;
	s10 =	simm.s32 $0x1;
	v13 =	vmul.f32 $1.192092900e-07, v13;
	v14 =	vshra.s32 v1, $0x17;
	v6 =	vmul.f32 v6, v16  }
0x264: {  	s10 =	simm.s32 @!p1 $0x0;
	v14 =	vcvt.s32.f32 v14;
	v10 =	vmul.f32 $1.192092900e-07, v10  }
0x265: {  	s10 =	sshll.u32 s10, $0x6;
	v26 =	vshra.s32 v5, $0x17;
	v11 =	vmul.f32 v11, v22;
	v6 =	vadd.f32 $4.360980990e-01, v6  }
0x266: {  	s10 =	sadd.s32 $0x400, s10;
	v12 =	vmul.f32 v12, v18;
	v29 =	vsub.f32 v10, v14;
	v14 =	vcvt.s32.f32 v5  }
0x267: {  	s26 =	sor.u32 $0x2B0, s10;
	v32 =	vsub.f32 v13, v24;
	v28 =	vadd.f32 $-6.695151920e-01, v11;
	v16 =	vmul.f32 v6, v16  }
0x268: {  	v12 =	vadd.f32 $4.360980990e-01, v12;
	v30 =	vmul.f32 $7.915036380e-02, v29;
	v11 =	vmul.f32 $1.192092900e-07, v14  }
0x269: {  	v9 =	vadd.f32 $4.360980990e-01, v9;
	v6 =	vld [tilespmem:s26+$0x8000];
	v14 =	vcvt.s32.f32 v26;
	v26 =	vmul.f32 $7.915036380e-02, v32  }
0x26a: {  	v18 =	vmul.f32 v12, v18;
	v12 =	vmul.f32 $1.192092900e-07, v23;
	v16 =	vadd.f32 $-1.269997940e+02, v16  }
0x26b: {  	v9 =	vmul.f32 v9, v15;
	v24 =	vsub.f32 $3.122142550e-01, v30;
	v14 =	vsub.f32 v11, v14  }
0x26c: {  	v23 =	vsub.f32 $3.122142550e-01, v26;
	v15 =	vsub.f32 v12, v27  }
0x26d: {  	v26 =	vmul.f32 v28, v22;
	v18 =	vadd.f32 $-1.269997940e+02, v18;
	v27 =	vadd.f32 $-1.269997940e+02, v9  }
0x26e: {  	s25 =	sor.u32 $0x2A0, s10;
	v16 =	vadd.f32 v16, v20;
	v34 =	vcvt.s32.f32 v6;
	v24 =	vmul.f32 v24, v29  }
0x26f: {  	v9 =	vld [tilespmem:s25+$0x8000];
	v28 =	vmul.f32 $7.915036380e-02, v14;
	v26 =	vadd.f32 $4.360980990e-01, v26;
	v30 =	vmul.f32 $7.915036380e-02, v15  }
0x270: {  	s28 =	sor.u32 $0x280, s10;
	v23 =	vmul.f32 v23, v32;
	v18 =	vadd.f32 v18, v7;
	v24 =	vadd.f32 $-6.695151920e-01, v24  }
0x271: {  	v7 =	vld [tilespmem:s28+$0x8000];
	v22 =	vmul.f32 v26, v22;
	v26 =	vadd.f32 v27, v8;
	v27 =	vsub.f32 $3.122142550e-01, v30  }
0x272: {  	s29 =	sor.u32 $0x290, s10;
	v40 =	vmul.f32 $6.931471820e-01, v16;
	v30 =	vmul.f32 $6.931471820e-01, v18;
	v28 =	vsub.f32 $3.122142550e-01, v28  }
0x273: {  	v8 =	vld [tilespmem:s29+$0x8000];
	v23 =	vadd.f32 $-6.695151920e-01, v23;
	v18 =	vmul.f32 v24, v29;
	v24 =	vmul.f32 v27, v15  }
0x274: {  	v22 =	vadd.f32 $-1.269997940e+02, v22;
	v27 =	vcvt.s32.f32 v9;
	v35 =	vmul.f32 $6.931471820e-01, v26  }
0x275: {  	v36 =	vmul.f32 v23, v32;
	v23 =	vshra.s32 v9, $0x17;
	v26 =	vmul.f32 v28, v14  }
0x276: {  	v20 =	vld [tilespmem:s16+$0x0];
	v31 =	vcvt.s32.f32 v7;
	v23 =	vcvt.s32.f32 v23;
	v33 =	vadd.f32 $4.360980990e-01, v18  }
0x277: {  	v18 =	vadd.f32 v22, v19;
	v19 =	vld [tilespmem:s1+$0x0];
	v22 =	vadd.f32 $-6.695151920e-01, v24;
	v24 =	vshra.s32 v7, $0x17  }
0x278: {  	v37 =	vcvt.s32.f32 v24;
	v28 =	vcvt.s32.f32 v8  }
0x279: {  	v38 =	vld [tilespmem:s0+$0x0];
	v26 =	vadd.f32 $-6.695151920e-01, v26;
	v24 =	vmul.f32 $6.931471820e-01, v18;
	v18 =	vmul.f32 $1.192092900e-07, v27  }
0x27a: {  	v36 =	vadd.f32 $4.360980990e-01, v36;
	v22 =	vmul.f32 v22, v15;
	v29 =	vmul.f32 v33, v29  }
0x27b: {  	v27 =	vsub.f32 v24, v20;
	v20 =	vshra.s32 v6, $0x17;
	v16 =	vsub.f32 v18, v23  }
0x27c: {  	v41 =	vld [tilespmem:s30+$0x0];
	v19 =	vsub.f32 v30, v19;
	v24 =	vcvt.s32.f32 v20;
	v20 =	vmul.f32 $1.192092900e-07, v31  }
0x27d: {  	v39 =	vshra.s32 v8, $0x17;
	v31 =	vmul.f32 $7.915036380e-02, v16;
	v62 =	vmul.f32 v27, v21  }
0x27e: {  	v23 =	vsub.f32 v40, v38;
	v21 =	vcvt.s32.f32 v39;
	v30 =	vmul.f32 v19, v17  }
0x27f: {  	v27 =	vadd.f32 $4.360980990e-01, v22;
	v17 =	vsub.f32 v20, v37;
	v19 =	vmul.f32 $1.192092900e-07, v28  }
0x280: {  	v28 =	vmul.f32 v36, v32;
	v63 =	vsub.f32 $3.122142550e-01, v31;
	v30 =	vadd.f32 v30, v25  }
0x281: {  	v32 =	vsub.f32 v35, v41;
	v31 =	vmul.f32 $7.915036380e-02, v17;
	v22 =	vsub.f32 v19, v21  }
0x282: {  	s30 =	simm.s32 $0xC0;
	s0 =	simm.s32 $0x400;
	p1 =	por !p1, !p1;
	v21 =	vmul.f32 $1.192092900e-07, v34;
	v25 =	vmul.f32 v63, v16;
	v30 =	vadd.f32 v62, v30  }
.LBB2_39:
0x283: {  	s1 =	simm.s32 $0x1  }
0x284: {  	p2 =	sne.s32 s30, $0xFC0;
	s30 =	sadd.s32 $0x40, s30;
	v31 =	vsub.f32 $3.122142550e-01, v31;
	v26 =	vmul.f32 v26, v14;
	v32 =	vmul.f32 v32, v2;
	v2 =	vmovc v1;
	v1 =	vmovc v9;
	s1 =	simm.s32 @!p1 $0x0  }
0x285: {  	s0 =	sadd.s32 $0x200, s0;
	v27 =	vmul.f32 v27, v15;
	v33 =	vmul.f32 $7.915036380e-02, v22;
	v15 =	vsub.f32 v21, v24;
	s1 =	sshll.u32 s1, $0x6  }
0x286: {  	v28 =	vadd.f32 $-1.269997940e+02, v28;
	v29 =	vadd.f32 $-1.269997940e+02, v29;
	v24 =	vmul.f32 v31, v17;
	s10 =	sadd.s32 s1, s0  }
0x287: {  	v23 =	vmul.f32 v23, v3;
	v3 =	vmovc v0;
	v0 =	vmovc v6;
	v26 =	vadd.f32 $4.360980990e-01, v26;
	v30 =	vadd.f32 v32, v30;
	s11 =	sor.u32 $0x280, s10;
	s16 =	sor.u32 $0x290, s10;
	s1 =	sor.u32 $0x2A0, s10  }
0x288: {  	v28 =	vadd.f32 v28, v13;
	v29 =	vadd.f32 v29, v10;
	v10 =	vmovc v18;
	v13 =	vmovc v20;
	v31 =	vmul.f32 $7.915036380e-02, v15;
	s10 =	sor.u32 $0x2B0, s10;
	v9 =	vld [tilespmem:s1+$0x8000]  }
0x289: {  	v18 =	vadd.f32 $-6.695151920e-01, v25;
	v25 =	vadd.f32 $-1.269997940e+02, v27;
	v20 =	vmul.f32 v26, v14;
	v14 =	vmovc v22;
	v6 =	vld [tilespmem:s10+$0x8000]  }
0x28a: {  	v27 =	vmul.f32 $6.931471820e-01, v28;
	v30 =	vadd.f32 v23, v30;
	v26 =	vsub.f32 $3.122142550e-01, v31;
	v22 =	vld [tilespmem:s11+$0x8000]  }
0x28b: {  	v23 =	vsub.f32 $3.122142550e-01, v33;
	v18 =	vmul.f32 v18, v16;
	v20 =	vadd.f32 $-1.269997940e+02, v20;
	v28 =	vld [tilespmem:s16+$0x8000]  }
0x28c: {  	v24 =	vadd.f32 $-6.695151920e-01, v24;
	v25 =	vadd.f32 v25, v12;
	v12 =	vmovc v21;
	v26 =	vmul.f32 v26, v15;
	v31 =	vld [tilespmem:s24+$0x0];
	s24 =	smov.u32 s29;
	s29 =	smov.u32 s16  }
0x28d: {  	v32 =	vadd.f32 $4.360980990e-01, v18;
	v18 =	vadd.f32 v20, v11;
	v11 =	vmovc v19;
	v21 =	vcvt.s32.f32 v9;
	v33 =	vld [tilespmem:s23+$0x0];
	s23 =	smov.u32 s28;
	s28 =	smov.u32 s11  }
0x28e: {  	v35 =	vmul.f32 $6.931471820e-01, v29;
	v19 =	vadd.f32 $-6.695151920e-01, v26;
	v34 =	vcvt.s32.f32 v6  }
0x28f: {  	v29 =	vmul.f32 v24, v17;
	v20 =	vcvt.s32.f32 v22;
	v26 =	vshra.s32 v22, $0x17  }
0x290: {  	v24 =	vshra.s32 v9, $0x17;
	v36 =	vcvt.s32.f32 v26;
	v26 =	vmul.f32 $6.931471820e-01, v18;
	v37 =	vld [tilespmem:s21+$0x0];
	s21 =	smov.u32 s26;
	s26 =	smov.u32 s10  }
0x291: {  	v25 =	vmul.f32 $6.931471820e-01, v25;
	v24 =	vcvt.s32.f32 v24;
	v38 =	vshra.s32 v28, $0x17  }
0x292: {  	v18 =	vmul.f32 $1.192092900e-07, v21;
	v21 =	vmul.f32 v23, v14;
	v31 =	vsub.f32 v26, v31  }
0x293: {  	v39 =	vcvt.s32.f32 v28;
	v23 =	vshra.s32 v6, $0x17;
	v27 =	vsub.f32 v27, v33  }
0x294: {  	v33 =	vsub.f32 v18, v24;
	v24 =	vcvt.s32.f32 v23;
	v26 =	vadd.f32 $-6.695151920e-01, v21  }
0x295: {  	v20 =	vmul.f32 $1.192092900e-07, v20;
	v21 =	vmul.f32 v27, v4;
	v4 =	vmovc v7;
	v7 =	vmovc v22;
	v40 =	vld [tilespmem:s22+$0x0];
	v23 =	vsub.f32 v25, v37;
	s22 =	smov.u32 s25;
	s25 =	smov.u32 s1  }
0x296: {  	v22 =	vmul.f32 $7.915036380e-02, v33;
	v27 =	vmul.f32 v19, v15;
	v25 =	vadd.f32 $4.360980990e-01, v29  }
.Ltmp20:
0x297: {  	v19 =	vmul.f32 $1.192092900e-07, v39;
	v29 =	vsub.f32 v20, v36;
	v36 =	vmul.f32 v31, v5;
	v5 =	vmovc v8;
	v8 =	vmovc v28;
	(pc) =	sbr.rel @p2 .LBB2_39-.Ltmp20, $4  }
0x298: {  	v37 =	vcvt.s32.f32 v38;
	v22 =	vsub.f32 $3.122142550e-01, v22;
	v27 =	vadd.f32 $4.360980990e-01, v27  }
0x299: {  	v30 =	vadd.f32 v21, v30;
	v31 =	vmul.f32 $7.915036380e-02, v29;
	v28 =	vmul.f32 v25, v17;
	v17 =	vmovc v29  }
0x29a: {  	v29 =	vmul.f32 v32, v16;
	v16 =	vmovc v33;
	v25 =	vmul.f32 v22, v33;
	v32 =	vsub.f32 v35, v40  }
0x29b: {  	p1 =	por !p1, !p1;
	v21 =	vmul.f32 $1.192092900e-07, v34;
	v22 =	vsub.f32 v19, v37;
	v30 =	vadd.f32 v36, v30  }
0x29c: {  	v31 =	vsub.f32 $3.122142550e-01, v31;
	v26 =	vmul.f32 v26, v14  }
0x29d: {  	v2 =	vmul.f32 v32, v2;
	v28 =	vadd.f32 $-1.269997940e+02, v28;
	v29 =	vadd.f32 $-1.269997940e+02, v29  }
0x29e: {  	v15 =	vmul.f32 v27, v15;
	v3 =	vmul.f32 v23, v3;
	v26 =	vadd.f32 $4.360980990e-01, v26  }
0x29f: {  	v25 =	vadd.f32 $-6.695151920e-01, v25;
	v24 =	vsub.f32 v21, v24;
	v53 =	vmul.f32 $7.915036380e-02, v22  }
0x2a0: {  	v2 =	vadd.f32 v2, v30;
	v13 =	vadd.f32 v28, v13;
	v54 =	vmul.f32 v26, v14  }
0x2a1: {  	v10 =	vadd.f32 v29, v10;
	v23 =	vmul.f32 $7.915036380e-02, v24;
	v26 =	vsub.f32 $3.122142550e-01, v53  }
0x2a2: {  	v27 =	vmul.f32 v31, v17;
	v15 =	vadd.f32 $-1.269997940e+02, v15;
	v28 =	vld [tilespmem:s23+$0x0];
	v14 =	vadd.f32 $-1.269997940e+02, v54  }
0x2a3: {  	v2 =	vadd.f32 v3, v2;
	v3 =	vld [tilespmem:s24+$0x0];
	v23 =	vsub.f32 $3.122142550e-01, v23;
	v26 =	vmul.f32 v26, v22  }
0x2a4: {  	v55 =	vmul.f32 v25, v16;
	v27 =	vadd.f32 $-6.695151920e-01, v27;
	v11 =	vadd.f32 v14, v11  }
0x2a5: {  	v13 =	vmul.f32 $6.931471820e-01, v13;
	v23 =	vmul.f32 v23, v24;
	v25 =	vadd.f32 $-6.695151920e-01, v26  }
0x2a6: {  	v12 =	vadd.f32 v15, v12;
	v56 =	vmul.f32 v27, v17;
	v11 =	vmul.f32 $6.931471820e-01, v11  }
0x2a7: {  	v13 =	vsub.f32 v13, v28;
	v26 =	vld [tilespmem:s22+$0x0];
	v23 =	vadd.f32 $-6.695151920e-01, v23;
	v25 =	vmul.f32 v25, v22  }
0x2a8: {  	v10 =	vmul.f32 $6.931471820e-01, v10;
	v3 =	vsub.f32 v11, v3;
	v11 =	vadd.f32 $4.360980990e-01, v56  }
0x2a9: {  	v4 =	vmul.f32 v13, v4;
	v57 =	vmul.f32 v23, v24;
	v58 =	vadd.f32 $4.360980990e-01, v25  }
0x2aa: {  	v14 =	vadd.f32 $4.360980990e-01, v55;
	v3 =	vmul.f32 v3, v5;
	v5 =	vmul.f32 v11, v17  }
0x2ab: {  	p1 =	por $0x0, $0x0;
	s0 =	simm.s32 $0x1;
	v2 =	vadd.f32 v4, v2;
	v13 =	vadd.f32 $4.360980990e-01, v57;
	v11 =	vld [tilespmem:s21+$0x0];
	v4 =	vmul.f32 v58, v22  }
0x2ac: {  	v59 =	vld [tilespmem:s29+$0x0];
	s0 =	simm.s32 @!p1 $0x0;
	v14 =	vmul.f32 v14, v16;
	v10 =	vsub.f32 v10, v26;
	v5 =	vadd.f32 $-1.269997940e+02, v5  }
0x2ad: {  	v60 =	vld [tilespmem:s28+$0x0];
	s0 =	sshll.u32 s0, $0x6;
	v2 =	vadd.f32 v3, v2;
	v3 =	vmul.f32 v13, v24;
	v4 =	vadd.f32 $-1.269997940e+02, v4  }
0x2ae: {  	v12 =	vmul.f32 $6.931471820e-01, v12;
	v16 =	vld [tilespmem:s26+$0x0];
	v14 =	vadd.f32 $-1.269997940e+02, v14;
	s21 =	sadd.s32 $0x0, s0;
	v5 =	vadd.f32 v5, v20  }
0x2af: {  	v17 =	vld [tilespmem:s25+$0x0];
	v10 =	vmul.f32 v10, v1;
	s22 =	sor.u32 $0x320, s21;
	v3 =	vadd.f32 $-1.269997940e+02, v3;
	v4 =	vadd.f32 v4, v19  }
0x2b0: {  	v61 =	vadd.f32 v14, v18;
	v1 =	vld [tilespmem:s22+$0x8000];
	v11 =	vsub.f32 v12, v11;
	v5 =	vmul.f32 $6.931471820e-01, v5  }
0x2b1: {  	v2 =	vadd.f32 v10, v2;
	v3 =	vadd.f32 v3, v21;
	v4 =	vmul.f32 $6.931471820e-01, v4  }
0x2b2: {  	s25 =	sor.u32 $0x300, s21;
	v10 =	vmul.f32 $6.931471820e-01, v61;
	v0 =	vmul.f32 v11, v0;
	v5 =	vsub.f32 v5, v60  }
0x2b3: {  	s23 =	sor.u32 $0x330, s21;
	v11 =	vmul.f32 $6.931471820e-01, v3;
	v4 =	vsub.f32 v4, v59;
	v3 =	vld [tilespmem:s25+$0x8000]  }
0x2b4: {  	v2 =	vadd.f32 v0, v2;
	v0 =	vld [tilespmem:s23+$0x8000];
	v5 =	vmul.f32 v5, v7;
	v7 =	vsub.f32 v10, v17  }
0x2b5: {  	s24 =	sor.u32 $0x310, s21;
	v10 =	vsub.f32 v11, v16;
	v4 =	vmul.f32 v4, v8;
	v8 =	vcvt.s32.f32 v1  }
0x2b6: {  	v11 =	vadd.f32 v5, v2;
	v7 =	vmul.f32 v7, v9;
	v5 =	vld [tilespmem:s24+$0x8000];
	v2 =	vshra.s32 v1, $0x17  }
0x2b7: {  	v9 =	vcvt.s32.f32 v2;
	v2 =	vmul.f32 $1.192092900e-07, v8  }
0x2b8: {  	v10 =	vmul.f32 v10, v6;
	v6 =	vcvt.s32.f32 v3;
	v8 =	vshra.s32 v3, $0x17  }
0x2b9: {  	v4 =	vadd.f32 v4, v11;
	v11 =	vcvt.s32.f32 v0;
	v23 =	vsub.f32 v2, v9  }
0x2ba: {  	p3 =	por $0x1, $0x1;
	v8 =	vcvt.s32.f32 v8;
	v6 =	vmul.f32 $1.192092900e-07, v6  }
.Ltmp21:
0x2bb: {  	v4 =	vadd.f32 v7, v4;
	v7 =	vcvt.s32.f32 v5;
	v9 =	vmul.f32 $7.915036380e-02, v23;
	(pc) =	sbr.rel @!p3 .LBB2_41-.Ltmp21, $4  }
0x2bc: {  	v63 =	vshra.s32 v0, $0x17;
	v62 =	vshra.s32 v5, $0x17;
	v8 =	vsub.f32 v6, v8  }
0x2bd: {  	v12 =	vcvt.s32.f32 v62;
	v7 =	vmul.f32 $1.192092900e-07, v7;
	v9 =	vsub.f32 $3.122142550e-01, v9  }
0x2be: {  	v21 =	vcvt.s32.f32 v63;
	v4 =	vadd.f32 v10, v4;
	v27 =	vmul.f32 $7.915036380e-02, v8  }
0x2bf: {  	p2 =	por !p1, !p1;
	v10 =	vsub.f32 v7, v12;
	v19 =	vmul.f32 v9, v23;
	v9 =	vmul.f32 $1.192092900e-07, v11  }
0x2c0: {  	s0 =	simm.s32 $0x1  }
0x2c1: {  	s0 =	simm.s32 @!p2 $0x0  }
0x2c2: {  	s0 =	sshll.u32 s0, $0x6  }
0x2c3: {  	v12 =	vsub.f32 $3.122142550e-01, v27;
	v14 =	vmul.f32 $7.915036380e-02, v10;
	s0 =	sadd.s32 $0x200, s0  }
0x2c4: {  	v11 =	vsub.f32 v9, v21;
	v17 =	vadd.f32 $-6.695151920e-01, v19;
	s30 =	sor.u32 $0x320, s0  }
0x2c5: {  	v15 =	vmul.f32 v12, v8;
	v14 =	vsub.f32 $3.122142550e-01, v14;
	s26 =	sor.u32 $0x330, s0;
	v13 =	vld [tilespmem:s30+$0x8000]  }
0x2c6: {  	v16 =	vmul.f32 $7.915036380e-02, v11;
	s29 =	sor.u32 $0x300, s0;
	v12 =	vld [tilespmem:s26+$0x8000]  }
0x2c7: {  	v17 =	vmul.f32 v17, v23;
	s28 =	sor.u32 $0x310, s0;
	v18 =	vadd.f32 $-6.695151920e-01, v15;
	v15 =	vld [tilespmem:s29+$0x8000]  }
0x2c8: {  	v19 =	vmul.f32 v14, v10;
	v16 =	vsub.f32 $3.122142550e-01, v16;
	v14 =	vld [tilespmem:s28+$0x8000]  }
0x2c9: {  	v22 =	vadd.f32 $4.360980990e-01, v17;
	v18 =	vmul.f32 v18, v8  }
0x2ca: {  	v16 =	vmul.f32 v16, v11;
	v20 =	vcvt.s32.f32 v13;
	v21 =	vshra.s32 v13, $0x17  }
0x2cb: {  	v19 =	vadd.f32 $-6.695151920e-01, v19;
	v31 =	vmul.f32 v22, v23;
	v17 =	vcvt.s32.f32 v21  }
0x2cc: {  	v16 =	vadd.f32 $-6.695151920e-01, v16;
	v24 =	vmul.f32 $1.192092900e-07, v20;
	v20 =	vcvt.s32.f32 v15  }
0x2cd: {  	v28 =	vcvt.s32.f32 v12;
	v29 =	vcvt.s32.f32 v14;
	v21 =	vshra.s32 v15, $0x17  }
0x2ce: {  	v26 =	vcvt.s32.f32 v21;
	v17 =	vsub.f32 v24, v17;
	v25 =	vmul.f32 $1.192092900e-07, v20  }
0x2cf: {  	p6 =	por $0x1, $0x1;
	v27 =	vshra.s32 v14, $0x17;
	v16 =	vmul.f32 v16, v11;
	v21 =	vshra.s32 v12, $0x17  }
.Ltmp22:
0x2d0: {  	v22 =	vmul.f32 $1.192092900e-07, v29;
	v20 =	vmul.f32 $7.915036380e-02, v17;
	v23 =	vsub.f32 v25, v26;
	(pc) =	sbr.rel @!p6 .LBB2_43-.Ltmp22, $4  }
0x2d1: {  	v29 =	vcvt.s32.f32 v27;
	v21 =	vcvt.s32.f32 v21  }
0x2d2: {  	v26 =	vmul.f32 v19, v10;
	v30 =	vsub.f32 $3.122142550e-01, v20;
	v27 =	vmul.f32 $7.915036380e-02, v23  }
0x2d3: {  	s31 =	simm.s32 $0x80;
	v20 =	vsub.f32 v22, v29;
	v29 =	vadd.f32 $4.360980990e-01, v16;
	v16 =	vmul.f32 $1.192092900e-07, v28  }
0x2d4: {  	p5 =	por !p2, !p2;
	p4 =	por $0x1, $0x1;
	s0 =	simm.s32 $0x200;
	v28 =	vadd.f32 $-1.269997940e+02, v31;
	v19 =	vmul.f32 v30, v17;
	v30 =	vadd.f32 $4.360980990e-01, v18;
	v18 =	vmovc v4  }
.LBB2_44:
0x2d5: {  	s1 =	simm.s32 $0x1  }
0x2d6: {  	p6 =	sne.s32 s31, $0xFC0;
	s31 =	sadd.s32 $0x40, s31;
	v27 =	vsub.f32 $3.122142550e-01, v27;
	v31 =	vmul.f32 $7.915036380e-02, v20;
	v30 =	vmul.f32 v30, v8;
	v8 =	vmovc v23;
	s1 =	simm.s32 @!p5 $0x0  }
0x2d7: {  	s0 =	sadd.s32 $0x200, s0;
	v23 =	vadd.f32 $4.360980990e-01, v26;
	v26 =	vmul.f32 v29, v11;
	v11 =	vsub.f32 v16, v21;
	s1 =	sshll.u32 s1, $0x6  }
0x2d8: {  	v21 =	vmul.f32 v27, v8;
	v27 =	vsub.f32 $3.122142550e-01, v31;
	v29 =	vadd.f32 $-1.269997940e+02, v30;
	s1 =	sadd.s32 s1, s0;
	v30 =	vld [tilespmem:s22+$0x0];
	s22 =	smov.u32 s30  }
0x2d9: {  	v28 =	vadd.f32 v28, v2;
	v2 =	vmovc v24;
	v23 =	vmul.f32 v23, v10;
	v26 =	vadd.f32 $-1.269997940e+02, v26;
	v10 =	vmovc v20;
	s10 =	sor.u32 $0x300, s1;
	s11 =	sor.u32 $0x310, s1;
	s30 =	sor.u32 $0x320, s1;
	v31 =	vld [tilespmem:s25+$0x0]  }
0x2da: {  	v24 =	vmul.f32 $7.915036380e-02, v11;
	s1 =	sor.u32 $0x330, s1;
	v27 =	vmul.f32 v27, v10;
	v29 =	vadd.f32 v29, v6;
	v6 =	vmovc v25;
	s25 =	smov.u32 s29;
	v20 =	vld [tilespmem:s30+$0x8000];
	s29 =	smov.u32 s10  }
0x2db: {  	v19 =	vadd.f32 $-6.695151920e-01, v19;
	v21 =	vadd.f32 $-6.695151920e-01, v21;
	v25 =	vmul.f32 $6.931471820e-01, v28;
	v32 =	vld [tilespmem:s1+$0x8000]  }
0x2dc: {  	v26 =	vadd.f32 v26, v9;
	v9 =	vmovc v16;
	v24 =	vsub.f32 $3.122142550e-01, v24;
	v29 =	vmul.f32 $6.931471820e-01, v29;
	v28 =	vld [tilespmem:s29+$0x8000]  }
0x2dd: {  	v19 =	vmul.f32 v19, v17;
	v23 =	vadd.f32 $-1.269997940e+02, v23;
	v16 =	vld [tilespmem:s11+$0x8000];
	v25 =	vsub.f32 v25, v30  }
0x2de: {  	v30 =	vmul.f32 v21, v8;
	v21 =	vmul.f32 v24, v11;
	v24 =	vsub.f32 v29, v31;
	v29 =	vld [tilespmem:s24+$0x0];
	s24 =	smov.u32 s28;
	s28 =	smov.u32 s11  }
0x2df: {  	v19 =	vadd.f32 $4.360980990e-01, v19;
	v23 =	vadd.f32 v23, v7;
	v7 =	vmovc v22;
	v31 =	vcvt.s32.f32 v20  }
0x2e0: {  	v22 =	vadd.f32 $-6.695151920e-01, v21;
	v34 =	vmul.f32 v25, v1;
	v1 =	vmovc v13;
	v13 =	vmovc v20;
	v33 =	vcvt.s32.f32 v32  }
0x2e1: {  	v23 =	vmul.f32 $6.931471820e-01, v23;
	v20 =	vcvt.s32.f32 v28;
	v21 =	vshra.s32 v28, $0x17  }
0x2e2: {  	v25 =	vmul.f32 v24, v3;
	v3 =	vmovc v15;
	v15 =	vmovc v28;
	v35 =	vcvt.s32.f32 v21;
	v21 =	vshra.s32 v13, $0x17;
	v36 =	vld [tilespmem:s23+$0x0];
	s23 =	smov.u32 s26;
	s26 =	smov.u32 s1  }
0x2e3: {  	v28 =	vshra.s32 v16, $0x17;
	v21 =	vcvt.s32.f32 v21;
	v23 =	vsub.f32 v23, v29  }
0x2e4: {  	v27 =	vadd.f32 $-6.695151920e-01, v27;
	v26 =	vmul.f32 $6.931471820e-01, v26;
	v24 =	vmul.f32 $1.192092900e-07, v31  }
0x2e5: {  	v31 =	vshra.s32 v32, $0x17;
	v29 =	vcvt.s32.f32 v16;
	v23 =	vmul.f32 v23, v5;
	v5 =	vmovc v14;
	v14 =	vmovc v16  }
0x2e6: {  	v18 =	vadd.f32 v25, v18;
	v16 =	vsub.f32 v24, v21;
	v21 =	vcvt.s32.f32 v31  }
0x2e7: {  	v25 =	vmul.f32 $1.192092900e-07, v20;
	v31 =	vmul.f32 v19, v17;
	v19 =	vsub.f32 v26, v36  }
0x2e8: {  	v20 =	vmul.f32 $7.915036380e-02, v16;
	v36 =	vmul.f32 v22, v11;
	v18 =	vadd.f32 v23, v18;
	v17 =	vmovc v16  }
.Ltmp23:
0x2e9: {  	v23 =	vsub.f32 v25, v35;
	v22 =	vmul.f32 $1.192092900e-07, v29;
	v16 =	vcvt.s32.f32 v28;
	(pc) =	sbr.rel @p6 .LBB2_44-.Ltmp23, $4  }
0x2ea: {  	v26 =	vmul.f32 v27, v10;
	v28 =	vsub.f32 $3.122142550e-01, v20;
	v35 =	vmul.f32 v19, v0;
	v0 =	vmovc v12;
	v12 =	vmovc v32  }
0x2eb: {  	v27 =	vmul.f32 $7.915036380e-02, v23;
	v20 =	vsub.f32 v22, v16;
	v18 =	vadd.f32 v34, v18  }
0x2ec: {  	v30 =	vadd.f32 $4.360980990e-01, v30;
	v29 =	vadd.f32 $4.360980990e-01, v36;
	v19 =	vmul.f32 v28, v17  }
0x2ed: {  	p5 =	por !p5, !p5;
	v16 =	vmul.f32 $1.192092900e-07, v33;
	v28 =	vadd.f32 $-1.269997940e+02, v31;
	v18 =	vadd.f32 v35, v18  }
0x2ee: {  	v36 =	vmov v8;
	v37 =	vmov v2  }
0x2ef: {  	s31 =	smov.u32 s22;
	s16 =	smov.u32 s25;
	v38 =	vmovc v6;
	v35 =	vmovc v7;
	v33 =	vmov v1;
	v34 =	vmov v3;
	v32 =	vmov v5  }
0x2f0: {  	s0 =	smov.u32 s24;
	s1 =	smov.u32 s23;
	v31 =	vmovc v0;
	v8 =	vmovc v23;
	s22 =	smov.u32 s30;
	v2 =	vmov v24;
	v6 =	vmov v25;
	v23 =	vmov v17  }
0x2f1: {  	s25 =	smov.u32 s29;
	s24 =	smov.u32 s28;
	v7 =	vmovc v22;
	v1 =	vmovc v13;
	v3 =	vmov v15;
	s23 =	smov.u32 s26;
	v5 =	vmov v14;
	v0 =	vmov v12  }
.LBB2_46:
0x2f2: {  	v12 =	vsub.f32 $3.122142550e-01, v27;
	v13 =	vmul.f32 @p4 v30, v36  }
0x2f3: {  	v14 =	vmul.f32 $7.915036380e-02, v20;
	v15 =	vsub.f32 v16, v21;
	v17 =	vadd.f32 @p4 $4.360980990e-01, v26  }
0x2f4: {  	v11 =	vmul.f32 @p4 v29, v11;
	v19 =	vadd.f32 $-6.695151920e-01, v19;
	v12 =	vmul.f32 v12, v8  }
0x2f5: {  	v21 =	vld @p4 [tilespmem:s31+$0x0];
	v13 =	vadd.f32 @p4 $-1.269997940e+02, v13;
	v14 =	vsub.f32 $3.122142550e-01, v14;
	v10 =	vmul.f32 @p4 v17, v10  }
0x2f6: {  	v17 =	vadd.f32 @p4 v28, v37;
	v11 =	vadd.f32 @p4 $-1.269997940e+02, v11;
	v24 =	vmul.f32 $7.915036380e-02, v15  }
0x2f7: {  	v22 =	vld @p4 [tilespmem:s16+$0x0];
	v13 =	vadd.f32 @p4 v13, v38;
	v14 =	vmul.f32 v14, v20;
	v12 =	vadd.f32 $-6.695151920e-01, v12  }
0x2f8: {  	v17 =	vmul.f32 @p4 $6.931471820e-01, v17;
	v24 =	vsub.f32 $3.122142550e-01, v24;
	v9 =	vadd.f32 @p4 v11, v9  }
0x2f9: {  	v11 =	vmul.f32 v19, v23;
	v10 =	vadd.f32 @p4 $-1.269997940e+02, v10;
	v13 =	vmul.f32 @p4 $6.931471820e-01, v13  }
0x2fa: {  	v17 =	vsub.f32 @p4 v17, v21;
	v19 =	vmul.f32 v24, v15;
	v14 =	vadd.f32 $-6.695151920e-01, v14  }
0x2fb: {  	v21 =	vld @p4 [tilespmem:s0+$0x0];
	v12 =	vmul.f32 v12, v8;
	v10 =	vadd.f32 @p4 v10, v35;
	v11 =	vadd.f32 $4.360980990e-01, v11  }
0x2fc: {  	v9 =	vmul.f32 @p4 $6.931471820e-01, v9;
	v13 =	vsub.f32 @p4 v13, v22;
	v14 =	vmul.f32 v14, v20  }
0x2fd: {  	v19 =	vadd.f32 $-6.695151920e-01, v19;
	v12 =	vadd.f32 $4.360980990e-01, v12;
	v11 =	vmul.f32 v11, v23  }
0x2fe: {  	v10 =	vmul.f32 @p4 $6.931471820e-01, v10;
	v22 =	vld @p4 [tilespmem:s1+$0x0];
	v13 =	vmul.f32 @p4 v13, v34;
	v14 =	vadd.f32 $4.360980990e-01, v14  }
0x2ff: {  	v19 =	vmul.f32 v19, v15;
	v8 =	vmul.f32 v12, v8;
	v11 =	vadd.f32 $-1.269997940e+02, v11  }
0x300: {  	v10 =	vsub.f32 @p4 v10, v21;
	v12 =	vadd.f32 @p4 v13, v18;
	v56 =	vmul.f32 v14, v20  }
0x301: {  	v17 =	vmul.f32 @p4 v17, v33;
	v57 =	vadd.f32 $4.360980990e-01, v19;
	v8 =	vadd.f32 $-1.269997940e+02, v8;
	v18 =	vld [tilespmem:s22+$0x0]  }
0x302: {  	v19 =	vld [tilespmem:s25+$0x0];
	v2 =	vadd.f32 v11, v2;
	v10 =	vmul.f32 @p4 v10, v32;
	v11 =	vadd.f32 $-1.269997940e+02, v56  }
0x303: {  	v9 =	vsub.f32 @p4 v9, v22;
	v58 =	vmul.f32 v57, v15;
	v6 =	vadd.f32 v8, v6;
	v8 =	vld [tilespmem:s24+$0x0]  }
0x304: {  	s22 =	sor.u32 $0x3A0, s21;
	v59 =	vmul.f32 $6.931471820e-01, v2;
	v10 =	vadd.f32 @p4 v10, v12;
	v7 =	vadd.f32 v11, v7  }
0x305: {  	v2 =	vld [tilespmem:s22+$0x8000];
	v9 =	vmul.f32 @p4 v9, v31;
	v11 =	vadd.f32 $-1.269997940e+02, v58;
	v6 =	vmul.f32 $6.931471820e-01, v6  }
0x306: {  	v60 =	vld [tilespmem:s23+$0x0];
	v10 =	vadd.f32 @p4 v17, v10;
	v12 =	vsub.f32 v59, v18;
	v7 =	vmul.f32 $6.931471820e-01, v7  }
0x307: {  	s24 =	sor.u32 $0x380, s21;
	v11 =	vadd.f32 v11, v16;
	v61 =	vsub.f32 v6, v19  }
0x308: {  	s23 =	sor.u32 $0x3B0, s21;
	v6 =	vld [tilespmem:s24+$0x8000];
	v9 =	vadd.f32 @p4 v9, v10;
	v10 =	vmul.f32 v12, v1;
	v7 =	vsub.f32 v7, v8  }
0x309: {  	v1 =	vld [tilespmem:s23+$0x8000];
	v3 =	vmul.f32 v61, v3;
	v8 =	vmul.f32 $6.931471820e-01, v11  }
0x30a: {  	s21 =	sor.u32 $0x390, s21;
	v4 =	vpsel p4, v9, v4;
	v5 =	vmul.f32 v7, v5;
	v7 =	vcvt.s32.f32 v2  }
0x30b: {  	v9 =	vadd.f32 v3, v4;
	v8 =	vsub.f32 v8, v60;
	v3 =	vld [tilespmem:s21+$0x8000];
	v4 =	vshra.s32 v2, $0x17  }
0x30c: {  	v11 =	vcvt.s32.f32 v4;
	v4 =	vmul.f32 $1.192092900e-07, v7  }
0x30d: {  	v7 =	vadd.f32 v5, v9;
	v0 =	vmul.f32 v8, v0;
	v5 =	vcvt.s32.f32 v6  }
0x30e: {  	v9 =	vcvt.s32.f32 v1;
	v8 =	vshra.s32 v6, $0x17;
	v22 =	vsub.f32 v4, v11  }
0x30f: {  	v8 =	vcvt.s32.f32 v8;
	v5 =	vmul.f32 $1.192092900e-07, v5  }
.Ltmp24:
0x310: {  	v10 =	vadd.f32 v10, v7;
	v7 =	vcvt.s32.f32 v3;
	v11 =	vmul.f32 $7.915036380e-02, v22;
	(pc) =	sbr.rel @!p3 .LBB2_47-.Ltmp24, $4  }
0x311: {  	v63 =	vshra.s32 v1, $0x17;
	v62 =	vshra.s32 v3, $0x17;
	v8 =	vsub.f32 v5, v8  }
0x312: {  	v12 =	vcvt.s32.f32 v62;
	v7 =	vmul.f32 $1.192092900e-07, v7;
	v11 =	vsub.f32 $3.122142550e-01, v11  }
0x313: {  	v21 =	vcvt.s32.f32 v63;
	v9 =	vmul.f32 $1.192092900e-07, v9;
	v0 =	vadd.f32 v0, v10  }
0x314: {  	v27 =	vmul.f32 $7.915036380e-02, v8;
	v10 =	vsub.f32 v7, v12;
	v19 =	vmul.f32 v11, v22  }
0x315: {  	s0 =	simm.s32 $0x1  }
0x316: {  	s0 =	simm.s32 @!p2 $0x0  }
0x317: {  	s0 =	sshll.u32 s0, $0x6  }
0x318: {  	v11 =	vsub.f32 v9, v21;
	v12 =	vsub.f32 $3.122142550e-01, v27;
	s0 =	sadd.s32 $0x200, s0  }
0x319: {  	v14 =	vmul.f32 $7.915036380e-02, v10;
	v17 =	vadd.f32 $-6.695151920e-01, v19;
	s29 =	sor.u32 $0x3A0, s0  }
0x31a: {  	v16 =	vmul.f32 $7.915036380e-02, v11;
	v15 =	vmul.f32 v12, v8;
	s25 =	sor.u32 $0x3B0, s0;
	v13 =	vld [tilespmem:s29+$0x8000]  }
0x31b: {  	v14 =	vsub.f32 $3.122142550e-01, v14;
	s28 =	sor.u32 $0x380, s0;
	s26 =	sor.u32 $0x390, s0;
	v12 =	vld [tilespmem:s25+$0x8000]  }
0x31c: {  	v17 =	vmul.f32 v17, v22;
	v16 =	vsub.f32 $3.122142550e-01, v16;
	v18 =	vadd.f32 $-6.695151920e-01, v15;
	v15 =	vld [tilespmem:s28+$0x8000]  }
0x31d: {  	v19 =	vmul.f32 v14, v10;
	v14 =	vld [tilespmem:s26+$0x8000]  }
0x31e: {  	v23 =	vadd.f32 $4.360980990e-01, v17;
	v16 =	vmul.f32 v16, v11  }
0x31f: {  	v18 =	vmul.f32 v18, v8;
	v20 =	vcvt.s32.f32 v13;
	v21 =	vshra.s32 v13, $0x17  }
0x320: {  	v19 =	vadd.f32 $-6.695151920e-01, v19;
	v31 =	vmul.f32 v23, v22;
	v17 =	vcvt.s32.f32 v21  }
0x321: {  	v16 =	vadd.f32 $-6.695151920e-01, v16;
	v24 =	vmul.f32 $1.192092900e-07, v20;
	v20 =	vcvt.s32.f32 v15  }
0x322: {  	v28 =	vcvt.s32.f32 v12;
	v29 =	vcvt.s32.f32 v14;
	v21 =	vshra.s32 v15, $0x17  }
0x323: {  	v26 =	vcvt.s32.f32 v21;
	v17 =	vsub.f32 v24, v17;
	v25 =	vmul.f32 $1.192092900e-07, v20  }
0x324: {  	p3 =	por $0x1, $0x1;
	v27 =	vshra.s32 v14, $0x17;
	v16 =	vmul.f32 v16, v11;
	v21 =	vshra.s32 v12, $0x17  }
.Ltmp25:
0x325: {  	v23 =	vmul.f32 $1.192092900e-07, v29;
	v20 =	vmul.f32 $7.915036380e-02, v17;
	v22 =	vsub.f32 v25, v26;
	(pc) =	sbr.rel @!p3 .LBB2_49-.Ltmp25, $4  }
0x326: {  	v29 =	vcvt.s32.f32 v27;
	v21 =	vcvt.s32.f32 v21  }
0x327: {  	v26 =	vmul.f32 v19, v10;
	v30 =	vsub.f32 $3.122142550e-01, v20;
	v27 =	vmul.f32 $7.915036380e-02, v22  }
0x328: {  	s30 =	simm.s32 $0x80;
	v20 =	vsub.f32 v23, v29;
	v29 =	vadd.f32 $4.360980990e-01, v16;
	v16 =	vmul.f32 $1.192092900e-07, v28  }
0x329: {  	p1 =	por $0x1, $0x1;
	p2 =	por !p2, !p2;
	s0 =	simm.s32 $0x200;
	v28 =	vadd.f32 $-1.269997940e+02, v31;
	v19 =	vmul.f32 v30, v17;
	v30 =	vadd.f32 $4.360980990e-01, v18;
	v18 =	vmovc v0  }
.LBB2_50:
0x32a: {  	s1 =	simm.s32 $0x1  }
0x32b: {  	p3 =	sne.s32 s30, $0xFC0;
	s30 =	sadd.s32 $0x40, s30;
	v27 =	vsub.f32 $3.122142550e-01, v27;
	v31 =	vmul.f32 $7.915036380e-02, v20;
	v30 =	vmul.f32 v30, v8;
	v8 =	vmovc v22;
	s1 =	simm.s32 @!p2 $0x0  }
0x32c: {  	s0 =	sadd.s32 $0x200, s0;
	v22 =	vadd.f32 $4.360980990e-01, v26;
	v26 =	vmul.f32 v29, v11;
	v11 =	vsub.f32 v16, v21;
	s1 =	sshll.u32 s1, $0x6  }
0x32d: {  	v21 =	vmul.f32 v27, v8;
	v27 =	vsub.f32 $3.122142550e-01, v31;
	v29 =	vadd.f32 $-1.269997940e+02, v30;
	s1 =	sadd.s32 s1, s0;
	v30 =	vld [tilespmem:s22+$0x0];
	s22 =	smov.u32 s29  }
0x32e: {  	v28 =	vadd.f32 v28, v4;
	v4 =	vmovc v24;
	v22 =	vmul.f32 v22, v10;
	v26 =	vadd.f32 $-1.269997940e+02, v26;
	v10 =	vmovc v20;
	s10 =	sor.u32 $0x380, s1;
	s11 =	sor.u32 $0x390, s1;
	s29 =	sor.u32 $0x3A0, s1;
	v31 =	vld [tilespmem:s24+$0x0]  }
0x32f: {  	v24 =	vmul.f32 $7.915036380e-02, v11;
	s1 =	sor.u32 $0x3B0, s1;
	v27 =	vmul.f32 v27, v10;
	v29 =	vadd.f32 v29, v5;
	v5 =	vmovc v25;
	s24 =	smov.u32 s28;
	v20 =	vld [tilespmem:s29+$0x8000];
	s28 =	smov.u32 s10  }
0x330: {  	v19 =	vadd.f32 $-6.695151920e-01, v19;
	v21 =	vadd.f32 $-6.695151920e-01, v21;
	v25 =	vmul.f32 $6.931471820e-01, v28;
	v32 =	vld [tilespmem:s1+$0x8000]  }
0x331: {  	v26 =	vadd.f32 v26, v9;
	v9 =	vmovc v16;
	v24 =	vsub.f32 $3.122142550e-01, v24;
	v29 =	vmul.f32 $6.931471820e-01, v29;
	v28 =	vld [tilespmem:s28+$0x8000]  }
0x332: {  	v19 =	vmul.f32 v19, v17;
	v22 =	vadd.f32 $-1.269997940e+02, v22;
	v16 =	vld [tilespmem:s11+$0x8000];
	v25 =	vsub.f32 v25, v30  }
0x333: {  	v30 =	vmul.f32 v21, v8;
	v21 =	vmul.f32 v24, v11;
	v24 =	vsub.f32 v29, v31;
	v29 =	vld [tilespmem:s21+$0x0];
	s21 =	smov.u32 s26;
	s26 =	smov.u32 s11  }
0x334: {  	v19 =	vadd.f32 $4.360980990e-01, v19;
	v22 =	vadd.f32 v22, v7;
	v7 =	vmovc v23;
	v31 =	vcvt.s32.f32 v20  }
0x335: {  	v23 =	vadd.f32 $-6.695151920e-01, v21;
	v34 =	vmul.f32 v25, v2;
	v2 =	vmovc v13;
	v13 =	vmovc v20;
	v33 =	vcvt.s32.f32 v32  }
0x336: {  	v22 =	vmul.f32 $6.931471820e-01, v22;
	v20 =	vcvt.s32.f32 v28;
	v21 =	vshra.s32 v28, $0x17  }
0x337: {  	v25 =	vmul.f32 v24, v6;
	v6 =	vmovc v15;
	v15 =	vmovc v28;
	v35 =	vcvt.s32.f32 v21;
	v21 =	vshra.s32 v13, $0x17;
	v36 =	vld [tilespmem:s23+$0x0];
	s23 =	smov.u32 s25;
	s25 =	smov.u32 s1  }
0x338: {  	v28 =	vshra.s32 v16, $0x17;
	v21 =	vcvt.s32.f32 v21;
	v22 =	vsub.f32 v22, v29  }
0x339: {  	v27 =	vadd.f32 $-6.695151920e-01, v27;
	v26 =	vmul.f32 $6.931471820e-01, v26;
	v24 =	vmul.f32 $1.192092900e-07, v31  }
0x33a: {  	v31 =	vshra.s32 v32, $0x17;
	v29 =	vcvt.s32.f32 v16;
	v22 =	vmul.f32 v22, v3;
	v3 =	vmovc v14;
	v14 =	vmovc v16  }
0x33b: {  	v18 =	vadd.f32 v25, v18;
	v16 =	vsub.f32 v24, v21;
	v21 =	vcvt.s32.f32 v31  }
0x33c: {  	v25 =	vmul.f32 $1.192092900e-07, v20;
	v31 =	vmul.f32 v19, v17;
	v19 =	vsub.f32 v26, v36  }
0x33d: {  	v20 =	vmul.f32 $7.915036380e-02, v16;
	v36 =	vmul.f32 v23, v11;
	v18 =	vadd.f32 v22, v18;
	v17 =	vmovc v16  }
.Ltmp26:
0x33e: {  	v22 =	vsub.f32 v25, v35;
	v23 =	vmul.f32 $1.192092900e-07, v29;
	v16 =	vcvt.s32.f32 v28;
	(pc) =	sbr.rel @p3 .LBB2_50-.Ltmp26, $4  }
0x33f: {  	v26 =	vmul.f32 v27, v10;
	v28 =	vsub.f32 $3.122142550e-01, v20;
	v35 =	vmul.f32 v19, v1;
	v1 =	vmovc v12;
	v12 =	vmovc v32  }
0x340: {  	v27 =	vmul.f32 $7.915036380e-02, v22;
	v20 =	vsub.f32 v23, v16;
	v18 =	vadd.f32 v34, v18  }
0x341: {  	v30 =	vadd.f32 $4.360980990e-01, v30;
	v29 =	vadd.f32 $4.360980990e-01, v36;
	v19 =	vmul.f32 v28, v17  }
0x342: {  	p2 =	por !p2, !p2;
	v16 =	vmul.f32 $1.192092900e-07, v33;
	v28 =	vadd.f32 $-1.269997940e+02, v31;
	v18 =	vadd.f32 v35, v18  }
0x343: {  	v35 =	vmov v8;
	v37 =	vmov v4  }
0x344: {  	s0 =	smov.u32 s22;
	s1 =	smov.u32 s24;
	v38 =	vmovc v5;
	v36 =	vmovc v7;
	v31 =	vmov v2;
	v33 =	vmov v6;
	v34 =	vmov v3  }
0x345: {  	s16 =	smov.u32 s21;
	s30 =	smov.u32 s23;
	v32 =	vmovc v1;
	v8 =	vmovc v22;
	s22 =	smov.u32 s29;
	v4 =	vmov v24;
	v5 =	vmov v25;
	v22 =	vmov v17  }
0x346: {  	s24 =	smov.u32 s28;
	s21 =	smov.u32 s26;
	v7 =	vmovc v23;
	v2 =	vmovc v13;
	v6 =	vmov v15;
	s23 =	smov.u32 s25;
	v3 =	vmov v14;
	v1 =	vmov v12  }
.LBB2_52:
0x347: {  	v12 =	vsub.f32 $3.122142550e-01, v27;
	v13 =	vmul.f32 @p1 v30, v35  }
0x348: {  	v14 =	vmul.f32 $7.915036380e-02, v20;
	v15 =	vsub.f32 v16, v21;
	v17 =	vadd.f32 @p1 $4.360980990e-01, v26  }
0x349: {  	v11 =	vmul.f32 @p1 v29, v11;
	v19 =	vadd.f32 $-6.695151920e-01, v19;
	v12 =	vmul.f32 v12, v8  }
0x34a: {  	v13 =	vadd.f32 @p1 $-1.269997940e+02, v13;
	v14 =	vsub.f32 $3.122142550e-01, v14;
	v10 =	vmul.f32 @p1 v17, v10  }
0x34b: {  	v24 =	vld @p1 [tilespmem:s0+$0x0];
	v17 =	vadd.f32 @p1 v28, v37;
	v11 =	vadd.f32 @p1 $-1.269997940e+02, v11;
	v23 =	vmul.f32 $7.915036380e-02, v15  }
0x34c: {  	v53 =	vmul.f32 v19, v22;
	v13 =	vadd.f32 @p1 v13, v38;
	v12 =	vadd.f32 $-6.695151920e-01, v12  }
0x34d: {  	v21 =	vld @p1 [tilespmem:s1+$0x0];
	v14 =	vmul.f32 v14, v20;
	v10 =	vadd.f32 @p1 $-1.269997940e+02, v10;
	v23 =	vsub.f32 $3.122142550e-01, v23  }
0x34e: {  	v17 =	vmul.f32 @p1 $6.931471820e-01, v17;
	v9 =	vadd.f32 @p1 v11, v9;
	v11 =	vadd.f32 $4.360980990e-01, v53  }
0x34f: {  	v25 =	vld @p1 [tilespmem:s16+$0x0];
	v13 =	vmul.f32 @p1 $6.931471820e-01, v13;
	v12 =	vmul.f32 v12, v8;
	v14 =	vadd.f32 $-6.695151920e-01, v14  }
0x350: {  	v10 =	vadd.f32 @p1 v10, v36;
	v19 =	vmul.f32 v23, v15;
	v17 =	vsub.f32 @p1 v17, v24  }
0x351: {  	v9 =	vmul.f32 @p1 $6.931471820e-01, v9;
	v14 =	vmul.f32 v14, v20;
	v12 =	vadd.f32 $4.360980990e-01, v12  }
0x352: {  	v13 =	vsub.f32 @p1 v13, v21;
	v10 =	vmul.f32 @p1 $6.931471820e-01, v10;
	v19 =	vadd.f32 $-6.695151920e-01, v19  }
0x353: {  	v11 =	vmul.f32 v11, v22;
	v21 =	vld @p1 [tilespmem:s30+$0x0];
	v54 =	vmul.f32 v12, v8;
	v55 =	vadd.f32 $4.360980990e-01, v14  }
0x354: {  	v13 =	vmul.f32 @p1 v13, v33;
	v10 =	vsub.f32 @p1 v10, v25;
	v56 =	vmul.f32 v19, v15  }
0x355: {  	v11 =	vadd.f32 $-1.269997940e+02, v11;
	v8 =	vadd.f32 $-1.269997940e+02, v54;
	v12 =	vmul.f32 v55, v20  }
0x356: {  	v10 =	vmul.f32 @p1 v10, v34;
	v13 =	vadd.f32 @p1 v13, v18;
	v14 =	vadd.f32 $4.360980990e-01, v56;
	v18 =	vld [tilespmem:s24+$0x0]  }
0x357: {  	v5 =	vadd.f32 v8, v5;
	v57 =	vadd.f32 $-1.269997940e+02, v12  }
0x358: {  	v58 =	vld [tilespmem:s21+$0x0];
	v9 =	vsub.f32 @p1 v9, v21;
	v12 =	vmul.f32 @p1 v17, v31;
	v10 =	vadd.f32 @p1 v10, v13  }
0x359: {  	v14 =	vmul.f32 v14, v15;
	v15 =	vld [tilespmem:s22+$0x0];
	v5 =	vmul.f32 $6.931471820e-01, v5;
	v7 =	vadd.f32 v57, v7  }
0x35a: {  	v4 =	vadd.f32 v11, v4;
	v8 =	vmul.f32 @p1 v9, v32;
	v9 =	vadd.f32 @p1 v12, v10  }
0x35b: {  	v59 =	vadd.f32 $-1.269997940e+02, v14;
	v5 =	vsub.f32 v5, v18;
	v7 =	vmul.f32 $6.931471820e-01, v7  }
0x35c: {  	v60 =	vld [tilespmem:s23+$0x0];
	v4 =	vmul.f32 $6.931471820e-01, v4;
	v8 =	vadd.f32 @p1 v8, v9  }
0x35d: {  	v10 =	vadd.f32 v59, v16;
	v5 =	vmul.f32 v5, v6;
	v61 =	vsub.f32 v7, v58  }
0x35e: {  	v4 =	vsub.f32 v4, v15;
	v0 =	vpsel p1, v8, v0  }
0x35f: {  	v62 =	vmul.f32 $6.931471820e-01, v10;
	v3 =	vmul.f32 v61, v3;
	v0 =	vadd.f32 v5, v0;
	_ =	sdelay $0x1  }
0x360: {  	v2 =	vmul.f32 v4, v2;
	v63 =	vsub.f32 v62, v60;
	v0 =	vadd.f32 v3, v0  }
.Ltmp27:
0x361: {  	_ = 	snop;
	(pc) =	sbr.rel @p0 .LBB2_58-.Ltmp27, $2  }
0x362: {  	v1 =	vmul.f32 v63, v1;
	v0 =	vadd.f32 v2, v0;
	_ =	sdelay $0x1  }
0x363: {  	v17 =	vadd.f32 v1, v0;
	_ =	sdelay $0x1  }
0x364: {  	s0 =	sadd.s32 s20, s9  }
0x365: {  	s0 =	sor.u32 $0x40, s0  }
0x366: {  	s16 =	simm.s32 $0x200;
	s1 =	sadd.s32 s2, s0  }
0x367: {  	s20 =	simm.s32 $0x80;
	s21 =	simm.s32 $0x600;
	s22 =	sadd.s32 $0x0, s1  }
.LBB2_54:
0x368: {  	[tilespmem:s16], [sflag:$0x2] =	stream.linear.gather [hbm4b:s22+s4], $0x200, $0x38;
	[tilespmem:$0x10080] =	vst v63  }
0x369: {  	s10 =	smov.u32 s20;
	s16 =	smov.u32 s21;
	p0 =	sne.s32 s20, $0xF80  }
.Ltmp28:
0x36a: {  	s20 =	sadd.s32 $0x80, s20;
	(pc) =	sbr.rel @p0 .LBB2_54-.Ltmp28, $2  }
0x36b: {  	_ =	sdelay $0x2  }
0x36c: {  	s21 =	sadd.s32 $0x400, s21;
	s22 =	sadd.s32 s10, s1  }
0x36d: {  	[tilespmem:s16], [sflag:$0x2] =	stream.linear.gather [hbm4b:s22+s4], $0x200, $0x38;
	[tilespmem:$0x10080] =	vst v63  }
0x36e: {  	s0 =	sadd.s32 s3, s0;
	s1 =	simm.s32 $0x8200  }
0x36f: {  	s16 =	simm.s32 $0x80;
	s20 =	simm.s32 $0x8600;
	s21 =	sadd.s32 $0x0, s0  }
.LBB2_56:
0x370: {  	[tilespmem:s1], [sflag:$0x4] =	stream.linear.gather [hbm4b:s21+s4], $0x200, $0x38;
	[tilespmem:$0x10080] =	vst v63  }
0x371: {  	s10 =	smov.u32 s16;
	s1 =	smov.u32 s20;
	p0 =	sne.s32 s16, $0xF80  }
.Ltmp29:
0x372: {  	s16 =	sadd.s32 $0x80, s16;
	(pc) =	sbr.rel @p0 .LBB2_56-.Ltmp29, $2  }
0x373: {  	_ =	sdelay $0x2  }
0x374: {  	s20 =	sadd.s32 $0x400, s20;
	s21 =	sadd.s32 s10, s0  }
.Ltmp30:
0x375: {  	(pc) =	sbr.rel .LBB2_10-.Ltmp30, $3  }
0x376: {  	_ =	sdelay $0x1  }
0x377: {  	[tilespmem:s1], [sflag:$0x4] =	stream.linear.gather [hbm4b:s21+s4], $0x200, $0x38;
	[tilespmem:$0x10080] =	vst v63  }
0x378: {  	s19 =	sadd.s32 $0x1, s19  }
.LBB2_15:
.Ltmp31:
0x379: {  	(pc) =	sbr.rel .LBB2_22-.Ltmp31, $2  }
0x37a: {  	_ =	sdelay $0x2  }
0x37b: {  	s23 =	smov.u32 s20;
	p3 =	por $0x0, $0x0  }
.LBB2_23:
.Ltmp32:
0x37c: {  	(pc) =	sbr.rel .LBB2_30-.Ltmp32, $2  }
0x37d: {  	_ =	sdelay $0x2  }
0x37e: {  	p1 =	por $0x0, $0x0  }
.LBB2_41:
.Ltmp33:
0x37f: {  	(pc) =	sbr.rel .LBB2_46-.Ltmp33, $2  }
0x380: {  	_ =	sdelay $0x2  }
0x381: {  	v18 =	vmov v4;
	p4 =	por $0x0, $0x0;
	v20 =	vmov v10;
	v16 =	vmov v9  }
.LBB2_47:
.Ltmp34:
0x382: {  	(pc) =	sbr.rel .LBB2_52-.Ltmp34, $2  }
0x383: {  	_ =	sdelay $0x2  }
0x384: {  	v16 =	vmov v9;
	v18 =	vmov v0;
	v20 =	vmov v10  }
.LBB2_17:
.Ltmp35:
0x385: {  	v41 =	vmov v5;
	v42 =	vmov v12;
	(pc) =	sbr.rel .LBB2_22-.Ltmp35, $4  }
0x386: {  	v39 =	vmovc v7;
	v37 =	vmovc v0;
	v43 =	vmov v4;
	v28 =	vmov v3;
	v46 =	vmov v6  }
0x387: {  	v27 =	vmovc v2;
	v44 =	vmovc v14;
	v25 =	vmov v13;
	v5 =	vmov v21;
	v12 =	vmov v22  }
0x388: {  	v8 =	vmovc v36;
	v0 =	vmovc v15;
	v3 =	vmov v16;
	v4 =	vmov v18;
	v7 =	vmov v20  }
0x389: {  	s0 =	smov.u32 s20;
	v6 =	vmovc v19;
	v2 =	vmovc v17;
	v14 =	vmov v11;
	v13 =	vmov v10;
	p3 =	por $0x0, $0x0;
	v26 =	vmov v40  }
.LBB2_25:
.Ltmp36:
0x38a: {  	v41 =	vmov v6;
	v42 =	vmov v12;
	(pc) =	sbr.rel .LBB2_30-.Ltmp36, $4  }
0x38b: {  	v39 =	vmovc v7;
	v37 =	vmovc v2;
	v43 =	vmov v4;
	v28 =	vmov v1;
	v46 =	vmov v5  }
0x38c: {  	v27 =	vmovc v3;
	v44 =	vmovc v17;
	v25 =	vmov v15;
	v6 =	vmov v21;
	v12 =	vmov v22  }
0x38d: {  	v9 =	vmovc v36;
	v2 =	vmovc v13;
	v1 =	vmov v14;
	v4 =	vmov v19;
	v7 =	vmov v20  }
0x38e: {  	s0 =	smov.u32 s20;
	v5 =	vmovc v18;
	v3 =	vmovc v16;
	v17 =	vmov v11;
	v15 =	vmov v10;
	s20 =	smov.u32 s21;
	v26 =	vmov v40  }
.LBB2_43:
.Ltmp37:
0x38f: {  	(pc) =	sbr.rel .LBB2_46-.Ltmp37, $4  }
0x390: {  	v36 =	vmov v8;
	v37 =	vmov v2;
	v38 =	vmov v6  }
0x391: {  	s31 =	smov.u32 s22;
	s16 =	smov.u32 s25;
	v35 =	vmovc v7;
	v33 =	vmovc v1;
	v34 =	vmov v3;
	v32 =	vmov v5;
	v31 =	vmov v0  }
0x392: {  	s0 =	smov.u32 s24;
	s1 =	smov.u32 s23;
	v8 =	vmovc v23;
	s22 =	smov.u32 s30;
	v2 =	vmovc v24;
	v6 =	vmov v25;
	v23 =	vmov v17;
	v7 =	vmov v22  }
0x393: {  	s25 =	smov.u32 s29;
	s24 =	smov.u32 s28;
	v1 =	vmovc v13;
	v3 =	vmovc v15;
	s23 =	smov.u32 s26;
	v5 =	vmov v14;
	v18 =	vmov v4;
	v0 =	vmov v12  }
.LBB2_49:
.Ltmp38:
0x394: {  	(pc) =	sbr.rel .LBB2_52-.Ltmp38, $4  }
0x395: {  	v35 =	vmov v8;
	v37 =	vmov v4;
	v38 =	vmov v5  }
0x396: {  	s0 =	smov.u32 s22;
	s1 =	smov.u32 s24;
	v36 =	vmovc v7;
	v31 =	vmovc v2;
	v33 =	vmov v6;
	v34 =	vmov v3;
	v32 =	vmov v1  }
0x397: {  	s16 =	smov.u32 s21;
	s30 =	smov.u32 s23;
	v8 =	vmovc v22;
	s22 =	smov.u32 s29;
	v4 =	vmovc v24;
	v5 =	vmov v25;
	v22 =	vmov v17;
	v7 =	vmov v23  }
0x398: {  	s24 =	smov.u32 s28;
	s21 =	smov.u32 s26;
	v2 =	vmovc v13;
	v6 =	vmovc v15;
	s23 =	smov.u32 s25;
	v3 =	vmov v14;
	v18 =	vmov v0;
	v1 =	vmov v12  }
.LBB2_19:
.Ltmp39:
0x399: {  	(pc) =	sbr.rel .LBB2_22-.Ltmp39, $4  }
0x39a: {  	v40 =	vmov v0  }
0x39b: {  	v45 =	vmovc v3;
	v41 =	vmovc v21;
	v42 =	vmov v22;
	v39 =	vmov v20;
	v37 =	vmov v15  }
0x39c: {  	v0 =	vmovc v28;
	v43 =	vmovc v18;
	v28 =	vmov v16;
	v3 =	vmov v27;
	v46 =	vmov v19  }
0x39d: {  	s0 =	smov.u32 s23;
	v27 =	vmovc v17;
	v44 =	vmovc v11;
	v14 =	vmov v25;
	v25 =	vmov v10;
	v13 =	vmov v23;
	s23 =	smov.u32 s24  }
.LBB2_27:
.Ltmp40:
0x39e: {  	(pc) =	sbr.rel .LBB2_30-.Ltmp40, $4  }
0x39f: {  	v40 =	vmov v2  }
0x3a0: {  	v45 =	vmovc v1;
	v41 =	vmovc v21;
	v42 =	vmov v22;
	v39 =	vmov v20;
	v37 =	vmov v13  }
0x3a1: {  	v2 =	vmovc v28;
	v43 =	vmovc v19;
	v28 =	vmov v14;
	v1 =	vmov v27;
	v46 =	vmov v18  }
0x3a2: {  	s0 =	smov.u32 s21;
	v27 =	vmovc v16;
	v44 =	vmovc v11;
	v17 =	vmov v25;
	v25 =	vmov v10;
	v15 =	vmov v23;
	s20 =	smov.u32 s22  }
.LBB2_59:
0x3a3: {  	_ =	sfence.sel $0x180000  }
0x3a4: {  	[bflag:$0x0] =	sbarrier.arrive $0xFFFF  }
0x3a5: {  	_ =	strace $0x90000047  }
0x3a6: {  	s0 =	stileid.u32;
	[bflag:$0x2] =	sbarrier.arrive $0xFFFF  }
0x3a7: {  	p0 =	sne.s32 s0, $0x0;
	s0 =	rddreg [dreg:$0x3]  }
0x3a8: {  	s0 =	sadd.s32 @!p0 $0x100000, s0  }
0x3a9: {  	[sflag:s0] =	ssyncadd.tile.s32 @!p0 $0x1;
	_ =	shalt  }
.Lfunc_end2:
_tile_overlayer_lowered:
.L_overlay_start_2:
0x3aa: {  	(tag) =	ssettag $0x2  }
0x3ab: {  	s0 =	rddreg [dreg:$0x0];
	s2 =	stileid.u32  }
0x3ac: {  	s1 =	rddreg [dreg:$0x1];
	p0 =	sne.s32 s2, $0x0  }
0x3ad: {  	s3 =	rddreg [dreg:$0x2];
	[bflag:$0x3] =	sbarrier.arrive $0xFFFF;
	s2 =	simm.s32 @!p0 $0x1C05  }
0x3ae: {  	[timem:s3], [sflag:s2] =	dma.local @!p0 [hbm:s0], s1  }
0x3af: {  	s0 =	simm.s32 @!p0 $0x5  }
0x3b0: {  	_ =	swait.ge @!p0 [sflag:s0], s1  }
0x3b1: {  	s1 =	ssub.s32 @!p0 $0x0, s1;
	[sflag:s0] =	ssyncset.done @!p0 $0x0  }
0x3b2: {  	[sflag:s0] =	ssyncadd.s32 @!p0 s1  }
0x3b3: {  	[bflag:$0x3] =	sbarrier.arrive $0xFFFF  }
0x3b4: {  	_ =	shalt  }

</sc_bundles>
